<compile_context>
chip_gen: v7x
topology: tpu7x:2x2x1
jax: 0.10.2.dev20260603
libtpu: 0.0.44.dev20260713+nightly
codegen_flags: <defaults>
</compile_context>

<pallas_src>
import functools

import jax
import jax.numpy as jnp
from jax import lax
from jax.experimental import pallas as pl
from jax.experimental.pallas import tpu as pltpu
from jax.experimental.pallas import tpu_sc as plsc

PUSH_MARGIN = 1.0
NUM_CLASSES = 8
B, N, C, H, W = 4, 4096, 32, 512, 512
PTS = B * N
NC, NS, L = 2, 16, 16
NW = NC * NS
PER_W = PTS // NW
CHW = 128
NCH = PER_W // CHW


@functools.cache
def _gather_labels_kernel():
    mesh = plsc.VectorSubcoreMesh(
        core_axis_name="c", subcore_axis_name="s", num_cores=NC, num_subcores=NS
    )

    @functools.partial(
        pl.kernel,
        out_type=jax.ShapeDtypeStruct((B, N), jnp.int32),
        mesh=mesh,
        scratch_types=[
            pltpu.VMEM((PER_W,), jnp.int32),
            pltpu.VMEM((PER_W,), jnp.int32),
            pltpu.VMEM((NCH, CHW), jnp.int32),
            pltpu.VMEM((PER_W,), jnp.int32),
            pltpu.VMEM((PER_W,), jnp.int32),
            pltpu.VMEM((PER_W,), jnp.int32),
            pltpu.SemaphoreType.DMA,
        ],
    )
    def _gather_labels(coords_hbm, yw_hbm, out_hbm, cy_v, cx_v, idx_v, sh_v, w_v, lab_v, sem):
        wid = lax.axis_index("s") * NC + lax.axis_index("c")
        base = wid * PER_W
        boff = (base // N) * (H * W)
        cpy = pltpu.async_copy(coords_hbm.at[pl.ds(base, PER_W)], cy_v, sem)
        cpx = pltpu.async_copy(coords_hbm.at[pl.ds(PTS + base, PER_W)], cx_v, sem)
        cpy.wait()
        cpx.wait()
        for j in range(NCH):
            for t in range(CHW // L):
                s = pl.ds(j * CHW + t * L, L)
                flat = cx_v[s] * W + cy_v[s] + boff
                idx_v[j, pl.ds(t * L, L)] = lax.shift_right_logical(flat, 2)
                sh_v[s] = lax.shift_left(flat & 3, 3)
        copies = [
            pltpu.async_copy(yw_hbm.at[idx_v.at[j]], w_v.at[pl.ds(j * CHW, CHW)], sem)
            for j in range(NCH)
        ]
        for cp in copies:
            cp.wait()
        for t in range(PER_W // L):
            s = pl.ds(t * L, L)
            lab_v[s] = lax.shift_right_logical(w_v[s], sh_v[s]) & 0xFF
        pltpu.sync_copy(lab_v, out_hbm.at[base // N, pl.ds(base % N, PER_W)])

    return _gather_labels


def _loss_kernel(embt_ref, lab_ref, out_ref):
    dn_ss = (((1,), (1,)), ((), ()))
    dn_mm = (((1,), (0,)), ((), ()))
    prec = lax.Precision.DEFAULT
    cls_col = lax.broadcasted_iota(jnp.int32, (NUM_CLASSES, 1), 0)
    fg_col = (cls_col >= 1).astype(jnp.float32)
    rr = lax.broadcasted_iota(jnp.int32, (NUM_CLASSES, NUM_CLASSES), 0)
    cc = lax.broadcasted_iota(jnp.int32, (NUM_CLASSES, NUM_CLASSES), 1)
    upper = ((cc > rr) & (rr >= 1)).astype(jnp.float32)

    total = jnp.float32(0.0)
    for b in range(B):
        embt = embt_ref[b].astype(jnp.float32)
        lab = lab_ref[b].reshape(1, N)
        oh = (lab == cls_col).astype(jnp.float32)
        counts_col = jnp.sum(oh, axis=1, keepdims=True)
        safe_col = jnp.maximum(counts_col, 1.0)
        safe_row = lax.transpose(safe_col, (1, 0))
        sums_t = lax.dot_general(embt, oh, dn_ss, precision=prec,
                                 preferred_element_type=jnp.float32)
        cents_t = sums_t / safe_row
        cpp_t = lax.dot_general(cents_t, oh, dn_mm, precision=prec,
                                preferred_element_type=jnp.float32)
        diff = embt - cpp_t
        d = jnp.sqrt(jnp.sum(diff * diff, axis=0, keepdims=True))
        pull_sums = jnp.sum(oh * d, axis=1, keepdims=True)
        pull_c = pull_sums / safe_col
        presf_col = (counts_col > 0.0).astype(jnp.float32) * fg_col
        pull_over = jnp.sum(pull_c * presf_col)
        k = jnp.sum(presf_col)

        gram = lax.dot_general(cents_t, cents_t, (((0,), (0,)), ((), ())),
                               precision=lax.Precision.HIGHEST,
                               preferred_element_type=jnp.float32)
        n2_row = jnp.sum(cents_t * cents_t, axis=0, keepdims=True)
        n2_col = lax.transpose(n2_row, (1, 0))
        pd2 = jnp.maximum(n2_row + n2_col - 2.0 * gram, 0.0)
        pd = jnp.sqrt(pd2)
        presf_row = lax.transpose(presf_col, (1, 0))
        pairm = presf_col * presf_row * upper
        n_pairs = jnp.sum(pairm)
        push_sum = jnp.sum(jnp.maximum(PUSH_MARGIN - pd, 0.0) * pairm)
        push_term = push_sum / jnp.maximum(n_pairs, 1.0)

        multi = k > 1.0
        contrib = pull_over / jnp.maximum(k, 1.0) + push_term
        total = total + jnp.where(multi, contrib, 0.0)
    out_ref[0, 0] = total


def _loss_from_labels(embt, labels):
    return pl.pallas_call(
        _loss_kernel,
        out_shape=jax.ShapeDtypeStruct((1, 1), jnp.float32),
        out_specs=pl.BlockSpec(memory_space=pltpu.SMEM),
    )(embt, labels)


def kernel(abs_embedding, coordinates, y):
    coords_t = jnp.transpose(coordinates.astype(jnp.int32), (2, 0, 1)).reshape(-1)
    yl = y.reshape(-1).astype(jnp.int32)
    y_words = (yl[0::4] | lax.shift_left(yl[1::4], 8) | lax.shift_left(yl[2::4], 16)
               | lax.shift_left(yl[3::4], 24))
    labels = _gather_labels_kernel()(coords_t, y_words)
    emb16 = abs_embedding.astype(jnp.bfloat16)
    emb16_b, labels_b = lax.optimization_barrier((emb16, labels))
    embt = jnp.transpose(emb16_b, (0, 2, 1))
    loss = _loss_from_labels(embt, labels_b)
    return loss[0, 0]

# --- scband reference (transcript-rebuilt; emitter-appended) ---
"""Pipeline reference for scband-supervised-instance-embedding-loss-19413252178519 (READ-ONLY COPY).

The authoritative reference and input builder live on the scoring server;
editing this copy changes nothing except your own understanding.
"""

import jax, jax.numpy as jnp
import numpy as np

PUSH_MARGIN = 1.0

def setup_inputs(seed: int = 0):
    key = jax.random.key(seed)
    k1, k2, k3 = jax.random.split(key, 3)
    B, N, C, H, W = 4, 4096, 32, 512, 512
    abs_embedding = jax.random.normal(k1, (B, N, C), dtype=jnp.float32)
    coordinates = jax.random.randint(k2, (B, N, 2), 0, 512)
    y = jax.random.randint(k3, (B, H, W), 0, 8)
    return {"abs_embedding": abs_embedding, "coordinates": coordinates, "y": y}

def _loss(abs_embedding, coords, y):
    B = y.shape[0]
    num_classes = 8
    pull_loss = jnp.float32(0.0)
    push_loss = jnp.float32(0.0)
    iu0, iu1 = np.triu_indices(num_classes - 1, k=1)
    for b in range(B):
        cx = coords[b, :, 1]
        cy = coords[b, :, 0]
        y_per_patch = y[b, cx, cy]
        emb = abs_embedding[b]
        centroids = []
        present = []
        pull_over = jnp.float32(0.0)
        for idx in range(1, num_classes):
            maskf = (y_per_patch == idx).astype(jnp.float32)
            count = maskf.sum()
            safe = jnp.maximum(count, 1.0)
            centroid = (emb * maskf[:, None]).sum(axis=0, keepdims=True) / safe
            centroids.append(centroid)
            present.append(count > 0)
            norms = jnp.linalg.norm(centroid - emb, axis=1)
            pull_term = (norms * maskf).sum() / safe
            pull_over = pull_over + jnp.where(count > 0, pull_term, 0.0)
        cents = jnp.concatenate(centroids, axis=0)
        pres = jnp.stack(present)
        k = pres.astype(jnp.float32).sum()
        d = jnp.linalg.norm(cents[iu0] - cents[iu1], axis=-1)
        pair_valid = (pres[iu0] & pres[iu1]).astype(jnp.float32)
        n_pairs = pair_valid.sum()
        push_term = (jax.nn.relu(PUSH_MARGIN - d) * pair_valid).sum() / jnp.maximum(n_pairs, 1.0)
        multi = k > 1
        pull_loss = pull_loss + jnp.where(multi, pull_over / jnp.maximum(k, 1.0), 0.0)
        push_loss = push_loss + jnp.where(multi, push_term, 0.0)
    return pull_loss + push_loss

def reference(abs_embedding, coordinates, y):
    return _loss(abs_embedding, coordinates, y)

if __name__ == "__main__":
    import jax
    _d = setup_inputs()
    print(jax.jit(kernel)(*tuple(_d.values())))

</pallas_src>

<mosaic_0001>
#map = affine_map<(d0, d1) -> (0)>
#map1 = affine_map<(d0, d1) -> (0, 0)>
module attributes {stable_mosaic.version = 14 : i64} {
  func.func @_gather_labels(%arg0: i32, %arg1: i32, %arg2: memref<32768xi32, #tpu.memory_space<hbm>>, %arg3: memref<262144xi32, #tpu.memory_space<hbm>>, %arg4: memref<4x4096xi32, #tpu.memory_space<hbm>>, %arg5: memref<512xi32, #tpu.memory_space<vmem>>, %arg6: memref<512xi32, #tpu.memory_space<vmem>>, %arg7: memref<4x128xi32, #tpu.memory_space<vmem>>, %arg8: memref<512xi32, #tpu.memory_space<vmem>>, %arg9: memref<512xi32, #tpu.memory_space<vmem>>, %arg10: memref<512xi32, #tpu.memory_space<vmem>>, %arg11: memref<!tpu.dma_semaphore, #tpu.memory_space<semaphore_mem>>) attributes {dimension_semantics = [#tpu.dimension_semantics<core_parallel>, #tpu.dimension_semantics<subcore_parallel>], iteration_bounds = array<i64: 2, 16>, scalar_prefetch = 0 : i64, scratch_operands = 7 : i64, tpu.core_type = #tpu.core_type<sc_vector_subcore>, window_params = [{transform_indices = #map}, {transform_indices = #map}, {transform_indices = #map1}]} {
    %mul3A = arith.constant 2 : i32
    %mul3A_0 = arith.muli %arg1, %mul3A : i32
    %add3A = arith.addi %mul3A_0, %arg0 : i32
    %mul3A_1 = arith.constant 512 : i32
    %mul3A_2 = arith.muli %add3A, %mul3A_1 : i32
    %jit3A = arith.constant 4096 : i32
    %div3A = arith.divsi %mul3A_2, %jit3A : i32
    %sign3A = arith.constant 0 : i32
    %sign3A_3 = arith.cmpi sgt, %mul3A_2, %sign3A : i32
    %sign3A_4 = arith.extui %sign3A_3 : i1 to i32
    %sign3A_5 = arith.constant 0 : i32
    %sign3A_6 = arith.cmpi slt, %mul3A_2, %sign3A_5 : i32
    %sign3A_7 = arith.extui %sign3A_6 : i1 to i32
    %sign3A_8 = arith.subi %sign3A_4, %sign3A_7 : i32
    %sign3A_9 = arith.constant 0 : i32
    %sign3A_10 = arith.cmpi sgt, %jit3A, %sign3A_9 : i32
    %sign3A_11 = arith.extui %sign3A_10 : i1 to i32
    %sign3A_12 = arith.constant 0 : i32
    %sign3A_13 = arith.cmpi slt, %jit3A, %sign3A_12 : i32
    %sign3A_14 = arith.extui %sign3A_13 : i1 to i32
    %sign3A_15 = arith.subi %sign3A_11, %sign3A_14 : i32
    %ne3A = arith.cmpi ne, %sign3A_8, %sign3A_15 : i32
    %rem3A = arith.remsi %mul3A_2, %jit3A : i32
    %ne3A_16 = arith.constant 0 : i32
    %ne3A_17 = arith.cmpi ne, %rem3A, %ne3A_16 : i32
    %and3A = arith.andi %ne3A, %ne3A_17 : i1
    %sub3A = arith.constant 1 : i32
    %sub3A_18 = arith.subi %div3A, %sub3A : i32
    %select_n3A = arith.select %and3A, %sub3A_18, %div3A : i32
    %mul3A_19 = arith.constant 262144 : i32
    %mul3A_20 = arith.muli %select_n3A, %mul3A_19 : i32
    %dma_start3A = tpu.memref_slice %arg2[%mul3A_2] : memref<32768xi32, #tpu.memory_space<hbm>> -> memref<512xi32, #tpu.memory_space<hbm>>
    %dma_start3A_21 = tpu.memref_slice %arg2[%mul3A_2] : memref<32768xi32, #tpu.memory_space<hbm>> -> memref<512xi32, #tpu.memory_space<hbm>>
    tpu.enqueue_dma source(%dma_start3A_21 : memref<512xi32, #tpu.memory_space<hbm>>) target(%arg5 : memref<512xi32, #tpu.memory_space<vmem>>) target_semaphore(%arg11 : memref<!tpu.dma_semaphore, #tpu.memory_space<semaphore_mem>>)
    %add3A_22 = arith.constant 16384 : i32
    %add3A_23 = arith.addi %add3A_22, %mul3A_2 : i32
    %dma_start3A_24 = tpu.memref_slice %arg2[%add3A_23] : memref<32768xi32, #tpu.memory_space<hbm>> -> memref<512xi32, #tpu.memory_space<hbm>>
    %dma_start3A_25 = tpu.memref_slice %arg2[%add3A_23] : memref<32768xi32, #tpu.memory_space<hbm>> -> memref<512xi32, #tpu.memory_space<hbm>>
    tpu.enqueue_dma source(%dma_start3A_25 : memref<512xi32, #tpu.memory_space<hbm>>) target(%arg6 : memref<512xi32, #tpu.memory_space<vmem>>) target_semaphore(%arg11 : memref<!tpu.dma_semaphore, #tpu.memory_space<semaphore_mem>>)
    %dma_wait3A = tpu.memref_slice %arg2[%mul3A_2] : memref<32768xi32, #tpu.memory_space<hbm>> -> memref<512xi32, #tpu.memory_space<hbm>>
    %dma_wait3A_26 = tpu.memref_slice %arg2[%mul3A_2] : memref<32768xi32, #tpu.memory_space<hbm>> -> memref<512xi32, #tpu.memory_space<hbm>>
    tpu.wait_dma2 semaphore(%arg11 : memref<!tpu.dma_semaphore, #tpu.memory_space<semaphore_mem>>) src(%dma_wait3A_26 : memref<512xi32, #tpu.memory_space<hbm>>) dst(%arg5 : memref<512xi32, #tpu.memory_space<vmem>>)
    %dma_wait3A_27 = tpu.memref_slice %arg2[%add3A_23] : memref<32768xi32, #tpu.memory_space<hbm>> -> memref<512xi32, #tpu.memory_space<hbm>>
    %dma_wait3A_28 = tpu.memref_slice %arg2[%add3A_23] : memref<32768xi32, #tpu.memory_space<hbm>> -> memref<512xi32, #tpu.memory_space<hbm>>
    tpu.wait_dma2 semaphore(%arg11 : memref<!tpu.dma_semaphore, #tpu.memory_space<semaphore_mem>>) src(%dma_wait3A_28 : memref<512xi32, #tpu.memory_space<hbm>>) dst(%arg6 : memref<512xi32, #tpu.memory_space<vmem>>)
    %get3A = arith.constant 0 : index
    %get3A_29 = tpu.vector_load %arg6[%get3A] {strides = array<i32>} : memref<512xi32, #tpu.memory_space<vmem>>, vector<16xi32>,
    %get3A_30 = vector.shape_cast %get3A_29 : vector<16xi32> to vector<16xi32>
    %mul3A_31 = arith.constant 512 : i32
    %mul3A_32 = vector.broadcast %mul3A_31 : i32 to vector<16xi32>
    %mul3A_33 = arith.muli %get3A_30, %mul3A_32 : vector<16xi32>
    %get3A_34 = arith.constant 0 : index
    %get3A_35 = tpu.vector_load %arg5[%get3A_34] {strides = array<i32>} : memref<512xi32, #tpu.memory_space<vmem>>, vector<16xi32>,
    %get3A_36 = vector.shape_cast %get3A_35 : vector<16xi32> to vector<16xi32>
    %add3A_37 = arith.addi %mul3A_33, %get3A_36 : vector<16xi32>
    %add3A_38 = vector.broadcast %mul3A_20 : i32 to vector<16xi32>
    %add3A_39 = arith.addi %add3A_37, %add3A_38 : vector<16xi32>
    %shift_right_logical3A = arith.constant 2 : i32
    %shift_right_logical3A_40 = vector.broadcast %shift_right_logical3A : i32 to vector<16xi32>
    %shift_right_logical3A_41 = arith.shrui %add3A_39, %shift_right_logical3A_40 : vector<16xi32>
    %swap3A = arith.constant 0 : i32
    %swap3A_42 = arith.index_cast %swap3A : i32 to index
    %swap3A_43 = arith.constant 0 : index
    %swap3A_44 = tpu.vector_load %arg7[%swap3A_42, %swap3A_43] {strides = array<i32>} : memref<4x128xi32, #tpu.memory_space<vmem>>, vector<1x16xi32>,
    %swap3A_45 = vector.shape_cast %swap3A_44 : vector<1x16xi32> to vector<16xi32>
    %swap3A_46 = vector.shape_cast %shift_right_logical3A_41 : vector<16xi32> to vector<1x16xi32>
    tpu.vector_store %arg7[%swap3A_42, %swap3A_43], %swap3A_46 {strides = array<i32>} : memref<4x128xi32, #tpu.memory_space<vmem>>, vector<1x16xi32>,
    %and3A_47 = arith.constant 3 : i32
    %and3A_48 = vector.broadcast %and3A_47 : i32 to vector<16xi32>
    %and3A_49 = arith.andi %add3A_39, %and3A_48 : vector<16xi32>
    %shift_left3A = arith.constant 3 : i32
    %shift_left3A_50 = vector.broadcast %shift_left3A : i32 to vector<16xi32>
    %shift_left3A_51 = arith.shli %and3A_49, %shift_left3A_50 : vector<16xi32>
    %swap3A_52 = arith.constant 0 : index
    %swap3A_53 = tpu.vector_load %arg8[%swap3A_52] {strides = array<i32>} : memref<512xi32, #tpu.memory_space<vmem>>, vector<16xi32>,
    %swap3A_54 = vector.shape_cast %swap3A_53 : vector<16xi32> to vector<16xi32>
    %swap3A_55 = vector.shape_cast %shift_left3A_51 : vector<16xi32> to vector<16xi32>
    tpu.vector_store %arg8[%swap3A_52], %swap3A_55 {strides = array<i32>} : memref<512xi32, #tpu.memory_space<vmem>>, vector<16xi32>,
    %get3A_56 = arith.constant 16 : index
    %get3A_57 = tpu.vector_load %arg6[%get3A_56] {strides = array<i32>} : memref<512xi32, #tpu.memory_space<vmem>>, vector<16xi32>,
    %get3A_58 = vector.shape_cast %get3A_57 : vector<16xi32> to vector<16xi32>
    %mul3A_59 = arith.constant 512 : i32
    %mul3A_60 = vector.broadcast %mul3A_59 : i32 to vector<16xi32>
    %mul3A_61 = arith.muli %get3A_58, %mul3A_60 : vector<16xi32>
    %get3A_62 = arith.constant 16 : index
    %get3A_63 = tpu.vector_load %arg5[%get3A_62] {strides = array<i32>} : memref<512xi32, #tpu.memory_space<vmem>>, vector<16xi32>,
    %get3A_64 = vector.shape_cast %get3A_63 : vector<16xi32> to vector<16xi32>
    %add3A_65 = arith.addi %mul3A_61, %get3A_64 : vector<16xi32>
    %add3A_66 = vector.broadcast %mul3A_20 : i32 to vector<16xi32>
    %add3A_67 = arith.addi %add3A_65, %add3A_66 : vector<16xi32>
    %shift_right_logical3A_68 = arith.constant 2 : i32
    %shift_right_logical3A_69 = vector.broadcast %shift_right_logical3A_68 : i32 to vector<16xi32>
    %shift_right_logical3A_70 = arith.shrui %add3A_67, %shift_right_logical3A_69 : vector<16xi32>
    %swap3A_71 = arith.constant 0 : i32
    %swap3A_72 = arith.index_cast %swap3A_71 : i32 to index
    %swap3A_73 = arith.constant 16 : index
    %swap3A_74 = tpu.vector_load %arg7[%swap3A_72, %swap3A_73] {strides = array<i32>} : memref<4x128xi32, #tpu.memory_space<vmem>>, vector<1x16xi32>,
    %swap3A_75 = vector.shape_cast %swap3A_74 : vector<1x16xi32> to vector<16xi32>
    %swap3A_76 = vector.shape_cast %shift_right_logical3A_70 : vector<16xi32> to vector<1x16xi32>
    tpu.vector_store %arg7[%swap3A_72, %swap3A_73], %swap3A_76 {strides = array<i32>} : memref<4x128xi32, #tpu.memory_space<vmem>>, vector<1x16xi32>,
    %and3A_77 = arith.constant 3 : i32
    %and3A_78 = vector.broadcast %and3A_77 : i32 to vector<16xi32>
    %and3A_79 = arith.andi %add3A_67, %and3A_78 : vector<16xi32>
    %shift_left3A_80 = arith.constant 3 : i32
    %shift_left3A_81 = vector.broadcast %shift_left3A_80 : i32 to vector<16xi32>
    %shift_left3A_82 = arith.shli %and3A_79, %shift_left3A_81 : vector<16xi32>
    %swap3A_83 = arith.constant 16 : index
    %swap3A_84 = tpu.vector_load %arg8[%swap3A_83] {strides = array<i32>} : memref<512xi32, #tpu.memory_space<vmem>>, vector<16xi32>,
    %swap3A_85 = vector.shape_cast %swap3A_84 : vector<16xi32> to vector<16xi32>
    %swap3A_86 = vector.shape_cast %shift_left3A_82 : vector<16xi32> to vector<16xi32>
    tpu.vector_store %arg8[%swap3A_83], %swap3A_86 {strides = array<i32>} : memref<512xi32, #tpu.memory_space<vmem>>, vector<16xi32>,
    %get3A_87 = arith.constant 32 : index
    %get3A_88 = tpu.vector_load %arg6[%get3A_87] {strides = array<i32>} : memref<512xi32, #tpu.memory_space<vmem>>, vector<16xi32>,
    %get3A_89 = vector.shape_cast %get3A_88 : vector<16xi32> to vector<16xi32>
    %mul3A_90 = arith.constant 512 : i32
    %mul3A_91 = vector.broadcast %mul3A_90 : i32 to vector<16xi32>
    %mul3A_92 = arith.muli %get3A_89, %mul3A_91 : vector<16xi32>
    %get3A_93 = arith.constant 32 : index
    %get3A_94 = tpu.vector_load %arg5[%get3A_93] {strides = array<i32>} : memref<512xi32, #tpu.memory_space<vmem>>, vector<16xi32>,
    %get3A_95 = vector.shape_cast %get3A_94 : vector<16xi32> to vector<16xi32>
    %add3A_96 = arith.addi %mul3A_92, %get3A_95 : vector<16xi32>
    %add3A_97 = vector.broadcast %mul3A_20 : i32 to vector<16xi32>
    %add3A_98 = arith.addi %add3A_96, %add3A_97 : vector<16xi32>
    %shift_right_logical3A_99 = arith.constant 2 : i32
    %shift_right_logical3A_100 = vector.broadcast %shift_right_logical3A_99 : i32 to vector<16xi32>
    %shift_right_logical3A_101 = arith.shrui %add3A_98, %shift_right_logical3A_100 : vector<16xi32>
    %swap3A_102 = arith.constant 0 : i32
    %swap3A_103 = arith.index_cast %swap3A_102 : i32 to index
    %swap3A_104 = arith.constant 32 : index
    %swap3A_105 = tpu.vector_load %arg7[%swap3A_103, %swap3A_104] {strides = array<i32>} : memref<4x128xi32, #tpu.memory_space<vmem>>, vector<1x16xi32>,
    %swap3A_106 = vector.shape_cast %swap3A_105 : vector<1x16xi32> to vector<16xi32>
    %swap3A_107 = vector.shape_cast %shift_right_logical3A_101 : vector<16xi32> to vector<1x16xi32>
    tpu.vector_store %arg7[%swap3A_103, %swap3A_104], %swap3A_107 {strides = array<i32>} : memref<4x128xi32, #tpu.memory_space<vmem>>, vector<1x16xi32>,
    %and3A_108 = arith.constant 3 : i32
    %and3A_109 = vector.broadcast %and3A_108 : i32 to vector<16xi32>
    %and3A_110 = arith.andi %add3A_98, %and3A_109 : vector<16xi32>
    %shift_left3A_111 = arith.constant 3 : i32
    %shift_left3A_112 = vector.broadcast %shift_left3A_111 : i32 to vector<16xi32>
    %shift_left3A_113 = arith.shli %and3A_110, %shift_left3A_112 : vector<16xi32>
    %swap3A_114 = arith.constant 32 : index
    %swap3A_115 = tpu.vector_load %arg8[%swap3A_114] {strides = array<i32>} : memref<512xi32, #tpu.memory_space<vmem>>, vector<16xi32>,
    %swap3A_116 = vector.shape_cast %swap3A_115 : vector<16xi32> to vector<16xi32>
    %swap3A_117 = vector.shape_cast %shift_left3A_113 : vector<16xi32> to vector<16xi32>
    tpu.vector_store %arg8[%swap3A_114], %swap3A_117 {strides = array<i32>} : memref<512xi32, #tpu.memory_space<vmem>>, vector<16xi32>,
    %get3A_118 = arith.constant 48 : index
    %get3A_119 = tpu.vector_load %arg6[%get3A_118] {strides = array<i32>} : memref<512xi32, #tpu.memory_space<vmem>>, vector<16xi32>,
    %get3A_120 = vector.shape_cast %get3A_119 : vector<16xi32> to vector<16xi32>
    %mul3A_121 = arith.constant 512 : i32
    %mul3A_122 = vector.broadcast %mul3A_121 : i32 to vector<16xi32>
    %mul3A_123 = arith.muli %get3A_120, %mul3A_122 : vector<16xi32>
    %get3A_124 = arith.constant 48 : index
    %get3A_125 = tpu.vector_load %arg5[%get3A_124] {strides = array<i32>} : memref<512xi32, #tpu.memory_space<vmem>>, vector<16xi32>,
    %get3A_126 = vector.shape_cast %get3A_125 : vector<16xi32> to vector<16xi32>
    %add3A_127 = arith.addi %mul3A_123, %get3A_126 : vector<16xi32>
    %add3A_128 = vector.broadcast %mul3A_20 : i32 to vector<16xi32>
    %add3A_129 = arith.addi %add3A_127, %add3A_128 : vector<16xi32>
    %shift_right_logical3A_130 = arith.constant 2 : i32
    %shift_right_logical3A_131 = vector.broadcast %shift_right_logical3A_130 : i32 to vector<16xi32>
    %shift_right_logical3A_132 = arith.shrui %add3A_129, %shift_right_logical3A_131 : vector<16xi32>
    %swap3A_133 = arith.constant 0 : i32
    %swap3A_134 = arith.index_cast %swap3A_133 : i32 to index
    %swap3A_135 = arith.constant 48 : index
    %swap3A_136 = tpu.vector_load %arg7[%swap3A_134, %swap3A_135] {strides = array<i32>} : memref<4x128xi32, #tpu.memory_space<vmem>>, vector<1x16xi32>,
    %swap3A_137 = vector.shape_cast %swap3A_136 : vector<1x16xi32> to vector<16xi32>
    %swap3A_138 = vector.shape_cast %shift_right_logical3A_132 : vector<16xi32> to vector<1x16xi32>
    tpu.vector_store %arg7[%swap3A_134, %swap3A_135], %swap3A_138 {strides = array<i32>} : memref<4x128xi32, #tpu.memory_space<vmem>>, vector<1x16xi32>,
    %and3A_139 = arith.constant 3 : i32
    %and3A_140 = vector.broadcast %and3A_139 : i32 to vector<16xi32>
    %and3A_141 = arith.andi %add3A_129, %and3A_140 : vector<16xi32>
    %shift_left3A_142 = arith.constant 3 : i32
    %shift_left3A_143 = vector.broadcast %shift_left3A_142 : i32 to vector<16xi32>
    %shift_left3A_144 = arith.shli %and3A_141, %shift_left3A_143 : vector<16xi32>
    %swap3A_145 = arith.constant 48 : index
    %swap3A_146 = tpu.vector_load %arg8[%swap3A_145] {strides = array<i32>} : memref<512xi32, #tpu.memory_space<vmem>>, vector<16xi32>,
    %swap3A_147 = vector.shape_cast %swap3A_146 : vector<16xi32> to vector<16xi32>
    %swap3A_148 = vector.shape_cast %shift_left3A_144 : vector<16xi32> to vector<16xi32>
    tpu.vector_store %arg8[%swap3A_145], %swap3A_148 {strides = array<i32>} : memref<512xi32, #tpu.memory_space<vmem>>, vector<16xi32>,
    %get3A_149 = arith.constant 64 : index
    %get3A_150 = tpu.vector_load %arg6[%get3A_149] {strides = array<i32>} : memref<512xi32, #tpu.memory_space<vmem>>, vector<16xi32>,
    %get3A_151 = vector.shape_cast %get3A_150 : vector<16xi32> to vector<16xi32>
    %mul3A_152 = arith.constant 512 : i32
    %mul3A_153 = vector.broadcast %mul3A_152 : i32 to vector<16xi32>
    %mul3A_154 = arith.muli %get3A_151, %mul3A_153 : vector<16xi32>
    %get3A_155 = arith.constant 64 : index
    %get3A_156 = tpu.vector_load %arg5[%get3A_155] {strides = array<i32>} : memref<512xi32, #tpu.memory_space<vmem>>, vector<16xi32>,
    %get3A_157 = vector.shape_cast %get3A_156 : vector<16xi32> to vector<16xi32>
    %add3A_158 = arith.addi %mul3A_154, %get3A_157 : vector<16xi32>
    %add3A_159 = vector.broadcast %mul3A_20 : i32 to vector<16xi32>
    %add3A_160 = arith.addi %add3A_158, %add3A_159 : vector<16xi32>
    %shift_right_logical3A_161 = arith.constant 2 : i32
    %shift_right_logical3A_162 = vector.broadcast %shift_right_logical3A_161 : i32 to vector<16xi32>
    %shift_right_logical3A_163 = arith.shrui %add3A_160, %shift_right_logical3A_162 : vector<16xi32>
    %swap3A_164 = arith.constant 0 : i32
    %swap3A_165 = arith.index_cast %swap3A_164 : i32 to index
    %swap3A_166 = arith.constant 64 : index
    %swap3A_167 = tpu.vector_load %arg7[%swap3A_165, %swap3A_166] {strides = array<i32>} : memref<4x128xi32, #tpu.memory_space<vmem>>, vector<1x16xi32>,
    %swap3A_168 = vector.shape_cast %swap3A_167 : vector<1x16xi32> to vector<16xi32>
    %swap3A_169 = vector.shape_cast %shift_right_logical3A_163 : vector<16xi32> to vector<1x16xi32>
    tpu.vector_store %arg7[%swap3A_165, %swap3A_166], %swap3A_169 {strides = array<i32>} : memref<4x128xi32, #tpu.memory_space<vmem>>, vector<1x16xi32>,
    %and3A_170 = arith.constant 3 : i32
    %and3A_171 = vector.broadcast %and3A_170 : i32 to vector<16xi32>
    %and3A_172 = arith.andi %add3A_160, %and3A_171 : vector<16xi32>
    %shift_left3A_173 = arith.constant 3 : i32
    %shift_left3A_174 = vector.broadcast %shift_left3A_173 : i32 to vector<16xi32>
    %shift_left3A_175 = arith.shli %and3A_172, %shift_left3A_174 : vector<16xi32>
    %swap3A_176 = arith.constant 64 : index
    %swap3A_177 = tpu.vector_load %arg8[%swap3A_176] {strides = array<i32>} : memref<512xi32, #tpu.memory_space<vmem>>, vector<16xi32>,
    %swap3A_178 = vector.shape_cast %swap3A_177 : vector<16xi32> to vector<16xi32>
    %swap3A_179 = vector.shape_cast %shift_left3A_175 : vector<16xi32> to vector<16xi32>
    tpu.vector_store %arg8[%swap3A_176], %swap3A_179 {strides = array<i32>} : memref<512xi32, #tpu.memory_space<vmem>>, vector<16xi32>,
    %get3A_180 = arith.constant 80 : index
    %get3A_181 = tpu.vector_load %arg6[%get3A_180] {strides = array<i32>} : memref<512xi32, #tpu.memory_space<vmem>>, vector<16xi32>,
    %get3A_182 = vector.shape_cast %get3A_181 : vector<16xi32> to vector<16xi32>
    %mul3A_183 = arith.constant 512 : i32
    %mul3A_184 = vector.broadcast %mul3A_183 : i32 to vector<16xi32>
    %mul3A_185 = arith.muli %get3A_182, %mul3A_184 : vector<16xi32>
    %get3A_186 = arith.constant 80 : index
    %get3A_187 = tpu.vector_load %arg5[%get3A_186] {strides = array<i32>} : memref<512xi32, #tpu.memory_space<vmem>>, vector<16xi32>,
    %get3A_188 = vector.shape_cast %get3A_187 : vector<16xi32> to vector<16xi32>
    %add3A_189 = arith.addi %mul3A_185, %get3A_188 : vector<16xi32>
    %add3A_190 = vector.broadcast %mul3A_20 : i32 to vector<16xi32>
    %add3A_191 = arith.addi %add3A_189, %add3A_190 : vector<16xi32>
    %shift_right_logical3A_192 = arith.constant 2 : i32
    %shift_right_logical3A_193 = vector.broadcast %shift_right_logical3A_192 : i32 to vector<16xi32>
    %shift_right_logical3A_194 = arith.shrui %add3A_191, %shift_right_logical3A_193 : vector<16xi32>
    %swap3A_195 = arith.constant 0 : i32
    %swap3A_196 = arith.index_cast %swap3A_195 : i32 to index
    %swap3A_197 = arith.constant 80 : index
    %swap3A_198 = tpu.vector_load %arg7[%swap3A_196, %swap3A_197] {strides = array<i32>} : memref<4x128xi32, #tpu.memory_space<vmem>>, vector<1x16xi32>,
    %swap3A_199 = vector.shape_cast %swap3A_198 : vector<1x16xi32> to vector<16xi32>
    %swap3A_200 = vector.shape_cast %shift_right_logical3A_194 : vector<16xi32> to vector<1x16xi32>
    tpu.vector_store %arg7[%swap3A_196, %swap3A_197], %swap3A_200 {strides = array<i32>} : memref<4x128xi32, #tpu.memory_space<vmem>>, vector<1x16xi32>,
    %and3A_201 = arith.constant 3 : i32
    %and3A_202 = vector.broadcast %and3A_201 : i32 to vector<16xi32>
    %and3A_203 = arith.andi %add3A_191, %and3A_202 : vector<16xi32>
    %shift_left3A_204 = arith.constant 3 : i32
    %shift_left3A_205 = vector.broadcast %shift_left3A_204 : i32 to vector<16xi32>
    %shift_left3A_206 = arith.shli %and3A_203, %shift_left3A_205 : vector<16xi32>
    %swap3A_207 = arith.constant 80 : index
    %swap3A_208 = tpu.vector_load %arg8[%swap3A_207] {strides = array<i32>} : memref<512xi32, #tpu.memory_space<vmem>>, vector<16xi32>,
    %swap3A_209 = vector.shape_cast %swap3A_208 : vector<16xi32> to vector<16xi32>
    %swap3A_210 = vector.shape_cast %shift_left3A_206 : vector<16xi32> to vector<16xi32>
    tpu.vector_store %arg8[%swap3A_207], %swap3A_210 {strides = array<i32>} : memref<512xi32, #tpu.memory_space<vmem>>, vector<16xi32>,
    %get3A_211 = arith.constant 96 : index
    %get3A_212 = tpu.vector_load %arg6[%get3A_211] {strides = array<i32>} : memref<512xi32, #tpu.memory_space<vmem>>, vector<16xi32>,
    %get3A_213 = vector.shape_cast %get3A_212 : vector<16xi32> to vector<16xi32>
    %mul3A_214 = arith.constant 512 : i32
    %mul3A_215 = vector.broadcast %mul3A_214 : i32 to vector<16xi32>
    %mul3A_216 = arith.muli %get3A_213, %mul3A_215 : vector<16xi32>
    %get3A_217 = arith.constant 96 : index
    %get3A_218 = tpu.vector_load %arg5[%get3A_217] {strides = array<i32>} : memref<512xi32, #tpu.memory_space<vmem>>, vector<16xi32>,
    %get3A_219 = vector.shape_cast %get3A_218 : vector<16xi32> to vector<16xi32>
    %add3A_220 = arith.addi %mul3A_216, %get3A_219 : vector<16xi32>
    %add3A_221 = vector.broadcast %mul3A_20 : i32 to vector<16xi32>
    %add3A_222 = arith.addi %add3A_220, %add3A_221 : vector<16xi32>
    %shift_right_logical3A_223 = arith.constant 2 : i32
    %shift_right_logical3A_224 = vector.broadcast %shift_right_logical3A_223 : i32 to vector<16xi32>
    %shift_right_logical3A_225 = arith.shrui %add3A_222, %shift_right_logical3A_224 : vector<16xi32>
    %swap3A_226 = arith.constant 0 : i32
    %swap3A_227 = arith.index_cast %swap3A_226 : i32 to index
    %swap3A_228 = arith.constant 96 : index
    %swap3A_229 = tpu.vector_load %arg7[%swap3A_227, %swap3A_228] {strides = array<i32>} : memref<4x128xi32, #tpu.memory_space<vmem>>, vector<1x16xi32>,
    %swap3A_230 = vector.shape_cast %swap3A_229 : vector<1x16xi32> to vector<16xi32>
    %swap3A_231 = vector.shape_cast %shift_right_logical3A_225 : vector<16xi32> to vector<1x16xi32>
    tpu.vector_store %arg7[%swap3A_227, %swap3A_228], %swap3A_231 {strides = array<i32>} : memref<4x128xi32, #tpu.memory_space<vmem>>, vector<1x16xi32>,
    %and3A_232 = arith.constant 3 : i32
    %and3A_233 = vector.broadcast %and3A_232 : i32 to vector<16xi32>
    %and3A_234 = arith.andi %add3A_222, %and3A_233 : vector<16xi32>
    %shift_left3A_235 = arith.constant 3 : i32
    %shift_left3A_236 = vector.broadcast %shift_left3A_235 : i32 to vector<16xi32>
    %shift_left3A_237 = arith.shli %and3A_234, %shift_left3A_236 : vector<16xi32>
    %swap3A_238 = arith.constant 96 : index
    %swap3A_239 = tpu.vector_load %arg8[%swap3A_238] {strides = array<i32>} : memref<512xi32, #tpu.memory_space<vmem>>, vector<16xi32>,
    %swap3A_240 = vector.shape_cast %swap3A_239 : vector<16xi32> to vector<16xi32>
    %swap3A_241 = vector.shape_cast %shift_left3A_237 : vector<16xi32> to vector<16xi32>
    tpu.vector_store %arg8[%swap3A_238], %swap3A_241 {strides = array<i32>} : memref<512xi32, #tpu.memory_space<vmem>>, vector<16xi32>,
    %get3A_242 = arith.constant 112 : index
    %get3A_243 = tpu.vector_load %arg6[%get3A_242] {strides = array<i32>} : memref<512xi32, #tpu.memory_space<vmem>>, vector<16xi32>,
    %get3A_244 = vector.shape_cast %get3A_243 : vector<16xi32> to vector<16xi32>
    %mul3A_245 = arith.constant 512 : i32
    %mul3A_246 = vector.broadcast %mul3A_245 : i32 to vector<16xi32>
    %mul3A_247 = arith.muli %get3A_244, %mul3A_246 : vector<16xi32>
    %get3A_248 = arith.constant 112 : index
    %get3A_249 = tpu.vector_load %arg5[%get3A_248] {strides = array<i32>} : memref<512xi32, #tpu.memory_space<vmem>>, vector<16xi32>,
    %get3A_250 = vector.shape_cast %get3A_249 : vector<16xi32> to vector<16xi32>
    %add3A_251 = arith.addi %mul3A_247, %get3A_250 : vector<16xi32>
    %add3A_252 = vector.broadcast %mul3A_20 : i32 to vector<16xi32>
    %add3A_253 = arith.addi %add3A_251, %add3A_252 : vector<16xi32>
    %shift_right_logical3A_254 = arith.constant 2 : i32
    %shift_right_logical3A_255 = vector.broadcast %shift_right_logical3A_254 : i32 to vector<16xi32>
    %shift_right_logical3A_256 = arith.shrui %add3A_253, %shift_right_logical3A_255 : vector<16xi32>
    %swap3A_257 = arith.constant 0 : i32
    %swap3A_258 = arith.index_cast %swap3A_257 : i32 to index
    %swap3A_259 = arith.constant 112 : index
    %swap3A_260 = tpu.vector_load %arg7[%swap3A_258, %swap3A_259] {strides = array<i32>} : memref<4x128xi32, #tpu.memory_space<vmem>>, vector<1x16xi32>,
    %swap3A_261 = vector.shape_cast %swap3A_260 : vector<1x16xi32> to vector<16xi32>
    %swap3A_262 = vector.shape_cast %shift_right_logical3A_256 : vector<16xi32> to vector<1x16xi32>
    tpu.vector_store %arg7[%swap3A_258, %swap3A_259], %swap3A_262 {strides = array<i32>} : memref<4x128xi32, #tpu.memory_space<vmem>>, vector<1x16xi32>,
    %and3A_263 = arith.constant 3 : i32
    %and3A_264 = vector.broadcast %and3A_263 : i32 to vector<16xi32>
    %and3A_265 = arith.andi %add3A_253, %and3A_264 : vector<16xi32>
    %shift_left3A_266 = arith.constant 3 : i32
    %shift_left3A_267 = vector.broadcast %shift_left3A_266 : i32 to vector<16xi32>
    %shift_left3A_268 = arith.shli %and3A_265, %shift_left3A_267 : vector<16xi32>
    %swap3A_269 = arith.constant 112 : index
    %swap3A_270 = tpu.vector_load %arg8[%swap3A_269] {strides = array<i32>} : memref<512xi32, #tpu.memory_space<vmem>>, vector<16xi32>,
    %swap3A_271 = vector.shape_cast %swap3A_270 : vector<16xi32> to vector<16xi32>
    %swap3A_272 = vector.shape_cast %shift_left3A_268 : vector<16xi32> to vector<16xi32>
    tpu.vector_store %arg8[%swap3A_269], %swap3A_272 {strides = array<i32>} : memref<512xi32, #tpu.memory_space<vmem>>, vector<16xi32>,
    %get3A_273 = arith.constant 128 : index
    %get3A_274 = tpu.vector_load %arg6[%get3A_273] {strides = array<i32>} : memref<512xi32, #tpu.memory_space<vmem>>, vector<16xi32>,
    %get3A_275 = vector.shape_cast %get3A_274 : vector<16xi32> to vector<16xi32>
    %mul3A_276 = arith.constant 512 : i32
    %mul3A_277 = vector.broadcast %mul3A_276 : i32 to vector<16xi32>
    %mul3A_278 = arith.muli %get3A_275, %mul3A_277 : vector<16xi32>
    %get3A_279 = arith.constant 128 : index
    %get3A_280 = tpu.vector_load %arg5[%get3A_279] {strides = array<i32>} : memref<512xi32, #tpu.memory_space<vmem>>, vector<16xi32>,
    %get3A_281 = vector.shape_cast %get3A_280 : vector<16xi32> to vector<16xi32>
    %add3A_282 = arith.addi %mul3A_278, %get3A_281 : vector<16xi32>
    %add3A_283 = vector.broadcast %mul3A_20 : i32 to vector<16xi32>
    %add3A_284 = arith.addi %add3A_282, %add3A_283 : vector<16xi32>
    %shift_right_logical3A_285 = arith.constant 2 : i32
    %shift_right_logical3A_286 = vector.broadcast %shift_right_logical3A_285 : i32 to vector<16xi32>
    %shift_right_logical3A_287 = arith.shrui %add3A_284, %shift_right_logical3A_286 : vector<16xi32>
    %swap3A_288 = arith.constant 1 : i32
    %swap3A_289 = arith.index_cast %swap3A_288 : i32 to index
    %swap3A_290 = arith.constant 0 : index
    %swap3A_291 = tpu.vector_load %arg7[%swap3A_289, %swap3A_290] {strides = array<i32>} : memref<4x128xi32, #tpu.memory_space<vmem>>, vector<1x16xi32>,
    %swap3A_292 = vector.shape_cast %swap3A_291 : vector<1x16xi32> to vector<16xi32>
    %swap3A_293 = vector.shape_cast %shift_right_logical3A_287 : vector<16xi32> to vector<1x16xi32>
    tpu.vector_store %arg7[%swap3A_289, %swap3A_290], %swap3A_293 {strides = array<i32>} : memref<4x128xi32, #tpu.memory_space<vmem>>, vector<1x16xi32>,
    %and3A_294 = arith.constant 3 : i32
    %and3A_295 = vector.broadcast %and3A_294 : i32 to vector<16xi32>
    %and3A_296 = arith.andi %add3A_284, %and3A_295 : vector<16xi32>
    %shift_left3A_297 = arith.constant 3 : i32
    %shift_left3A_298 = vector.broadcast %shift_left3A_297 : i32 to vector<16xi32>
    %shift_left3A_299 = arith.shli %and3A_296, %shift_left3A_298 : vector<16xi32>
    %swap3A_300 = arith.constant 128 : index
    %swap3A_301 = tpu.vector_load %arg8[%swap3A_300] {strides = array<i32>} : memref<512xi32, #tpu.memory_space<vmem>>, vector<16xi32>,
    %swap3A_302 = vector.shape_cast %swap3A_301 : vector<16xi32> to vector<16xi32>
    %swap3A_303 = vector.shape_cast %shift_left3A_299 : vector<16xi32> to vector<16xi32>
    tpu.vector_store %arg8[%swap3A_300], %swap3A_303 {strides = array<i32>} : memref<512xi32, #tpu.memory_space<vmem>>, vector<16xi32>,
    %get3A_304 = arith.constant 144 : index
    %get3A_305 = tpu.vector_load %arg6[%get3A_304] {strides = array<i32>} : memref<512xi32, #tpu.memory_space<vmem>>, vector<16xi32>,
    %get3A_306 = vector.shape_cast %get3A_305 : vector<16xi32> to vector<16xi32>
    %mul3A_307 = arith.constant 512 : i32
    %mul3A_308 = vector.broadcast %mul3A_307 : i32 to vector<16xi32>
    %mul3A_309 = arith.muli %get3A_306, %mul3A_308 : vector<16xi32>
    %get3A_310 = arith.constant 144 : index
    %get3A_311 = tpu.vector_load %arg5[%get3A_310] {strides = array<i32>} : memref<512xi32, #tpu.memory_space<vmem>>, vector<16xi32>,
    %get3A_312 = vector.shape_cast %get3A_311 : vector<16xi32> to vector<16xi32>
    %add3A_313 = arith.addi %mul3A_309, %get3A_312 : vector<16xi32>
    %add3A_314 = vector.broadcast %mul3A_20 : i32 to vector<16xi32>
    %add3A_315 = arith.addi %add3A_313, %add3A_314 : vector<16xi32>
    %shift_right_logical3A_316 = arith.constant 2 : i32
    %shift_right_logical3A_317 = vector.broadcast %shift_right_logical3A_316 : i32 to vector<16xi32>
    %shift_right_logical3A_318 = arith.shrui %add3A_315, %shift_right_logical3A_317 : vector<16xi32>
    %swap3A_319 = arith.constant 1 : i32
    %swap3A_320 = arith.index_cast %swap3A_319 : i32 to index
    %swap3A_321 = arith.constant 16 : index
    %swap3A_322 = tpu.vector_load %arg7[%swap3A_320, %swap3A_321] {strides = array<i32>} : memref<4x128xi32, #tpu.memory_space<vmem>>, vector<1x16xi32>,
    %swap3A_323 = vector.shape_cast %swap3A_322 : vector<1x16xi32> to vector<16xi32>
    %swap3A_324 = vector.shape_cast %shift_right_logical3A_318 : vector<16xi32> to vector<1x16xi32>
    tpu.vector_store %arg7[%swap3A_320, %swap3A_321], %swap3A_324 {strides = array<i32>} : memref<4x128xi32, #tpu.memory_space<vmem>>, vector<1x16xi32>,
    %and3A_325 = arith.constant 3 : i32
    %and3A_326 = vector.broadcast %and3A_325 : i32 to vector<16xi32>
    %and3A_327 = arith.andi %add3A_315, %and3A_326 : vector<16xi32>
    %shift_left3A_328 = arith.constant 3 : i32
    %shift_left3A_329 = vector.broadcast %shift_left3A_328 : i32 to vector<16xi32>
    %shift_left3A_330 = arith.shli %and3A_327, %shift_left3A_329 : vector<16xi32>
    %swap3A_331 = arith.constant 144 : index
    %swap3A_332 = tpu.vector_load %arg8[%swap3A_331] {strides = array<i32>} : memref<512xi32, #tpu.memory_space<vmem>>, vector<16xi32>,
    %swap3A_333 = vector.shape_cast %swap3A_332 : vector<16xi32> to vector<16xi32>
    %swap3A_334 = vector.shape_cast %shift_left3A_330 : vector<16xi32> to vector<16xi32>
    tpu.vector_store %arg8[%swap3A_331], %swap3A_334 {strides = array<i32>} : memref<512xi32, #tpu.memory_space<vmem>>, vector<16xi32>,
    %get3A_335 = arith.constant 160 : index
    %get3A_336 = tpu.vector_load %arg6[%get3A_335] {strides = array<i32>} : memref<512xi32, #tpu.memory_space<vmem>>, vector<16xi32>,
    %get3A_337 = vector.shape_cast %get3A_336 : vector<16xi32> to vector<16xi32>
    %mul3A_338 = arith.constant 512 : i32
    %mul3A_339 = vector.broadcast %mul3A_338 : i32 to vector<16xi32>
    %mul3A_340 = arith.muli %get3A_337, %mul3A_339 : vector<16xi32>
    %get3A_341 = arith.constant 160 : index
    %get3A_342 = tpu.vector_load %arg5[%get3A_341] {strides = array<i32>} : memref<512xi32, #tpu.memory_space<vmem>>, vector<16xi32>,
    %get3A_343 = vector.shape_cast %get3A_342 : vector<16xi32> to vector<16xi32>
    %add3A_344 = arith.addi %mul3A_340, %get3A_343 : vector<16xi32>
    %add3A_345 = vector.broadcast %mul3A_20 : i32 to vector<16xi32>
    %add3A_346 = arith.addi %add3A_344, %add3A_345 : vector<16xi32>
    %shift_right_logical3A_347 = arith.constant 2 : i32
    %shift_right_logical3A_348 = vector.broadcast %shift_right_logical3A_347 : i32 to vector<16xi32>
    %shift_right_logical3A_349 = arith.shrui %add3A_346, %shift_right_logical3A_348 : vector<16xi32>
    %swap3A_350 = arith.constant 1 : i32
    %swap3A_351 = arith.index_cast %swap3A_350 : i32 to index
    %swap3A_352 = arith.constant 32 : index
    %swap3A_353 = tpu.vector_load %arg7[%swap3A_351, %swap3A_352] {strides = array<i32>} : memref<4x128xi32, #tpu.memory_space<vmem>>, vector<1x16xi32>,
    %swap3A_354 = vector.shape_cast %swap3A_353 : vector<1x16xi32> to vector<16xi32>
    %swap3A_355 = vector.shape_cast %shift_right_logical3A_349 : vector<16xi32> to vector<1x16xi32>
    tpu.vector_store %arg7[%swap3A_351, %swap3A_352], %swap3A_355 {strides = array<i32>} : memref<4x128xi32, #tpu.memory_space<vmem>>, vector<1x16xi32>,
    %and3A_356 = arith.constant 3 : i32
    %and3A_357 = vector.broadcast %and3A_356 : i32 to vector<16xi32>
    %and3A_358 = arith.andi %add3A_346, %and3A_357 : vector<16xi32>
    %shift_left3A_359 = arith.constant 3 : i32
    %shift_left3A_360 = vector.broadcast %shift_left3A_359 : i32 to vector<16xi32>
    %shift_left3A_361 = arith.shli %and3A_358, %shift_left3A_360 : vector<16xi32>
    %swap3A_362 = arith.constant 160 : index
    %swap3A_363 = tpu.vector_load %arg8[%swap3A_362] {strides = array<i32>} : memref<512xi32, #tpu.memory_space<vmem>>, vector<16xi32>,
    %swap3A_364 = vector.shape_cast %swap3A_363 : vector<16xi32> to vector<16xi32>
    %swap3A_365 = vector.shape_cast %shift_left3A_361 : vector<16xi32> to vector<16xi32>
    tpu.vector_store %arg8[%swap3A_362], %swap3A_365 {strides = array<i32>} : memref<512xi32, #tpu.memory_space<vmem>>, vector<16xi32>,
    %get3A_366 = arith.constant 176 : index
    %get3A_367 = tpu.vector_load %arg6[%get3A_366] {strides = array<i32>} : memref<512xi32, #tpu.memory_space<vmem>>, vector<16xi32>,
    %get3A_368 = vector.shape_cast %get3A_367 : vector<16xi32> to vector<16xi32>
    %mul3A_369 = arith.constant 512 : i32
    %mul3A_370 = vector.broadcast %mul3A_369 : i32 to vector<16xi32>
    %mul3A_371 = arith.muli %get3A_368, %mul3A_370 : vector<16xi32>
    %get3A_372 = arith.constant 176 : index
    %get3A_373 = tpu.vector_load %arg5[%get3A_372] {strides = array<i32>} : memref<512xi32, #tpu.memory_space<vmem>>, vector<16xi32>,
    %get3A_374 = vector.shape_cast %get3A_373 : vector<16xi32> to vector<16xi32>
    %add3A_375 = arith.addi %mul3A_371, %get3A_374 : vector<16xi32>
    %add3A_376 = vector.broadcast %mul3A_20 : i32 to vector<16xi32>
    %add3A_377 = arith.addi %add3A_375, %add3A_376 : vector<16xi32>
    %shift_right_logical3A_378 = arith.constant 2 : i32
    %shift_right_logical3A_379 = vector.broadcast %shift_right_logical3A_378 : i32 to vector<16xi32>
    %shift_right_logical3A_380 = arith.shrui %add3A_377, %shift_right_logical3A_379 : vector<16xi32>
    %swap3A_381 = arith.constant 1 : i32
    %swap3A_382 = arith.index_cast %swap3A_381 : i32 to index
    %swap3A_383 = arith.constant 48 : index
    %swap3A_384 = tpu.vector_load %arg7[%swap3A_382, %swap3A_383] {strides = array<i32>} : memref<4x128xi32, #tpu.memory_space<vmem>>, vector<1x16xi32>,
    %swap3A_385 = vector.shape_cast %swap3A_384 : vector<1x16xi32> to vector<16xi32>
    %swap3A_386 = vector.shape_cast %shift_right_logical3A_380 : vector<16xi32> to vector<1x16xi32>
    tpu.vector_store %arg7[%swap3A_382, %swap3A_383], %swap3A_386 {strides = array<i32>} : memref<4x128xi32, #tpu.memory_space<vmem>>, vector<1x16xi32>,
    %and3A_387 = arith.constant 3 : i32
    %and3A_388 = vector.broadcast %and3A_387 : i32 to vector<16xi32>
    %and3A_389 = arith.andi %add3A_377, %and3A_388 : vector<16xi32>
    %shift_left3A_390 = arith.constant 3 : i32
    %shift_left3A_391 = vector.broadcast %shift_left3A_390 : i32 to vector<16xi32>
    %shift_left3A_392 = arith.shli %and3A_389, %shift_left3A_391 : vector<16xi32>
    %swap3A_393 = arith.constant 176 : index
    %swap3A_394 = tpu.vector_load %arg8[%swap3A_393] {strides = array<i32>} : memref<512xi32, #tpu.memory_space<vmem>>, vector<16xi32>,
    %swap3A_395 = vector.shape_cast %swap3A_394 : vector<16xi32> to vector<16xi32>
    %swap3A_396 = vector.shape_cast %shift_left3A_392 : vector<16xi32> to vector<16xi32>
    tpu.vector_store %arg8[%swap3A_393], %swap3A_396 {strides = array<i32>} : memref<512xi32, #tpu.memory_space<vmem>>, vector<16xi32>,
    %get3A_397 = arith.constant 192 : index
    %get3A_398 = tpu.vector_load %arg6[%get3A_397] {strides = array<i32>} : memref<512xi32, #tpu.memory_space<vmem>>, vector<16xi32>,
    %get3A_399 = vector.shape_cast %get3A_398 : vector<16xi32> to vector<16xi32>
    %mul3A_400 = arith.constant 512 : i32
    %mul3A_401 = vector.broadcast %mul3A_400 : i32 to vector<16xi32>
    %mul3A_402 = arith.muli %get3A_399, %mul3A_401 : vector<16xi32>
    %get3A_403 = arith.constant 192 : index
    %get3A_404 = tpu.vector_load %arg5[%get3A_403] {strides = array<i32>} : memref<512xi32, #tpu.memory_space<vmem>>, vector<16xi32>,
    %get3A_405 = vector.shape_cast %get3A_404 : vector<16xi32> to vector<16xi32>
    %add3A_406 = arith.addi %mul3A_402, %get3A_405 : vector<16xi32>
    %add3A_407 = vector.broadcast %mul3A_20 : i32 to vector<16xi32>
    %add3A_408 = arith.addi %add3A_406, %add3A_407 : vector<16xi32>
    %shift_right_logical3A_409 = arith.constant 2 : i32
    %shift_right_logical3A_410 = vector.broadcast %shift_right_logical3A_409 : i32 to vector<16xi32>
    %shift_right_logical3A_411 = arith.shrui %add3A_408, %shift_right_logical3A_410 : vector<16xi32>
    %swap3A_412 = arith.constant 1 : i32
    %swap3A_413 = arith.index_cast %swap3A_412 : i32 to index
    %swap3A_414 = arith.constant 64 : index
    %swap3A_415 = tpu.vector_load %arg7[%swap3A_413, %swap3A_414] {strides = array<i32>} : memref<4x128xi32, #tpu.memory_space<vmem>>, vector<1x16xi32>,
    %swap3A_416 = vector.shape_cast %swap3A_415 : vector<1x16xi32> to vector<16xi32>
    %swap3A_417 = vector.shape_cast %shift_right_logical3A_411 : vector<16xi32> to vector<1x16xi32>
    tpu.vector_store %arg7[%swap3A_413, %swap3A_414], %swap3A_417 {strides = array<i32>} : memref<4x128xi32, #tpu.memory_space<vmem>>, vector<1x16xi32>,
    %and3A_418 = arith.constant 3 : i32
    %and3A_419 = vector.broadcast %and3A_418 : i32 to vector<16xi32>
    %and3A_420 = arith.andi %add3A_408, %and3A_419 : vector<16xi32>
    %shift_left3A_421 = arith.constant 3 : i32
    %shift_left3A_422 = vector.broadcast %shift_left3A_421 : i32 to vector<16xi32>
    %shift_left3A_423 = arith.shli %and3A_420, %shift_left3A_422 : vector<16xi32>
    %swap3A_424 = arith.constant 192 : index
    %swap3A_425 = tpu.vector_load %arg8[%swap3A_424] {strides = array<i32>} : memref<512xi32, #tpu.memory_space<vmem>>, vector<16xi32>,
    %swap3A_426 = vector.shape_cast %swap3A_425 : vector<16xi32> to vector<16xi32>
    %swap3A_427 = vector.shape_cast %shift_left3A_423 : vector<16xi32> to vector<16xi32>
    tpu.vector_store %arg8[%swap3A_424], %swap3A_427 {strides = array<i32>} : memref<512xi32, #tpu.memory_space<vmem>>, vector<16xi32>,
    %get3A_428 = arith.constant 208 : index
    %get3A_429 = tpu.vector_load %arg6[%get3A_428] {strides = array<i32>} : memref<512xi32, #tpu.memory_space<vmem>>, vector<16xi32>,
    %get3A_430 = vector.shape_cast %get3A_429 : vector<16xi32> to vector<16xi32>
    %mul3A_431 = arith.constant 512 : i32
    %mul3A_432 = vector.broadcast %mul3A_431 : i32 to vector<16xi32>
    %mul3A_433 = arith.muli %get3A_430, %mul3A_432 : vector<16xi32>
    %get3A_434 = arith.constant 208 : index
    %get3A_435 = tpu.vector_load %arg5[%get3A_434] {strides = array<i32>} : memref<512xi32, #tpu.memory_space<vmem>>, vector<16xi32>,
    %get3A_436 = vector.shape_cast %get3A_435 : vector<16xi32> to vector<16xi32>
    %add3A_437 = arith.addi %mul3A_433, %get3A_436 : vector<16xi32>
    %add3A_438 = vector.broadcast %mul3A_20 : i32 to vector<16xi32>
    %add3A_439 = arith.addi %add3A_437, %add3A_438 : vector<16xi32>
    %shift_right_logical3A_440 = arith.constant 2 : i32
    %shift_right_logical3A_441 = vector.broadcast %shift_right_logical3A_440 : i32 to vector<16xi32>
    %shift_right_logical3A_442 = arith.shrui %add3A_439, %shift_right_logical3A_441 : vector<16xi32>
    %swap3A_443 = arith.constant 1 : i32
    %swap3A_444 = arith.index_cast %swap3A_443 : i32 to index
    %swap3A_445 = arith.constant 80 : index
    %swap3A_446 = tpu.vector_load %arg7[%swap3A_444, %swap3A_445] {strides = array<i32>} : memref<4x128xi32, #tpu.memory_space<vmem>>, vector<1x16xi32>,
    %swap3A_447 = vector.shape_cast %swap3A_446 : vector<1x16xi32> to vector<16xi32>
    %swap3A_448 = vector.shape_cast %shift_right_logical3A_442 : vector<16xi32> to vector<1x16xi32>
    tpu.vector_store %arg7[%swap3A_444, %swap3A_445], %swap3A_448 {strides = array<i32>} : memref<4x128xi32, #tpu.memory_space<vmem>>, vector<1x16xi32>,
    %and3A_449 = arith.constant 3 : i32
    %and3A_450 = vector.broadcast %and3A_449 : i32 to vector<16xi32>
    %and3A_451 = arith.andi %add3A_439, %and3A_450 : vector<16xi32>
    %shift_left3A_452 = arith.constant 3 : i32
    %shift_left3A_453 = vector.broadcast %shift_left3A_452 : i32 to vector<16xi32>
    %shift_left3A_454 = arith.shli %and3A_451, %shift_left3A_453 : vector<16xi32>
    %swap3A_455 = arith.constant 208 : index
    %swap3A_456 = tpu.vector_load %arg8[%swap3A_455] {strides = array<i32>} : memref<512xi32, #tpu.memory_space<vmem>>, vector<16xi32>,
    %swap3A_457 = vector.shape_cast %swap3A_456 : vector<16xi32> to vector<16xi32>
    %swap3A_458 = vector.shape_cast %shift_left3A_454 : vector<16xi32> to vector<16xi32>
    tpu.vector_store %arg8[%swap3A_455], %swap3A_458 {strides = array<i32>} : memref<512xi32, #tpu.memory_space<vmem>>, vector<16xi32>,
    %get3A_459 = arith.constant 224 : index
    %get3A_460 = tpu.vector_load %arg6[%get3A_459] {strides = array<i32>} : memref<512xi32, #tpu.memory_space<vmem>>, vector<16xi32>,
    %get3A_461 = vector.shape_cast %get3A_460 : vector<16xi32> to vector<16xi32>
    %mul3A_462 = arith.constant 512 : i32
    %mul3A_463 = vector.broadcast %mul3A_462 : i32 to vector<16xi32>
    %mul3A_464 = arith.muli %get3A_461, %mul3A_463 : vector<16xi32>
    %get3A_465 = arith.constant 224 : index
    %get3A_466 = tpu.vector_load %arg5[%get3A_465] {strides = array<i32>} : memref<512xi32, #tpu.memory_space<vmem>>, vector<16xi32>,
    %get3A_467 = vector.shape_cast %get3A_466 : vector<16xi32> to vector<16xi32>
    %add3A_468 = arith.addi %mul3A_464, %get3A_467 : vector<16xi32>
    %add3A_469 = vector.broadcast %mul3A_20 : i32 to vector<16xi32>
    %add3A_470 = arith.addi %add3A_468, %add3A_469 : vector<16xi32>
    %shift_right_logical3A_471 = arith.constant 2 : i32
    %shift_right_logical3A_472 = vector.broadcast %shift_right_logical3A_471 : i32 to vector<16xi32>
    %shift_right_logical3A_473 = arith.shrui %add3A_470, %shift_right_logical3A_472 : vector<16xi32>
    %swap3A_474 = arith.constant 1 : i32
    %swap3A_475 = arith.index_cast %swap3A_474 : i32 to index
    %swap3A_476 = arith.constant 96 : index
    %swap3A_477 = tpu.vector_load %arg7[%swap3A_475, %swap3A_476] {strides = array<i32>} : memref<4x128xi32, #tpu.memory_space<vmem>>, vector<1x16xi32>,
    %swap3A_478 = vector.shape_cast %swap3A_477 : vector<1x16xi32> to vector<16xi32>
    %swap3A_479 = vector.shape_cast %shift_right_logical3A_473 : vector<16xi32> to vector<1x16xi32>
    tpu.vector_store %arg7[%swap3A_475, %swap3A_476], %swap3A_479 {strides = array<i32>} : memref<4x128xi32, #tpu.memory_space<vmem>>, vector<1x16xi32>,
    %and3A_480 = arith.constant 3 : i32
    %and3A_481 = vector.broadcast %and3A_480 : i32 to vector<16xi32>
    %and3A_482 = arith.andi %add3A_470, %and3A_481 : vector<16xi32>
    %shift_left3A_483 = arith.constant 3 : i32
    %shift_left3A_484 = vector.broadcast %shift_left3A_483 : i32 to vector<16xi32>
    %shift_left3A_485 = arith.shli %and3A_482, %shift_left3A_484 : vector<16xi32>
    %swap3A_486 = arith.constant 224 : index
    %swap3A_487 = tpu.vector_load %arg8[%swap3A_486] {strides = array<i32>} : memref<512xi32, #tpu.memory_space<vmem>>, vector<16xi32>,
    %swap3A_488 = vector.shape_cast %swap3A_487 : vector<16xi32> to vector<16xi32>
    %swap3A_489 = vector.shape_cast %shift_left3A_485 : vector<16xi32> to vector<16xi32>
    tpu.vector_store %arg8[%swap3A_486], %swap3A_489 {strides = array<i32>} : memref<512xi32, #tpu.memory_space<vmem>>, vector<16xi32>,
    %get3A_490 = arith.constant 240 : index
    %get3A_491 = tpu.vector_load %arg6[%get3A_490] {strides = array<i32>} : memref<512xi32, #tpu.memory_space<vmem>>, vector<16xi32>,
    %get3A_492 = vector.shape_cast %get3A_491 : vector<16xi32> to vector<16xi32>
    %mul3A_493 = arith.constant 512 : i32
    %mul3A_494 = vector.broadcast %mul3A_493 : i32 to vector<16xi32>
    %mul3A_495 = arith.muli %get3A_492, %mul3A_494 : vector<16xi32>
    %get3A_496 = arith.constant 240 : index
    %get3A_497 = tpu.vector_load %arg5[%get3A_496] {strides = array<i32>} : memref<512xi32, #tpu.memory_space<vmem>>, vector<16xi32>,
    %get3A_498 = vector.shape_cast %get3A_497 : vector<16xi32> to vector<16xi32>
    %add3A_499 = arith.addi %mul3A_495, %get3A_498 : vector<16xi32>
    %add3A_500 = vector.broadcast %mul3A_20 : i32 to vector<16xi32>
    %add3A_501 = arith.addi %add3A_499, %add3A_500 : vector<16xi32>
    %shift_right_logical3A_502 = arith.constant 2 : i32
    %shift_right_logical3A_503 = vector.broadcast %shift_right_logical3A_502 : i32 to vector<16xi32>
    %shift_right_logical3A_504 = arith.shrui %add3A_501, %shift_right_logical3A_503 : vector<16xi32>
    %swap3A_505 = arith.constant 1 : i32
    %swap3A_506 = arith.index_cast %swap3A_505 : i32 to index
    %swap3A_507 = arith.constant 112 : index
    %swap3A_508 = tpu.vector_load %arg7[%swap3A_506, %swap3A_507] {strides = array<i32>} : memref<4x128xi32, #tpu.memory_space<vmem>>, vector<1x16xi32>,
    %swap3A_509 = vector.shape_cast %swap3A_508 : vector<1x16xi32> to vector<16xi32>
    %swap3A_510 = vector.shape_cast %shift_right_logical3A_504 : vector<16xi32> to vector<1x16xi32>
    tpu.vector_store %arg7[%swap3A_506, %swap3A_507], %swap3A_510 {strides = array<i32>} : memref<4x128xi32, #tpu.memory_space<vmem>>, vector<1x16xi32>,
    %and3A_511 = arith.constant 3 : i32
    %and3A_512 = vector.broadcast %and3A_511 : i32 to vector<16xi32>
    %and3A_513 = arith.andi %add3A_501, %and3A_512 : vector<16xi32>
    %shift_left3A_514 = arith.constant 3 : i32
    %shift_left3A_515 = vector.broadcast %shift_left3A_514 : i32 to vector<16xi32>
    %shift_left3A_516 = arith.shli %and3A_513, %shift_left3A_515 : vector<16xi32>
    %swap3A_517 = arith.constant 240 : index
    %swap3A_518 = tpu.vector_load %arg8[%swap3A_517] {strides = array<i32>} : memref<512xi32, #tpu.memory_space<vmem>>, vector<16xi32>,
    %swap3A_519 = vector.shape_cast %swap3A_518 : vector<16xi32> to vector<16xi32>
    %swap3A_520 = vector.shape_cast %shift_left3A_516 : vector<16xi32> to vector<16xi32>
    tpu.vector_store %arg8[%swap3A_517], %swap3A_520 {strides = array<i32>} : memref<512xi32, #tpu.memory_space<vmem>>, vector<16xi32>,
    %get3A_521 = arith.constant 256 : index
    %get3A_522 = tpu.vector_load %arg6[%get3A_521] {strides = array<i32>} : memref<512xi32, #tpu.memory_space<vmem>>, vector<16xi32>,
    %get3A_523 = vector.shape_cast %get3A_522 : vector<16xi32> to vector<16xi32>
    %mul3A_524 = arith.constant 512 : i32
    %mul3A_525 = vector.broadcast %mul3A_524 : i32 to vector<16xi32>
    %mul3A_526 = arith.muli %get3A_523, %mul3A_525 : vector<16xi32>
    %get3A_527 = arith.constant 256 : index
    %get3A_528 = tpu.vector_load %arg5[%get3A_527] {strides = array<i32>} : memref<512xi32, #tpu.memory_space<vmem>>, vector<16xi32>,
    %get3A_529 = vector.shape_cast %get3A_528 : vector<16xi32> to vector<16xi32>
    %add3A_530 = arith.addi %mul3A_526, %get3A_529 : vector<16xi32>
    %add3A_531 = vector.broadcast %mul3A_20 : i32 to vector<16xi32>
    %add3A_532 = arith.addi %add3A_530, %add3A_531 : vector<16xi32>
    %shift_right_logical3A_533 = arith.constant 2 : i32
    %shift_right_logical3A_534 = vector.broadcast %shift_right_logical3A_533 : i32 to vector<16xi32>
    %shift_right_logical3A_535 = arith.shrui %add3A_532, %shift_right_logical3A_534 : vector<16xi32>
    %swap3A_536 = arith.constant 2 : i32
    %swap3A_537 = arith.index_cast %swap3A_536 : i32 to index
    %swap3A_538 = arith.constant 0 : index
    %swap3A_539 = tpu.vector_load %arg7[%swap3A_537, %swap3A_538] {strides = array<i32>} : memref<4x128xi32, #tpu.memory_space<vmem>>, vector<1x16xi32>,
    %swap3A_540 = vector.shape_cast %swap3A_539 : vector<1x16xi32> to vector<16xi32>
    %swap3A_541 = vector.shape_cast %shift_right_logical3A_535 : vector<16xi32> to vector<1x16xi32>
    tpu.vector_store %arg7[%swap3A_537, %swap3A_538], %swap3A_541 {strides = array<i32>} : memref<4x128xi32, #tpu.memory_space<vmem>>, vector<1x16xi32>,
    %and3A_542 = arith.constant 3 : i32
    %and3A_543 = vector.broadcast %and3A_542 : i32 to vector<16xi32>
    %and3A_544 = arith.andi %add3A_532, %and3A_543 : vector<16xi32>
    %shift_left3A_545 = arith.constant 3 : i32
    %shift_left3A_546 = vector.broadcast %shift_left3A_545 : i32 to vector<16xi32>
    %shift_left3A_547 = arith.shli %and3A_544, %shift_left3A_546 : vector<16xi32>
    %swap3A_548 = arith.constant 256 : index
    %swap3A_549 = tpu.vector_load %arg8[%swap3A_548] {strides = array<i32>} : memref<512xi32, #tpu.memory_space<vmem>>, vector<16xi32>,
    %swap3A_550 = vector.shape_cast %swap3A_549 : vector<16xi32> to vector<16xi32>
    %swap3A_551 = vector.shape_cast %shift_left3A_547 : vector<16xi32> to vector<16xi32>
    tpu.vector_store %arg8[%swap3A_548], %swap3A_551 {strides = array<i32>} : memref<512xi32, #tpu.memory_space<vmem>>, vector<16xi32>,
    %get3A_552 = arith.constant 272 : index
    %get3A_553 = tpu.vector_load %arg6[%get3A_552] {strides = array<i32>} : memref<512xi32, #tpu.memory_space<vmem>>, vector<16xi32>,
    %get3A_554 = vector.shape_cast %get3A_553 : vector<16xi32> to vector<16xi32>
    %mul3A_555 = arith.constant 512 : i32
    %mul3A_556 = vector.broadcast %mul3A_555 : i32 to vector<16xi32>
    %mul3A_557 = arith.muli %get3A_554, %mul3A_556 : vector<16xi32>
    %get3A_558 = arith.constant 272 : index
    %get3A_559 = tpu.vector_load %arg5[%get3A_558] {strides = array<i32>} : memref<512xi32, #tpu.memory_space<vmem>>, vector<16xi32>,
    %get3A_560 = vector.shape_cast %get3A_559 : vector<16xi32> to vector<16xi32>
    %add3A_561 = arith.addi %mul3A_557, %get3A_560 : vector<16xi32>
    %add3A_562 = vector.broadcast %mul3A_20 : i32 to vector<16xi32>
    %add3A_563 = arith.addi %add3A_561, %add3A_562 : vector<16xi32>
    %shift_right_logical3A_564 = arith.constant 2 : i32
    %shift_right_logical3A_565 = vector.broadcast %shift_right_logical3A_564 : i32 to vector<16xi32>
    %shift_right_logical3A_566 = arith.shrui %add3A_563, %shift_right_logical3A_565 : vector<16xi32>
    %swap3A_567 = arith.constant 2 : i32
    %swap3A_568 = arith.index_cast %swap3A_567 : i32 to index
    %swap3A_569 = arith.constant 16 : index
    %swap3A_570 = tpu.vector_load %arg7[%swap3A_568, %swap3A_569] {strides = array<i32>} : memref<4x128xi32, #tpu.memory_space<vmem>>, vector<1x16xi32>,
    %swap3A_571 = vector.shape_cast %swap3A_570 : vector<1x16xi32> to vector<16xi32>
    %swap3A_572 = vector.shape_cast %shift_right_logical3A_566 : vector<16xi32> to vector<1x16xi32>
    tpu.vector_store %arg7[%swap3A_568, %swap3A_569], %swap3A_572 {strides = array<i32>} : memref<4x128xi32, #tpu.memory_space<vmem>>, vector<1x16xi32>,
    %and3A_573 = arith.constant 3 : i32
    %and3A_574 = vector.broadcast %and3A_573 : i32 to vector<16xi32>
    %and3A_575 = arith.andi %add3A_563, %and3A_574 : vector<16xi32>
    %shift_left3A_576 = arith.constant 3 : i32
    %shift_left3A_577 = vector.broadcast %shift_left3A_576 : i32 to vector<16xi32>
    %shift_left3A_578 = arith.shli %and3A_575, %shift_left3A_577 : vector<16xi32>
    %swap3A_579 = arith.constant 272 : index
    %swap3A_580 = tpu.vector_load %arg8[%swap3A_579] {strides = array<i32>} : memref<512xi32, #tpu.memory_space<vmem>>, vector<16xi32>,
    %swap3A_581 = vector.shape_cast %swap3A_580 : vector<16xi32> to vector<16xi32>
    %swap3A_582 = vector.shape_cast %shift_left3A_578 : vector<16xi32> to vector<16xi32>
    tpu.vector_store %arg8[%swap3A_579], %swap3A_582 {strides = array<i32>} : memref<512xi32, #tpu.memory_space<vmem>>, vector<16xi32>,
    %get3A_583 = arith.constant 288 : index
    %get3A_584 = tpu.vector_load %arg6[%get3A_583] {strides = array<i32>} : memref<512xi32, #tpu.memory_space<vmem>>, vector<16xi32>,
    %get3A_585 = vector.shape_cast %get3A_584 : vector<16xi32> to vector<16xi32>
    %mul3A_586 = arith.constant 512 : i32
    %mul3A_587 = vector.broadcast %mul3A_586 : i32 to vector<16xi32>
    %mul3A_588 = arith.muli %get3A_585, %mul3A_587 : vector<16xi32>
    %get3A_589 = arith.constant 288 : index
    %get3A_590 = tpu.vector_load %arg5[%get3A_589] {strides = array<i32>} : memref<512xi32, #tpu.memory_space<vmem>>, vector<16xi32>,
    %get3A_591 = vector.shape_cast %get3A_590 : vector<16xi32> to vector<16xi32>
    %add3A_592 = arith.addi %mul3A_588, %get3A_591 : vector<16xi32>
    %add3A_593 = vector.broadcast %mul3A_20 : i32 to vector<16xi32>
    %add3A_594 = arith.addi %add3A_592, %add3A_593 : vector<16xi32>
    %shift_right_logical3A_595 = arith.constant 2 : i32
    %shift_right_logical3A_596 = vector.broadcast %shift_right_logical3A_595 : i32 to vector<16xi32>
    %shift_right_logical3A_597 = arith.shrui %add3A_594, %shift_right_logical3A_596 : vector<16xi32>
    %swap3A_598 = arith.constant 2 : i32
    %swap3A_599 = arith.index_cast %swap3A_598 : i32 to index
    %swap3A_600 = arith.constant 32 : index
    %swap3A_601 = tpu.vector_load %arg7[%swap3A_599, %swap3A_600] {strides = array<i32>} : memref<4x128xi32, #tpu.memory_space<vmem>>, vector<1x16xi32>,
    %swap3A_602 = vector.shape_cast %swap3A_601 : vector<1x16xi32> to vector<16xi32>
    %swap3A_603 = vector.shape_cast %shift_right_logical3A_597 : vector<16xi32> to vector<1x16xi32>
    tpu.vector_store %arg7[%swap3A_599, %swap3A_600], %swap3A_603 {strides = array<i32>} : memref<4x128xi32, #tpu.memory_space<vmem>>, vector<1x16xi32>,
    %and3A_604 = arith.constant 3 : i32
    %and3A_605 = vector.broadcast %and3A_604 : i32 to vector<16xi32>
    %and3A_606 = arith.andi %add3A_594, %and3A_605 : vector<16xi32>
    %shift_left3A_607 = arith.constant 3 : i32
    %shift_left3A_608 = vector.broadcast %shift_left3A_607 : i32 to vector<16xi32>
    %shift_left3A_609 = arith.shli %and3A_606, %shift_left3A_608 : vector<16xi32>
    %swap3A_610 = arith.constant 288 : index
    %swap3A_611 = tpu.vector_load %arg8[%swap3A_610] {strides = array<i32>} : memref<512xi32, #tpu.memory_space<vmem>>, vector<16xi32>,
    %swap3A_612 = vector.shape_cast %swap3A_611 : vector<16xi32> to vector<16xi32>
    %swap3A_613 = vector.shape_cast %shift_left3A_609 : vector<16xi32> to vector<16xi32>
    tpu.vector_store %arg8[%swap3A_610], %swap3A_613 {strides = array<i32>} : memref<512xi32, #tpu.memory_space<vmem>>, vector<16xi32>,
    %get3A_614 = arith.constant 304 : index
    %get3A_615 = tpu.vector_load %arg6[%get3A_614] {strides = array<i32>} : memref<512xi32, #tpu.memory_space<vmem>>, vector<16xi32>,
    %get3A_616 = vector.shape_cast %get3A_615 : vector<16xi32> to vector<16xi32>
    %mul3A_617 = arith.constant 512 : i32
    %mul3A_618 = vector.broadcast %mul3A_617 : i32 to vector<16xi32>
    %mul3A_619 = arith.muli %get3A_616, %mul3A_618 : vector<16xi32>
    %get3A_620 = arith.constant 304 : index
    %get3A_621 = tpu.vector_load %arg5[%get3A_620] {strides = array<i32>} : memref<512xi32, #tpu.memory_space<vmem>>, vector<16xi32>,
    %get3A_622 = vector.shape_cast %get3A_621 : vector<16xi32> to vector<16xi32>
    %add3A_623 = arith.addi %mul3A_619, %get3A_622 : vector<16xi32>
    %add3A_624 = vector.broadcast %mul3A_20 : i32 to vector<16xi32>
    %add3A_625 = arith.addi %add3A_623, %add3A_624 : vector<16xi32>
    %shift_right_logical3A_626 = arith.constant 2 : i32
    %shift_right_logical3A_627 = vector.broadcast %shift_right_logical3A_626 : i32 to vector<16xi32>
    %shift_right_logical3A_628 = arith.shrui %add3A_625, %shift_right_logical3A_627 : vector<16xi32>
    %swap3A_629 = arith.constant 2 : i32
    %swap3A_630 = arith.index_cast %swap3A_629 : i32 to index
    %swap3A_631 = arith.constant 48 : index
    %swap3A_632 = tpu.vector_load %arg7[%swap3A_630, %swap3A_631] {strides = array<i32>} : memref<4x128xi32, #tpu.memory_space<vmem>>, vector<1x16xi32>,
    %swap3A_633 = vector.shape_cast %swap3A_632 : vector<1x16xi32> to vector<16xi32>
    %swap3A_634 = vector.shape_cast %shift_right_logical3A_628 : vector<16xi32> to vector<1x16xi32>
    tpu.vector_store %arg7[%swap3A_630, %swap3A_631], %swap3A_634 {strides = array<i32>} : memref<4x128xi32, #tpu.memory_space<vmem>>, vector<1x16xi32>,
    %and3A_635 = arith.constant 3 : i32
    %and3A_636 = vector.broadcast %and3A_635 : i32 to vector<16xi32>
    %and3A_637 = arith.andi %add3A_625, %and3A_636 : vector<16xi32>
    %shift_left3A_638 = arith.constant 3 : i32
    %shift_left3A_639 = vector.broadcast %shift_left3A_638 : i32 to vector<16xi32>
    %shift_left3A_640 = arith.shli %and3A_637, %shift_left3A_639 : vector<16xi32>
    %swap3A_641 = arith.constant 304 : index
    %swap3A_642 = tpu.vector_load %arg8[%swap3A_641] {strides = array<i32>} : memref<512xi32, #tpu.memory_space<vmem>>, vector<16xi32>,
    %swap3A_643 = vector.shape_cast %swap3A_642 : vector<16xi32> to vector<16xi32>
    %swap3A_644 = vector.shape_cast %shift_left3A_640 : vector<16xi32> to vector<16xi32>
    tpu.vector_store %arg8[%swap3A_641], %swap3A_644 {strides = array<i32>} : memref<512xi32, #tpu.memory_space<vmem>>, vector<16xi32>,
    %get3A_645 = arith.constant 320 : index
    %get3A_646 = tpu.vector_load %arg6[%get3A_645] {strides = array<i32>} : memref<512xi32, #tpu.memory_space<vmem>>, vector<16xi32>,
    %get3A_647 = vector.shape_cast %get3A_646 : vector<16xi32> to vector<16xi32>
    %mul3A_648 = arith.constant 512 : i32
    %mul3A_649 = vector.broadcast %mul3A_648 : i32 to vector<16xi32>
    %mul3A_650 = arith.muli %get3A_647, %mul3A_649 : vector<16xi32>
    %get3A_651 = arith.constant 320 : index
    %get3A_652 = tpu.vector_load %arg5[%get3A_651] {strides = array<i32>} : memref<512xi32, #tpu.memory_space<vmem>>, vector<16xi32>,
    %get3A_653 = vector.shape_cast %get3A_652 : vector<16xi32> to vector<16xi32>
    %add3A_654 = arith.addi %mul3A_650, %get3A_653 : vector<16xi32>
    %add3A_655 = vector.broadcast %mul3A_20 : i32 to vector<16xi32>
    %add3A_656 = arith.addi %add3A_654, %add3A_655 : vector<16xi32>
    %shift_right_logical3A_657 = arith.constant 2 : i32
    %shift_right_logical3A_658 = vector.broadcast %shift_right_logical3A_657 : i32 to vector<16xi32>
    %shift_right_logical3A_659 = arith.shrui %add3A_656, %shift_right_logical3A_658 : vector<16xi32>
    %swap3A_660 = arith.constant 2 : i32
    %swap3A_661 = arith.index_cast %swap3A_660 : i32 to index
    %swap3A_662 = arith.constant 64 : index
    %swap3A_663 = tpu.vector_load %arg7[%swap3A_661, %swap3A_662] {strides = array<i32>} : memref<4x128xi32, #tpu.memory_space<vmem>>, vector<1x16xi32>,
    %swap3A_664 = vector.shape_cast %swap3A_663 : vector<1x16xi32> to vector<16xi32>
    %swap3A_665 = vector.shape_cast %shift_right_logical3A_659 : vector<16xi32> to vector<1x16xi32>
    tpu.vector_store %arg7[%swap3A_661, %swap3A_662], %swap3A_665 {strides = array<i32>} : memref<4x128xi32, #tpu.memory_space<vmem>>, vector<1x16xi32>,
    %and3A_666 = arith.constant 3 : i32
    %and3A_667 = vector.broadcast %and3A_666 : i32 to vector<16xi32>
    %and3A_668 = arith.andi %add3A_656, %and3A_667 : vector<16xi32>
    %shift_left3A_669 = arith.constant 3 : i32
    %shift_left3A_670 = vector.broadcast %shift_left3A_669 : i32 to vector<16xi32>
    %shift_left3A_671 = arith.shli %and3A_668, %shift_left3A_670 : vector<16xi32>
    %swap3A_672 = arith.constant 320 : index
    %swap3A_673 = tpu.vector_load %arg8[%swap3A_672] {strides = array<i32>} : memref<512xi32, #tpu.memory_space<vmem>>, vector<16xi32>,
    %swap3A_674 = vector.shape_cast %swap3A_673 : vector<16xi32> to vector<16xi32>
    %swap3A_675 = vector.shape_cast %shift_left3A_671 : vector<16xi32> to vector<16xi32>
    tpu.vector_store %arg8[%swap3A_672], %swap3A_675 {strides = array<i32>} : memref<512xi32, #tpu.memory_space<vmem>>, vector<16xi32>,
    %get3A_676 = arith.constant 336 : index
    %get3A_677 = tpu.vector_load %arg6[%get3A_676] {strides = array<i32>} : memref<512xi32, #tpu.memory_space<vmem>>, vector<16xi32>,
    %get3A_678 = vector.shape_cast %get3A_677 : vector<16xi32> to vector<16xi32>
    %mul3A_679 = arith.constant 512 : i32
    %mul3A_680 = vector.broadcast %mul3A_679 : i32 to vector<16xi32>
    %mul3A_681 = arith.muli %get3A_678, %mul3A_680 : vector<16xi32>
    %get3A_682 = arith.constant 336 : index
    %get3A_683 = tpu.vector_load %arg5[%get3A_682] {strides = array<i32>} : memref<512xi32, #tpu.memory_space<vmem>>, vector<16xi32>,
    %get3A_684 = vector.shape_cast %get3A_683 : vector<16xi32> to vector<16xi32>
    %add3A_685 = arith.addi %mul3A_681, %get3A_684 : vector<16xi32>
    %add3A_686 = vector.broadcast %mul3A_20 : i32 to vector<16xi32>
    %add3A_687 = arith.addi %add3A_685, %add3A_686 : vector<16xi32>
    %shift_right_logical3A_688 = arith.constant 2 : i32
    %shift_right_logical3A_689 = vector.broadcast %shift_right_logical3A_688 : i32 to vector<16xi32>
    %shift_right_logical3A_690 = arith.shrui %add3A_687, %shift_right_logical3A_689 : vector<16xi32>
    %swap3A_691 = arith.constant 2 : i32
    %swap3A_692 = arith.index_cast %swap3A_691 : i32 to index
    %swap3A_693 = arith.constant 80 : index
    %swap3A_694 = tpu.vector_load %arg7[%swap3A_692, %swap3A_693] {strides = array<i32>} : memref<4x128xi32, #tpu.memory_space<vmem>>, vector<1x16xi32>,
    %swap3A_695 = vector.shape_cast %swap3A_694 : vector<1x16xi32> to vector<16xi32>
    %swap3A_696 = vector.shape_cast %shift_right_logical3A_690 : vector<16xi32> to vector<1x16xi32>
    tpu.vector_store %arg7[%swap3A_692, %swap3A_693], %swap3A_696 {strides = array<i32>} : memref<4x128xi32, #tpu.memory_space<vmem>>, vector<1x16xi32>,
    %and3A_697 = arith.constant 3 : i32
    %and3A_698 = vector.broadcast %and3A_697 : i32 to vector<16xi32>
    %and3A_699 = arith.andi %add3A_687, %and3A_698 : vector<16xi32>
    %shift_left3A_700 = arith.constant 3 : i32
    %shift_left3A_701 = vector.broadcast %shift_left3A_700 : i32 to vector<16xi32>
    %shift_left3A_702 = arith.shli %and3A_699, %shift_left3A_701 : vector<16xi32>
    %swap3A_703 = arith.constant 336 : index
    %swap3A_704 = tpu.vector_load %arg8[%swap3A_703] {strides = array<i32>} : memref<512xi32, #tpu.memory_space<vmem>>, vector<16xi32>,
    %swap3A_705 = vector.shape_cast %swap3A_704 : vector<16xi32> to vector<16xi32>
    %swap3A_706 = vector.shape_cast %shift_left3A_702 : vector<16xi32> to vector<16xi32>
    tpu.vector_store %arg8[%swap3A_703], %swap3A_706 {strides = array<i32>} : memref<512xi32, #tpu.memory_space<vmem>>, vector<16xi32>,
    %get3A_707 = arith.constant 352 : index
    %get3A_708 = tpu.vector_load %arg6[%get3A_707] {strides = array<i32>} : memref<512xi32, #tpu.memory_space<vmem>>, vector<16xi32>,
    %get3A_709 = vector.shape_cast %get3A_708 : vector<16xi32> to vector<16xi32>
    %mul3A_710 = arith.constant 512 : i32
    %mul3A_711 = vector.broadcast %mul3A_710 : i32 to vector<16xi32>
    %mul3A_712 = arith.muli %get3A_709, %mul3A_711 : vector<16xi32>
    %get3A_713 = arith.constant 352 : index
    %get3A_714 = tpu.vector_load %arg5[%get3A_713] {strides = array<i32>} : memref<512xi32, #tpu.memory_space<vmem>>, vector<16xi32>,
    %get3A_715 = vector.shape_cast %get3A_714 : vector<16xi32> to vector<16xi32>
    %add3A_716 = arith.addi %mul3A_712, %get3A_715 : vector<16xi32>
    %add3A_717 = vector.broadcast %mul3A_20 : i32 to vector<16xi32>
    %add3A_718 = arith.addi %add3A_716, %add3A_717 : vector<16xi32>
    %shift_right_logical3A_719 = arith.constant 2 : i32
    %shift_right_logical3A_720 = vector.broadcast %shift_right_logical3A_719 : i32 to vector<16xi32>
    %shift_right_logical3A_721 = arith.shrui %add3A_718, %shift_right_logical3A_720 : vector<16xi32>
    %swap3A_722 = arith.constant 2 : i32
    %swap3A_723 = arith.index_cast %swap3A_722 : i32 to index
    %swap3A_724 = arith.constant 96 : index
    %swap3A_725 = tpu.vector_load %arg7[%swap3A_723, %swap3A_724] {strides = array<i32>} : memref<4x128xi32, #tpu.memory_space<vmem>>, vector<1x16xi32>,
    %swap3A_726 = vector.shape_cast %swap3A_725 : vector<1x16xi32> to vector<16xi32>
    %swap3A_727 = vector.shape_cast %shift_right_logical3A_721 : vector<16xi32> to vector<1x16xi32>
    tpu.vector_store %arg7[%swap3A_723, %swap3A_724], %swap3A_727 {strides = array<i32>} : memref<4x128xi32, #tpu.memory_space<vmem>>, vector<1x16xi32>,
    %and3A_728 = arith.constant 3 : i32
    %and3A_729 = vector.broadcast %and3A_728 : i32 to vector<16xi32>
    %and3A_730 = arith.andi %add3A_718, %and3A_729 : vector<16xi32>
    %shift_left3A_731 = arith.constant 3 : i32
    %shift_left3A_732 = vector.broadcast %shift_left3A_731 : i32 to vector<16xi32>
    %shift_left3A_733 = arith.shli %and3A_730, %shift_left3A_732 : vector<16xi32>
    %swap3A_734 = arith.constant 352 : index
    %swap3A_735 = tpu.vector_load %arg8[%swap3A_734] {strides = array<i32>} : memref<512xi32, #tpu.memory_space<vmem>>, vector<16xi32>,
    %swap3A_736 = vector.shape_cast %swap3A_735 : vector<16xi32> to vector<16xi32>
    %swap3A_737 = vector.shape_cast %shift_left3A_733 : vector<16xi32> to vector<16xi32>
    tpu.vector_store %arg8[%swap3A_734], %swap3A_737 {strides = array<i32>} : memref<512xi32, #tpu.memory_space<vmem>>, vector<16xi32>,
    %get3A_738 = arith.constant 368 : index
    %get3A_739 = tpu.vector_load %arg6[%get3A_738] {strides = array<i32>} : memref<512xi32, #tpu.memory_space<vmem>>, vector<16xi32>,
    %get3A_740 = vector.shape_cast %get3A_739 : vector<16xi32> to vector<16xi32>
    %mul3A_741 = arith.constant 512 : i32
    %mul3A_742 = vector.broadcast %mul3A_741 : i32 to vector<16xi32>
    %mul3A_743 = arith.muli %get3A_740, %mul3A_742 : vector<16xi32>
    %get3A_744 = arith.constant 368 : index
    %get3A_745 = tpu.vector_load %arg5[%get3A_744] {strides = array<i32>} : memref<512xi32, #tpu.memory_space<vmem>>, vector<16xi32>,
    %get3A_746 = vector.shape_cast %get3A_745 : vector<16xi32> to vector<16xi32>
    %add3A_747 = arith.addi %mul3A_743, %get3A_746 : vector<16xi32>
    %add3A_748 = vector.broadcast %mul3A_20 : i32 to vector<16xi32>
    %add3A_749 = arith.addi %add3A_747, %add3A_748 : vector<16xi32>
    %shift_right_logical3A_750 = arith.constant 2 : i32
    %shift_right_logical3A_751 = vector.broadcast %shift_right_logical3A_750 : i32 to vector<16xi32>
    %shift_right_logical3A_752 = arith.shrui %add3A_749, %shift_right_logical3A_751 : vector<16xi32>
    %swap3A_753 = arith.constant 2 : i32
    %swap3A_754 = arith.index_cast %swap3A_753 : i32 to index
    %swap3A_755 = arith.constant 112 : index
    %swap3A_756 = tpu.vector_load %arg7[%swap3A_754, %swap3A_755] {strides = array<i32>} : memref<4x128xi32, #tpu.memory_space<vmem>>, vector<1x16xi32>,
    %swap3A_757 = vector.shape_cast %swap3A_756 : vector<1x16xi32> to vector<16xi32>
    %swap3A_758 = vector.shape_cast %shift_right_logical3A_752 : vector<16xi32> to vector<1x16xi32>
    tpu.vector_store %arg7[%swap3A_754, %swap3A_755], %swap3A_758 {strides = array<i32>} : memref<4x128xi32, #tpu.memory_space<vmem>>, vector<1x16xi32>,
    %and3A_759 = arith.constant 3 : i32
    %and3A_760 = vector.broadcast %and3A_759 : i32 to vector<16xi32>
    %and3A_761 = arith.andi %add3A_749, %and3A_760 : vector<16xi32>
    %shift_left3A_762 = arith.constant 3 : i32
    %shift_left3A_763 = vector.broadcast %shift_left3A_762 : i32 to vector<16xi32>
    %shift_left3A_764 = arith.shli %and3A_761, %shift_left3A_763 : vector<16xi32>
    %swap3A_765 = arith.constant 368 : index
    %swap3A_766 = tpu.vector_load %arg8[%swap3A_765] {strides = array<i32>} : memref<512xi32, #tpu.memory_space<vmem>>, vector<16xi32>,
    %swap3A_767 = vector.shape_cast %swap3A_766 : vector<16xi32> to vector<16xi32>
    %swap3A_768 = vector.shape_cast %shift_left3A_764 : vector<16xi32> to vector<16xi32>
    tpu.vector_store %arg8[%swap3A_765], %swap3A_768 {strides = array<i32>} : memref<512xi32, #tpu.memory_space<vmem>>, vector<16xi32>,
    %get3A_769 = arith.constant 384 : index
    %get3A_770 = tpu.vector_load %arg6[%get3A_769] {strides = array<i32>} : memref<512xi32, #tpu.memory_space<vmem>>, vector<16xi32>,
    %get3A_771 = vector.shape_cast %get3A_770 : vector<16xi32> to vector<16xi32>
    %mul3A_772 = arith.constant 512 : i32
    %mul3A_773 = vector.broadcast %mul3A_772 : i32 to vector<16xi32>
    %mul3A_774 = arith.muli %get3A_771, %mul3A_773 : vector<16xi32>
    %get3A_775 = arith.constant 384 : index
    %get3A_776 = tpu.vector_load %arg5[%get3A_775] {strides = array<i32>} : memref<512xi32, #tpu.memory_space<vmem>>, vector<16xi32>,
    %get3A_777 = vector.shape_cast %get3A_776 : vector<16xi32> to vector<16xi32>
    %add3A_778 = arith.addi %mul3A_774, %get3A_777 : vector<16xi32>
    %add3A_779 = vector.broadcast %mul3A_20 : i32 to vector<16xi32>
    %add3A_780 = arith.addi %add3A_778, %add3A_779 : vector<16xi32>
    %shift_right_logical3A_781 = arith.constant 2 : i32
    %shift_right_logical3A_782 = vector.broadcast %shift_right_logical3A_781 : i32 to vector<16xi32>
    %shift_right_logical3A_783 = arith.shrui %add3A_780, %shift_right_logical3A_782 : vector<16xi32>
    %swap3A_784 = arith.constant 3 : i32
    %swap3A_785 = arith.index_cast %swap3A_784 : i32 to index
    %swap3A_786 = arith.constant 0 : index
    %swap3A_787 = tpu.vector_load %arg7[%swap3A_785, %swap3A_786] {strides = array<i32>} : memref<4x128xi32, #tpu.memory_space<vmem>>, vector<1x16xi32>,
    %swap3A_788 = vector.shape_cast %swap3A_787 : vector<1x16xi32> to vector<16xi32>
    %swap3A_789 = vector.shape_cast %shift_right_logical3A_783 : vector<16xi32> to vector<1x16xi32>
    tpu.vector_store %arg7[%swap3A_785, %swap3A_786], %swap3A_789 {strides = array<i32>} : memref<4x128xi32, #tpu.memory_space<vmem>>, vector<1x16xi32>,
    %and3A_790 = arith.constant 3 : i32
    %and3A_791 = vector.broadcast %and3A_790 : i32 to vector<16xi32>
    %and3A_792 = arith.andi %add3A_780, %and3A_791 : vector<16xi32>
    %shift_left3A_793 = arith.constant 3 : i32
    %shift_left3A_794 = vector.broadcast %shift_left3A_793 : i32 to vector<16xi32>
    %shift_left3A_795 = arith.shli %and3A_792, %shift_left3A_794 : vector<16xi32>
    %swap3A_796 = arith.constant 384 : index
    %swap3A_797 = tpu.vector_load %arg8[%swap3A_796] {strides = array<i32>} : memref<512xi32, #tpu.memory_space<vmem>>, vector<16xi32>,
    %swap3A_798 = vector.shape_cast %swap3A_797 : vector<16xi32> to vector<16xi32>
    %swap3A_799 = vector.shape_cast %shift_left3A_795 : vector<16xi32> to vector<16xi32>
    tpu.vector_store %arg8[%swap3A_796], %swap3A_799 {strides = array<i32>} : memref<512xi32, #tpu.memory_space<vmem>>, vector<16xi32>,
    %get3A_800 = arith.constant 400 : index
    %get3A_801 = tpu.vector_load %arg6[%get3A_800] {strides = array<i32>} : memref<512xi32, #tpu.memory_space<vmem>>, vector<16xi32>,
    %get3A_802 = vector.shape_cast %get3A_801 : vector<16xi32> to vector<16xi32>
    %mul3A_803 = arith.constant 512 : i32
    %mul3A_804 = vector.broadcast %mul3A_803 : i32 to vector<16xi32>
    %mul3A_805 = arith.muli %get3A_802, %mul3A_804 : vector<16xi32>
    %get3A_806 = arith.constant 400 : index
    %get3A_807 = tpu.vector_load %arg5[%get3A_806] {strides = array<i32>} : memref<512xi32, #tpu.memory_space<vmem>>, vector<16xi32>,
    %get3A_808 = vector.shape_cast %get3A_807 : vector<16xi32> to vector<16xi32>
    %add3A_809 = arith.addi %mul3A_805, %get3A_808 : vector<16xi32>
    %add3A_810 = vector.broadcast %mul3A_20 : i32 to vector<16xi32>
    %add3A_811 = arith.addi %add3A_809, %add3A_810 : vector<16xi32>
    %shift_right_logical3A_812 = arith.constant 2 : i32
    %shift_right_logical3A_813 = vector.broadcast %shift_right_logical3A_812 : i32 to vector<16xi32>
    %shift_right_logical3A_814 = arith.shrui %add3A_811, %shift_right_logical3A_813 : vector<16xi32>
    %swap3A_815 = arith.constant 3 : i32
    %swap3A_816 = arith.index_cast %swap3A_815 : i32 to index
    %swap3A_817 = arith.constant 16 : index
    %swap3A_818 = tpu.vector_load %arg7[%swap3A_816, %swap3A_817] {strides = array<i32>} : memref<4x128xi32, #tpu.memory_space<vmem>>, vector<1x16xi32>,
    %swap3A_819 = vector.shape_cast %swap3A_818 : vector<1x16xi32> to vector<16xi32>
    %swap3A_820 = vector.shape_cast %shift_right_logical3A_814 : vector<16xi32> to vector<1x16xi32>
    tpu.vector_store %arg7[%swap3A_816, %swap3A_817], %swap3A_820 {strides = array<i32>} : memref<4x128xi32, #tpu.memory_space<vmem>>, vector<1x16xi32>,
    %and3A_821 = arith.constant 3 : i32
    %and3A_822 = vector.broadcast %and3A_821 : i32 to vector<16xi32>
    %and3A_823 = arith.andi %add3A_811, %and3A_822 : vector<16xi32>
    %shift_left3A_824 = arith.constant 3 : i32
    %shift_left3A_825 = vector.broadcast %shift_left3A_824 : i32 to vector<16xi32>
    %shift_left3A_826 = arith.shli %and3A_823, %shift_left3A_825 : vector<16xi32>
    %swap3A_827 = arith.constant 400 : index
    %swap3A_828 = tpu.vector_load %arg8[%swap3A_827] {strides = array<i32>} : memref<512xi32, #tpu.memory_space<vmem>>, vector<16xi32>,
    %swap3A_829 = vector.shape_cast %swap3A_828 : vector<16xi32> to vector<16xi32>
    %swap3A_830 = vector.shape_cast %shift_left3A_826 : vector<16xi32> to vector<16xi32>
    tpu.vector_store %arg8[%swap3A_827], %swap3A_830 {strides = array<i32>} : memref<512xi32, #tpu.memory_space<vmem>>, vector<16xi32>,
    %get3A_831 = arith.constant 416 : index
    %get3A_832 = tpu.vector_load %arg6[%get3A_831] {strides = array<i32>} : memref<512xi32, #tpu.memory_space<vmem>>, vector<16xi32>,
    %get3A_833 = vector.shape_cast %get3A_832 : vector<16xi32> to vector<16xi32>
    %mul3A_834 = arith.constant 512 : i32
    %mul3A_835 = vector.broadcast %mul3A_834 : i32 to vector<16xi32>
    %mul3A_836 = arith.muli %get3A_833, %mul3A_835 : vector<16xi32>
    %get3A_837 = arith.constant 416 : index
    %get3A_838 = tpu.vector_load %arg5[%get3A_837] {strides = array<i32>} : memref<512xi32, #tpu.memory_space<vmem>>, vector<16xi32>,
    %get3A_839 = vector.shape_cast %get3A_838 : vector<16xi32> to vector<16xi32>
    %add3A_840 = arith.addi %mul3A_836, %get3A_839 : vector<16xi32>
    %add3A_841 = vector.broadcast %mul3A_20 : i32 to vector<16xi32>
    %add3A_842 = arith.addi %add3A_840, %add3A_841 : vector<16xi32>
    %shift_right_logical3A_843 = arith.constant 2 : i32
    %shift_right_logical3A_844 = vector.broadcast %shift_right_logical3A_843 : i32 to vector<16xi32>
    %shift_right_logical3A_845 = arith.shrui %add3A_842, %shift_right_logical3A_844 : vector<16xi32>
    %swap3A_846 = arith.constant 3 : i32
    %swap3A_847 = arith.index_cast %swap3A_846 : i32 to index
    %swap3A_848 = arith.constant 32 : index
    %swap3A_849 = tpu.vector_load %arg7[%swap3A_847, %swap3A_848] {strides = array<i32>} : memref<4x128xi32, #tpu.memory_space<vmem>>, vector<1x16xi32>,
    %swap3A_850 = vector.shape_cast %swap3A_849 : vector<1x16xi32> to vector<16xi32>
    %swap3A_851 = vector.shape_cast %shift_right_logical3A_845 : vector<16xi32> to vector<1x16xi32>
    tpu.vector_store %arg7[%swap3A_847, %swap3A_848], %swap3A_851 {strides = array<i32>} : memref<4x128xi32, #tpu.memory_space<vmem>>, vector<1x16xi32>,
    %and3A_852 = arith.constant 3 : i32
    %and3A_853 = vector.broadcast %and3A_852 : i32 to vector<16xi32>
    %and3A_854 = arith.andi %add3A_842, %and3A_853 : vector<16xi32>
    %shift_left3A_855 = arith.constant 3 : i32
    %shift_left3A_856 = vector.broadcast %shift_left3A_855 : i32 to vector<16xi32>
    %shift_left3A_857 = arith.shli %and3A_854, %shift_left3A_856 : vector<16xi32>
    %swap3A_858 = arith.constant 416 : index
    %swap3A_859 = tpu.vector_load %arg8[%swap3A_858] {strides = array<i32>} : memref<512xi32, #tpu.memory_space<vmem>>, vector<16xi32>,
    %swap3A_860 = vector.shape_cast %swap3A_859 : vector<16xi32> to vector<16xi32>
    %swap3A_861 = vector.shape_cast %shift_left3A_857 : vector<16xi32> to vector<16xi32>
    tpu.vector_store %arg8[%swap3A_858], %swap3A_861 {strides = array<i32>} : memref<512xi32, #tpu.memory_space<vmem>>, vector<16xi32>,
    %get3A_862 = arith.constant 432 : index
    %get3A_863 = tpu.vector_load %arg6[%get3A_862] {strides = array<i32>} : memref<512xi32, #tpu.memory_space<vmem>>, vector<16xi32>,
    %get3A_864 = vector.shape_cast %get3A_863 : vector<16xi32> to vector<16xi32>
    %mul3A_865 = arith.constant 512 : i32
    %mul3A_866 = vector.broadcast %mul3A_865 : i32 to vector<16xi32>
    %mul3A_867 = arith.muli %get3A_864, %mul3A_866 : vector<16xi32>
    %get3A_868 = arith.constant 432 : index
    %get3A_869 = tpu.vector_load %arg5[%get3A_868] {strides = array<i32>} : memref<512xi32, #tpu.memory_space<vmem>>, vector<16xi32>,
    %get3A_870 = vector.shape_cast %get3A_869 : vector<16xi32> to vector<16xi32>
    %add3A_871 = arith.addi %mul3A_867, %get3A_870 : vector<16xi32>
    %add3A_872 = vector.broadcast %mul3A_20 : i32 to vector<16xi32>
    %add3A_873 = arith.addi %add3A_871, %add3A_872 : vector<16xi32>
    %shift_right_logical3A_874 = arith.constant 2 : i32
    %shift_right_logical3A_875 = vector.broadcast %shift_right_logical3A_874 : i32 to vector<16xi32>
    %shift_right_logical3A_876 = arith.shrui %add3A_873, %shift_right_logical3A_875 : vector<16xi32>
    %swap3A_877 = arith.constant 3 : i32
    %swap3A_878 = arith.index_cast %swap3A_877 : i32 to index
    %swap3A_879 = arith.constant 48 : index
    %swap3A_880 = tpu.vector_load %arg7[%swap3A_878, %swap3A_879] {strides = array<i32>} : memref<4x128xi32, #tpu.memory_space<vmem>>, vector<1x16xi32>,
    %swap3A_881 = vector.shape_cast %swap3A_880 : vector<1x16xi32> to vector<16xi32>
    %swap3A_882 = vector.shape_cast %shift_right_logical3A_876 : vector<16xi32> to vector<1x16xi32>
    tpu.vector_store %arg7[%swap3A_878, %swap3A_879], %swap3A_882 {strides = array<i32>} : memref<4x128xi32, #tpu.memory_space<vmem>>, vector<1x16xi32>,
    %and3A_883 = arith.constant 3 : i32
    %and3A_884 = vector.broadcast %and3A_883 : i32 to vector<16xi32>
    %and3A_885 = arith.andi %add3A_873, %and3A_884 : vector<16xi32>
    %shift_left3A_886 = arith.constant 3 : i32
    %shift_left3A_887 = vector.broadcast %shift_left3A_886 : i32 to vector<16xi32>
    %shift_left3A_888 = arith.shli %and3A_885, %shift_left3A_887 : vector<16xi32>
    %swap3A_889 = arith.constant 432 : index
    %swap3A_890 = tpu.vector_load %arg8[%swap3A_889] {strides = array<i32>} : memref<512xi32, #tpu.memory_space<vmem>>, vector<16xi32>,
    %swap3A_891 = vector.shape_cast %swap3A_890 : vector<16xi32> to vector<16xi32>
    %swap3A_892 = vector.shape_cast %shift_left3A_888 : vector<16xi32> to vector<16xi32>
    tpu.vector_store %arg8[%swap3A_889], %swap3A_892 {strides = array<i32>} : memref<512xi32, #tpu.memory_space<vmem>>, vector<16xi32>,
    %get3A_893 = arith.constant 448 : index
    %get3A_894 = tpu.vector_load %arg6[%get3A_893] {strides = array<i32>} : memref<512xi32, #tpu.memory_space<vmem>>, vector<16xi32>,
    %get3A_895 = vector.shape_cast %get3A_894 : vector<16xi32> to vector<16xi32>
    %mul3A_896 = arith.constant 512 : i32
    %mul3A_897 = vector.broadcast %mul3A_896 : i32 to vector<16xi32>
    %mul3A_898 = arith.muli %get3A_895, %mul3A_897 : vector<16xi32>
    %get3A_899 = arith.constant 448 : index
    %get3A_900 = tpu.vector_load %arg5[%get3A_899] {strides = array<i32>} : memref<512xi32, #tpu.memory_space<vmem>>, vector<16xi32>,
    %get3A_901 = vector.shape_cast %get3A_900 : vector<16xi32> to vector<16xi32>
    %add3A_902 = arith.addi %mul3A_898, %get3A_901 : vector<16xi32>
    %add3A_903 = vector.broadcast %mul3A_20 : i32 to vector<16xi32>
    %add3A_904 = arith.addi %add3A_902, %add3A_903 : vector<16xi32>
    %shift_right_logical3A_905 = arith.constant 2 : i32
    %shift_right_logical3A_906 = vector.broadcast %shift_right_logical3A_905 : i32 to vector<16xi32>
    %shift_right_logical3A_907 = arith.shrui %add3A_904, %shift_right_logical3A_906 : vector<16xi32>
    %swap3A_908 = arith.constant 3 : i32
    %swap3A_909 = arith.index_cast %swap3A_908 : i32 to index
    %swap3A_910 = arith.constant 64 : index
    %swap3A_911 = tpu.vector_load %arg7[%swap3A_909, %swap3A_910] {strides = array<i32>} : memref<4x128xi32, #tpu.memory_space<vmem>>, vector<1x16xi32>,
    %swap3A_912 = vector.shape_cast %swap3A_911 : vector<1x16xi32> to vector<16xi32>
    %swap3A_913 = vector.shape_cast %shift_right_logical3A_907 : vector<16xi32> to vector<1x16xi32>
    tpu.vector_store %arg7[%swap3A_909, %swap3A_910], %swap3A_913 {strides = array<i32>} : memref<4x128xi32, #tpu.memory_space<vmem>>, vector<1x16xi32>,
    %and3A_914 = arith.constant 3 : i32
    %and3A_915 = vector.broadcast %and3A_914 : i32 to vector<16xi32>
    %and3A_916 = arith.andi %add3A_904, %and3A_915 : vector<16xi32>
    %shift_left3A_917 = arith.constant 3 : i32
    %shift_left3A_918 = vector.broadcast %shift_left3A_917 : i32 to vector<16xi32>
    %shift_left3A_919 = arith.shli %and3A_916, %shift_left3A_918 : vector<16xi32>
    %swap3A_920 = arith.constant 448 : index
    %swap3A_921 = tpu.vector_load %arg8[%swap3A_920] {strides = array<i32>} : memref<512xi32, #tpu.memory_space<vmem>>, vector<16xi32>,
    %swap3A_922 = vector.shape_cast %swap3A_921 : vector<16xi32> to vector<16xi32>
    %swap3A_923 = vector.shape_cast %shift_left3A_919 : vector<16xi32> to vector<16xi32>
    tpu.vector_store %arg8[%swap3A_920], %swap3A_923 {strides = array<i32>} : memref<512xi32, #tpu.memory_space<vmem>>, vector<16xi32>,
    %get3A_924 = arith.constant 464 : index
    %get3A_925 = tpu.vector_load %arg6[%get3A_924] {strides = array<i32>} : memref<512xi32, #tpu.memory_space<vmem>>, vector<16xi32>,
    %get3A_926 = vector.shape_cast %get3A_925 : vector<16xi32> to vector<16xi32>
    %mul3A_927 = arith.constant 512 : i32
    %mul3A_928 = vector.broadcast %mul3A_927 : i32 to vector<16xi32>
    %mul3A_929 = arith.muli %get3A_926, %mul3A_928 : vector<16xi32>
    %get3A_930 = arith.constant 464 : index
    %get3A_931 = tpu.vector_load %arg5[%get3A_930] {strides = array<i32>} : memref<512xi32, #tpu.memory_space<vmem>>, vector<16xi32>,
    %get3A_932 = vector.shape_cast %get3A_931 : vector<16xi32> to vector<16xi32>
    %add3A_933 = arith.addi %mul3A_929, %get3A_932 : vector<16xi32>
    %add3A_934 = vector.broadcast %mul3A_20 : i32 to vector<16xi32>
    %add3A_935 = arith.addi %add3A_933, %add3A_934 : vector<16xi32>
    %shift_right_logical3A_936 = arith.constant 2 : i32
    %shift_right_logical3A_937 = vector.broadcast %shift_right_logical3A_936 : i32 to vector<16xi32>
    %shift_right_logical3A_938 = arith.shrui %add3A_935, %shift_right_logical3A_937 : vector<16xi32>
    %swap3A_939 = arith.constant 3 : i32
    %swap3A_940 = arith.index_cast %swap3A_939 : i32 to index
    %swap3A_941 = arith.constant 80 : index
    %swap3A_942 = tpu.vector_load %arg7[%swap3A_940, %swap3A_941] {strides = array<i32>} : memref<4x128xi32, #tpu.memory_space<vmem>>, vector<1x16xi32>,
    %swap3A_943 = vector.shape_cast %swap3A_942 : vector<1x16xi32> to vector<16xi32>
    %swap3A_944 = vector.shape_cast %shift_right_logical3A_938 : vector<16xi32> to vector<1x16xi32>
    tpu.vector_store %arg7[%swap3A_940, %swap3A_941], %swap3A_944 {strides = array<i32>} : memref<4x128xi32, #tpu.memory_space<vmem>>, vector<1x16xi32>,
    %and3A_945 = arith.constant 3 : i32
    %and3A_946 = vector.broadcast %and3A_945 : i32 to vector<16xi32>
    %and3A_947 = arith.andi %add3A_935, %and3A_946 : vector<16xi32>
    %shift_left3A_948 = arith.constant 3 : i32
    %shift_left3A_949 = vector.broadcast %shift_left3A_948 : i32 to vector<16xi32>
    %shift_left3A_950 = arith.shli %and3A_947, %shift_left3A_949 : vector<16xi32>
    %swap3A_951 = arith.constant 464 : index
    %swap3A_952 = tpu.vector_load %arg8[%swap3A_951] {strides = array<i32>} : memref<512xi32, #tpu.memory_space<vmem>>, vector<16xi32>,
    %swap3A_953 = vector.shape_cast %swap3A_952 : vector<16xi32> to vector<16xi32>
    %swap3A_954 = vector.shape_cast %shift_left3A_950 : vector<16xi32> to vector<16xi32>
    tpu.vector_store %arg8[%swap3A_951], %swap3A_954 {strides = array<i32>} : memref<512xi32, #tpu.memory_space<vmem>>, vector<16xi32>,
    %get3A_955 = arith.constant 480 : index
    %get3A_956 = tpu.vector_load %arg6[%get3A_955] {strides = array<i32>} : memref<512xi32, #tpu.memory_space<vmem>>, vector<16xi32>,
    %get3A_957 = vector.shape_cast %get3A_956 : vector<16xi32> to vector<16xi32>
    %mul3A_958 = arith.constant 512 : i32
    %mul3A_959 = vector.broadcast %mul3A_958 : i32 to vector<16xi32>
    %mul3A_960 = arith.muli %get3A_957, %mul3A_959 : vector<16xi32>
    %get3A_961 = arith.constant 480 : index
    %get3A_962 = tpu.vector_load %arg5[%get3A_961] {strides = array<i32>} : memref<512xi32, #tpu.memory_space<vmem>>, vector<16xi32>,
    %get3A_963 = vector.shape_cast %get3A_962 : vector<16xi32> to vector<16xi32>
    %add3A_964 = arith.addi %mul3A_960, %get3A_963 : vector<16xi32>
    %add3A_965 = vector.broadcast %mul3A_20 : i32 to vector<16xi32>
    %add3A_966 = arith.addi %add3A_964, %add3A_965 : vector<16xi32>
    %shift_right_logical3A_967 = arith.constant 2 : i32
    %shift_right_logical3A_968 = vector.broadcast %shift_right_logical3A_967 : i32 to vector<16xi32>
    %shift_right_logical3A_969 = arith.shrui %add3A_966, %shift_right_logical3A_968 : vector<16xi32>
    %swap3A_970 = arith.constant 3 : i32
    %swap3A_971 = arith.index_cast %swap3A_970 : i32 to index
    %swap3A_972 = arith.constant 96 : index
    %swap3A_973 = tpu.vector_load %arg7[%swap3A_971, %swap3A_972] {strides = array<i32>} : memref<4x128xi32, #tpu.memory_space<vmem>>, vector<1x16xi32>,
    %swap3A_974 = vector.shape_cast %swap3A_973 : vector<1x16xi32> to vector<16xi32>
    %swap3A_975 = vector.shape_cast %shift_right_logical3A_969 : vector<16xi32> to vector<1x16xi32>
    tpu.vector_store %arg7[%swap3A_971, %swap3A_972], %swap3A_975 {strides = array<i32>} : memref<4x128xi32, #tpu.memory_space<vmem>>, vector<1x16xi32>,
    %and3A_976 = arith.constant 3 : i32
    %and3A_977 = vector.broadcast %and3A_976 : i32 to vector<16xi32>
    %and3A_978 = arith.andi %add3A_966, %and3A_977 : vector<16xi32>
    %shift_left3A_979 = arith.constant 3 : i32
    %shift_left3A_980 = vector.broadcast %shift_left3A_979 : i32 to vector<16xi32>
    %shift_left3A_981 = arith.shli %and3A_978, %shift_left3A_980 : vector<16xi32>
    %swap3A_982 = arith.constant 480 : index
    %swap3A_983 = tpu.vector_load %arg8[%swap3A_982] {strides = array<i32>} : memref<512xi32, #tpu.memory_space<vmem>>, vector<16xi32>,
    %swap3A_984 = vector.shape_cast %swap3A_983 : vector<16xi32> to vector<16xi32>
    %swap3A_985 = vector.shape_cast %shift_left3A_981 : vector<16xi32> to vector<16xi32>
    tpu.vector_store %arg8[%swap3A_982], %swap3A_985 {strides = array<i32>} : memref<512xi32, #tpu.memory_space<vmem>>, vector<16xi32>,
    %get3A_986 = arith.constant 496 : index
    %get3A_987 = tpu.vector_load %arg6[%get3A_986] {strides = array<i32>} : memref<512xi32, #tpu.memory_space<vmem>>, vector<16xi32>,
    %get3A_988 = vector.shape_cast %get3A_987 : vector<16xi32> to vector<16xi32>
    %mul3A_989 = arith.constant 512 : i32
    %mul3A_990 = vector.broadcast %mul3A_989 : i32 to vector<16xi32>
    %mul3A_991 = arith.muli %get3A_988, %mul3A_990 : vector<16xi32>
    %get3A_992 = arith.constant 496 : index
    %get3A_993 = tpu.vector_load %arg5[%get3A_992] {strides = array<i32>} : memref<512xi32, #tpu.memory_space<vmem>>, vector<16xi32>,
    %get3A_994 = vector.shape_cast %get3A_993 : vector<16xi32> to vector<16xi32>
    %add3A_995 = arith.addi %mul3A_991, %get3A_994 : vector<16xi32>
    %add3A_996 = vector.broadcast %mul3A_20 : i32 to vector<16xi32>
    %add3A_997 = arith.addi %add3A_995, %add3A_996 : vector<16xi32>
    %shift_right_logical3A_998 = arith.constant 2 : i32
    %shift_right_logical3A_999 = vector.broadcast %shift_right_logical3A_998 : i32 to vector<16xi32>
    %shift_right_logical3A_1000 = arith.shrui %add3A_997, %shift_right_logical3A_999 : vector<16xi32>
    %swap3A_1001 = arith.constant 3 : i32
    %swap3A_1002 = arith.index_cast %swap3A_1001 : i32 to index
    %swap3A_1003 = arith.constant 112 : index
    %swap3A_1004 = tpu.vector_load %arg7[%swap3A_1002, %swap3A_1003] {strides = array<i32>} : memref<4x128xi32, #tpu.memory_space<vmem>>, vector<1x16xi32>,
    %swap3A_1005 = vector.shape_cast %swap3A_1004 : vector<1x16xi32> to vector<16xi32>
    %swap3A_1006 = vector.shape_cast %shift_right_logical3A_1000 : vector<16xi32> to vector<1x16xi32>
    tpu.vector_store %arg7[%swap3A_1002, %swap3A_1003], %swap3A_1006 {strides = array<i32>} : memref<4x128xi32, #tpu.memory_space<vmem>>, vector<1x16xi32>,
    %and3A_1007 = arith.constant 3 : i32
    %and3A_1008 = vector.broadcast %and3A_1007 : i32 to vector<16xi32>
    %and3A_1009 = arith.andi %add3A_997, %and3A_1008 : vector<16xi32>
    %shift_left3A_1010 = arith.constant 3 : i32
    %shift_left3A_1011 = vector.broadcast %shift_left3A_1010 : i32 to vector<16xi32>
    %shift_left3A_1012 = arith.shli %and3A_1009, %shift_left3A_1011 : vector<16xi32>
    %swap3A_1013 = arith.constant 496 : index
    %swap3A_1014 = tpu.vector_load %arg8[%swap3A_1013] {strides = array<i32>} : memref<512xi32, #tpu.memory_space<vmem>>, vector<16xi32>,
    %swap3A_1015 = vector.shape_cast %swap3A_1014 : vector<16xi32> to vector<16xi32>
    %swap3A_1016 = vector.shape_cast %shift_left3A_1012 : vector<16xi32> to vector<16xi32>
    tpu.vector_store %arg8[%swap3A_1013], %swap3A_1016 {strides = array<i32>} : memref<512xi32, #tpu.memory_space<vmem>>, vector<16xi32>,
    %dma_start3A_1017 = arith.constant 0 : i32
    %dma_start3A_1018 = arith.constant 0 : i32
    %dma_start3A_1019 = tpu.memref_slice %arg9[%dma_start3A_1018] : memref<512xi32, #tpu.memory_space<vmem>> -> memref<128xi32, #tpu.memory_space<vmem>>
    %dma_start3A_1020 = arith.constant 0 : i32
    %dma_start3A_1021 = tpu.memref_slice %arg7[%dma_start3A_1017, %dma_start3A_1020] : memref<4x128xi32, #tpu.memory_space<vmem>> -> memref<1x128xi32, #tpu.memory_space<vmem>>
    %dma_start3A_1022 = tpu.memref_squeeze %dma_start3A_1021 : memref<1x128xi32, #tpu.memory_space<vmem>> -> memref<128xi32, #tpu.memory_space<vmem>>
    %dma_start3A_1023 = arith.constant 0 : i32
    %dma_start3A_1024 = tpu.memref_slice %arg3[%dma_start3A_1023] : memref<262144xi32, #tpu.memory_space<hbm>> -> memref<262144xi32, #tpu.memory_space<hbm>>
    tpu.enqueue_indirect_dma source(%dma_start3A_1024 : memref<262144xi32, #tpu.memory_space<hbm>>) target(%dma_start3A_1019 : memref<128xi32, #tpu.memory_space<vmem>>) offsets(%dma_start3A_1022 : memref<128xi32, #tpu.memory_space<vmem>>) semaphore(%arg11 : memref<!tpu.dma_semaphore, #tpu.memory_space<semaphore_mem>>)
    %dma_start3A_1025 = arith.constant 1 : i32
    %dma_start3A_1026 = arith.constant 128 : i32
    %dma_start3A_1027 = tpu.memref_slice %arg9[%dma_start3A_1026] : memref<512xi32, #tpu.memory_space<vmem>> -> memref<128xi32, #tpu.memory_space<vmem>>
    %dma_start3A_1028 = arith.constant 0 : i32
    %dma_start3A_1029 = tpu.memref_slice %arg7[%dma_start3A_1025, %dma_start3A_1028] : memref<4x128xi32, #tpu.memory_space<vmem>> -> memref<1x128xi32, #tpu.memory_space<vmem>>
    %dma_start3A_1030 = tpu.memref_squeeze %dma_start3A_1029 : memref<1x128xi32, #tpu.memory_space<vmem>> -> memref<128xi32, #tpu.memory_space<vmem>>
    %dma_start3A_1031 = arith.constant 0 : i32
    %dma_start3A_1032 = tpu.memref_slice %arg3[%dma_start3A_1031] : memref<262144xi32, #tpu.memory_space<hbm>> -> memref<262144xi32, #tpu.memory_space<hbm>>
    tpu.enqueue_indirect_dma source(%dma_start3A_1032 : memref<262144xi32, #tpu.memory_space<hbm>>) target(%dma_start3A_1027 : memref<128xi32, #tpu.memory_space<vmem>>) offsets(%dma_start3A_1030 : memref<128xi32, #tpu.memory_space<vmem>>) semaphore(%arg11 : memref<!tpu.dma_semaphore, #tpu.memory_space<semaphore_mem>>)
    %dma_start3A_1033 = arith.constant 2 : i32
    %dma_start3A_1034 = arith.constant 256 : i32
    %dma_start3A_1035 = tpu.memref_slice %arg9[%dma_start3A_1034] : memref<512xi32, #tpu.memory_space<vmem>> -> memref<128xi32, #tpu.memory_space<vmem>>
    %dma_start3A_1036 = arith.constant 0 : i32
    %dma_start3A_1037 = tpu.memref_slice %arg7[%dma_start3A_1033, %dma_start3A_1036] : memref<4x128xi32, #tpu.memory_space<vmem>> -> memref<1x128xi32, #tpu.memory_space<vmem>>
    %dma_start3A_1038 = tpu.memref_squeeze %dma_start3A_1037 : memref<1x128xi32, #tpu.memory_space<vmem>> -> memref<128xi32, #tpu.memory_space<vmem>>
    %dma_start3A_1039 = arith.constant 0 : i32
    %dma_start3A_1040 = tpu.memref_slice %arg3[%dma_start3A_1039] : memref<262144xi32, #tpu.memory_space<hbm>> -> memref<262144xi32, #tpu.memory_space<hbm>>
    tpu.enqueue_indirect_dma source(%dma_start3A_1040 : memref<262144xi32, #tpu.memory_space<hbm>>) target(%dma_start3A_1035 : memref<128xi32, #tpu.memory_space<vmem>>) offsets(%dma_start3A_1038 : memref<128xi32, #tpu.memory_space<vmem>>) semaphore(%arg11 : memref<!tpu.dma_semaphore, #tpu.memory_space<semaphore_mem>>)
    %dma_start3A_1041 = arith.constant 3 : i32
    %dma_start3A_1042 = arith.constant 384 : i32
    %dma_start3A_1043 = tpu.memref_slice %arg9[%dma_start3A_1042] : memref<512xi32, #tpu.memory_space<vmem>> -> memref<128xi32, #tpu.memory_space<vmem>>
    %dma_start3A_1044 = arith.constant 0 : i32
    %dma_start3A_1045 = tpu.memref_slice %arg7[%dma_start3A_1041, %dma_start3A_1044] : memref<4x128xi32, #tpu.memory_space<vmem>> -> memref<1x128xi32, #tpu.memory_space<vmem>>
    %dma_start3A_1046 = tpu.memref_squeeze %dma_start3A_1045 : memref<1x128xi32, #tpu.memory_space<vmem>> -> memref<128xi32, #tpu.memory_space<vmem>>
    %dma_start3A_1047 = arith.constant 0 : i32
    %dma_start3A_1048 = tpu.memref_slice %arg3[%dma_start3A_1047] : memref<262144xi32, #tpu.memory_space<hbm>> -> memref<262144xi32, #tpu.memory_space<hbm>>
    tpu.enqueue_indirect_dma source(%dma_start3A_1048 : memref<262144xi32, #tpu.memory_space<hbm>>) target(%dma_start3A_1043 : memref<128xi32, #tpu.memory_space<vmem>>) offsets(%dma_start3A_1046 : memref<128xi32, #tpu.memory_space<vmem>>) semaphore(%arg11 : memref<!tpu.dma_semaphore, #tpu.memory_space<semaphore_mem>>)
    %dma_wait3A_1049 = arith.constant 0 : i32
    %dma_wait3A_1050 = arith.constant 0 : i32
    %dma_wait3A_1051 = tpu.memref_slice %arg9[%dma_wait3A_1050] : memref<512xi32, #tpu.memory_space<vmem>> -> memref<128xi32, #tpu.memory_space<vmem>>
    %dma_wait3A_1052 = arith.constant 0 : i32
    %dma_wait3A_1053 = tpu.memref_slice %arg7[%dma_wait3A_1049, %dma_wait3A_1052] : memref<4x128xi32, #tpu.memory_space<vmem>> -> memref<1x128xi32, #tpu.memory_space<vmem>>
    %dma_wait3A_1054 = tpu.memref_squeeze %dma_wait3A_1053 : memref<1x128xi32, #tpu.memory_space<vmem>> -> memref<128xi32, #tpu.memory_space<vmem>>
    %dma_wait3A_1055 = arith.constant 0 : i32
    %dma_wait3A_1056 = tpu.memref_slice %arg3[%dma_wait3A_1055] : memref<262144xi32, #tpu.memory_space<hbm>> -> memref<262144xi32, #tpu.memory_space<hbm>>
    tpu.wait_indirect_dma semaphore(%arg11 : memref<!tpu.dma_semaphore, #tpu.memory_space<semaphore_mem>>) src(%dma_wait3A_1056 : memref<262144xi32, #tpu.memory_space<hbm>>) dst(%dma_wait3A_1051 : memref<128xi32, #tpu.memory_space<vmem>>)
    %dma_wait3A_1057 = arith.constant 1 : i32
    %dma_wait3A_1058 = arith.constant 128 : i32
    %dma_wait3A_1059 = tpu.memref_slice %arg9[%dma_wait3A_1058] : memref<512xi32, #tpu.memory_space<vmem>> -> memref<128xi32, #tpu.memory_space<vmem>>
    %dma_wait3A_1060 = arith.constant 0 : i32
    %dma_wait3A_1061 = tpu.memref_slice %arg7[%dma_wait3A_1057, %dma_wait3A_1060] : memref<4x128xi32, #tpu.memory_space<vmem>> -> memref<1x128xi32, #tpu.memory_space<vmem>>
    %dma_wait3A_1062 = tpu.memref_squeeze %dma_wait3A_1061 : memref<1x128xi32, #tpu.memory_space<vmem>> -> memref<128xi32, #tpu.memory_space<vmem>>
    %dma_wait3A_1063 = arith.constant 0 : i32
    %dma_wait3A_1064 = tpu.memref_slice %arg3[%dma_wait3A_1063] : memref<262144xi32, #tpu.memory_space<hbm>> -> memref<262144xi32, #tpu.memory_space<hbm>>
    tpu.wait_indirect_dma semaphore(%arg11 : memref<!tpu.dma_semaphore, #tpu.memory_space<semaphore_mem>>) src(%dma_wait3A_1064 : memref<262144xi32, #tpu.memory_space<hbm>>) dst(%dma_wait3A_1059 : memref<128xi32, #tpu.memory_space<vmem>>)
    %dma_wait3A_1065 = arith.constant 2 : i32
    %dma_wait3A_1066 = arith.constant 256 : i32
    %dma_wait3A_1067 = tpu.memref_slice %arg9[%dma_wait3A_1066] : memref<512xi32, #tpu.memory_space<vmem>> -> memref<128xi32, #tpu.memory_space<vmem>>
    %dma_wait3A_1068 = arith.constant 0 : i32
    %dma_wait3A_1069 = tpu.memref_slice %arg7[%dma_wait3A_1065, %dma_wait3A_1068] : memref<4x128xi32, #tpu.memory_space<vmem>> -> memref<1x128xi32, #tpu.memory_space<vmem>>
    %dma_wait3A_1070 = tpu.memref_squeeze %dma_wait3A_1069 : memref<1x128xi32, #tpu.memory_space<vmem>> -> memref<128xi32, #tpu.memory_space<vmem>>
    %dma_wait3A_1071 = arith.constant 0 : i32
    %dma_wait3A_1072 = tpu.memref_slice %arg3[%dma_wait3A_1071] : memref<262144xi32, #tpu.memory_space<hbm>> -> memref<262144xi32, #tpu.memory_space<hbm>>
    tpu.wait_indirect_dma semaphore(%arg11 : memref<!tpu.dma_semaphore, #tpu.memory_space<semaphore_mem>>) src(%dma_wait3A_1072 : memref<262144xi32, #tpu.memory_space<hbm>>) dst(%dma_wait3A_1067 : memref<128xi32, #tpu.memory_space<vmem>>)
    %dma_wait3A_1073 = arith.constant 3 : i32
    %dma_wait3A_1074 = arith.constant 384 : i32
    %dma_wait3A_1075 = tpu.memref_slice %arg9[%dma_wait3A_1074] : memref<512xi32, #tpu.memory_space<vmem>> -> memref<128xi32, #tpu.memory_space<vmem>>
    %dma_wait3A_1076 = arith.constant 0 : i32
    %dma_wait3A_1077 = tpu.memref_slice %arg7[%dma_wait3A_1073, %dma_wait3A_1076] : memref<4x128xi32, #tpu.memory_space<vmem>> -> memref<1x128xi32, #tpu.memory_space<vmem>>
    %dma_wait3A_1078 = tpu.memref_squeeze %dma_wait3A_1077 : memref<1x128xi32, #tpu.memory_space<vmem>> -> memref<128xi32, #tpu.memory_space<vmem>>
    %dma_wait3A_1079 = arith.constant 0 : i32
    %dma_wait3A_1080 = tpu.memref_slice %arg3[%dma_wait3A_1079] : memref<262144xi32, #tpu.memory_space<hbm>> -> memref<262144xi32, #tpu.memory_space<hbm>>
    tpu.wait_indirect_dma semaphore(%arg11 : memref<!tpu.dma_semaphore, #tpu.memory_space<semaphore_mem>>) src(%dma_wait3A_1080 : memref<262144xi32, #tpu.memory_space<hbm>>) dst(%dma_wait3A_1075 : memref<128xi32, #tpu.memory_space<vmem>>)
    %get3A_1081 = arith.constant 0 : index
    %get3A_1082 = tpu.vector_load %arg9[%get3A_1081] {strides = array<i32>} : memref<512xi32, #tpu.memory_space<vmem>>, vector<16xi32>,
    %get3A_1083 = vector.shape_cast %get3A_1082 : vector<16xi32> to vector<16xi32>
    %get3A_1084 = arith.constant 0 : index
    %get3A_1085 = tpu.vector_load %arg8[%get3A_1084] {strides = array<i32>} : memref<512xi32, #tpu.memory_space<vmem>>, vector<16xi32>,
    %get3A_1086 = vector.shape_cast %get3A_1085 : vector<16xi32> to vector<16xi32>
    %shift_right_logical3A_1087 = arith.shrui %get3A_1083, %get3A_1086 : vector<16xi32>
    %and3A_1088 = arith.constant 255 : i32
    %and3A_1089 = vector.broadcast %and3A_1088 : i32 to vector<16xi32>
    %and3A_1090 = arith.andi %shift_right_logical3A_1087, %and3A_1089 : vector<16xi32>
    %swap3A_1091 = arith.constant 0 : index
    %swap3A_1092 = tpu.vector_load %arg10[%swap3A_1091] {strides = array<i32>} : memref<512xi32, #tpu.memory_space<vmem>>, vector<16xi32>,
    %swap3A_1093 = vector.shape_cast %swap3A_1092 : vector<16xi32> to vector<16xi32>
    %swap3A_1094 = vector.shape_cast %and3A_1090 : vector<16xi32> to vector<16xi32>
    tpu.vector_store %arg10[%swap3A_1091], %swap3A_1094 {strides = array<i32>} : memref<512xi32, #tpu.memory_space<vmem>>, vector<16xi32>,
    %get3A_1095 = arith.constant 16 : index
    %get3A_1096 = tpu.vector_load %arg9[%get3A_1095] {strides = array<i32>} : memref<512xi32, #tpu.memory_space<vmem>>, vector<16xi32>,
    %get3A_1097 = vector.shape_cast %get3A_1096 : vector<16xi32> to vector<16xi32>
    %get3A_1098 = arith.constant 16 : index
    %get3A_1099 = tpu.vector_load %arg8[%get3A_1098] {strides = array<i32>} : memref<512xi32, #tpu.memory_space<vmem>>, vector<16xi32>,
    %get3A_1100 = vector.shape_cast %get3A_1099 : vector<16xi32> to vector<16xi32>
    %shift_right_logical3A_1101 = arith.shrui %get3A_1097, %get3A_1100 : vector<16xi32>
    %and3A_1102 = arith.constant 255 : i32
    %and3A_1103 = vector.broadcast %and3A_1102 : i32 to vector<16xi32>
    %and3A_1104 = arith.andi %shift_right_logical3A_1101, %and3A_1103 : vector<16xi32>
    %swap3A_1105 = arith.constant 16 : index
    %swap3A_1106 = tpu.vector_load %arg10[%swap3A_1105] {strides = array<i32>} : memref<512xi32, #tpu.memory_space<vmem>>, vector<16xi32>,
    %swap3A_1107 = vector.shape_cast %swap3A_1106 : vector<16xi32> to vector<16xi32>
    %swap3A_1108 = vector.shape_cast %and3A_1104 : vector<16xi32> to vector<16xi32>
    tpu.vector_store %arg10[%swap3A_1105], %swap3A_1108 {strides = array<i32>} : memref<512xi32, #tpu.memory_space<vmem>>, vector<16xi32>,
    %get3A_1109 = arith.constant 32 : index
    %get3A_1110 = tpu.vector_load %arg9[%get3A_1109] {strides = array<i32>} : memref<512xi32, #tpu.memory_space<vmem>>, vector<16xi32>,
    %get3A_1111 = vector.shape_cast %get3A_1110 : vector<16xi32> to vector<16xi32>
    %get3A_1112 = arith.constant 32 : index
    %get3A_1113 = tpu.vector_load %arg8[%get3A_1112] {strides = array<i32>} : memref<512xi32, #tpu.memory_space<vmem>>, vector<16xi32>,
    %get3A_1114 = vector.shape_cast %get3A_1113 : vector<16xi32> to vector<16xi32>
    %shift_right_logical3A_1115 = arith.shrui %get3A_1111, %get3A_1114 : vector<16xi32>
    %and3A_1116 = arith.constant 255 : i32
    %and3A_1117 = vector.broadcast %and3A_1116 : i32 to vector<16xi32>
    %and3A_1118 = arith.andi %shift_right_logical3A_1115, %and3A_1117 : vector<16xi32>
    %swap3A_1119 = arith.constant 32 : index
    %swap3A_1120 = tpu.vector_load %arg10[%swap3A_1119] {strides = array<i32>} : memref<512xi32, #tpu.memory_space<vmem>>, vector<16xi32>,
    %swap3A_1121 = vector.shape_cast %swap3A_1120 : vector<16xi32> to vector<16xi32>
    %swap3A_1122 = vector.shape_cast %and3A_1118 : vector<16xi32> to vector<16xi32>
    tpu.vector_store %arg10[%swap3A_1119], %swap3A_1122 {strides = array<i32>} : memref<512xi32, #tpu.memory_space<vmem>>, vector<16xi32>,
    %get3A_1123 = arith.constant 48 : index
    %get3A_1124 = tpu.vector_load %arg9[%get3A_1123] {strides = array<i32>} : memref<512xi32, #tpu.memory_space<vmem>>, vector<16xi32>,
    %get3A_1125 = vector.shape_cast %get3A_1124 : vector<16xi32> to vector<16xi32>
    %get3A_1126 = arith.constant 48 : index
    %get3A_1127 = tpu.vector_load %arg8[%get3A_1126] {strides = array<i32>} : memref<512xi32, #tpu.memory_space<vmem>>, vector<16xi32>,
    %get3A_1128 = vector.shape_cast %get3A_1127 : vector<16xi32> to vector<16xi32>
    %shift_right_logical3A_1129 = arith.shrui %get3A_1125, %get3A_1128 : vector<16xi32>
    %and3A_1130 = arith.constant 255 : i32
    %and3A_1131 = vector.broadcast %and3A_1130 : i32 to vector<16xi32>
    %and3A_1132 = arith.andi %shift_right_logical3A_1129, %and3A_1131 : vector<16xi32>
    %swap3A_1133 = arith.constant 48 : index
    %swap3A_1134 = tpu.vector_load %arg10[%swap3A_1133] {strides = array<i32>} : memref<512xi32, #tpu.memory_space<vmem>>, vector<16xi32>,
    %swap3A_1135 = vector.shape_cast %swap3A_1134 : vector<16xi32> to vector<16xi32>
    %swap3A_1136 = vector.shape_cast %and3A_1132 : vector<16xi32> to vector<16xi32>
    tpu.vector_store %arg10[%swap3A_1133], %swap3A_1136 {strides = array<i32>} : memref<512xi32, #tpu.memory_space<vmem>>, vector<16xi32>,
    %get3A_1137 = arith.constant 64 : index
    %get3A_1138 = tpu.vector_load %arg9[%get3A_1137] {strides = array<i32>} : memref<512xi32, #tpu.memory_space<vmem>>, vector<16xi32>,
    %get3A_1139 = vector.shape_cast %get3A_1138 : vector<16xi32> to vector<16xi32>
    %get3A_1140 = arith.constant 64 : index
    %get3A_1141 = tpu.vector_load %arg8[%get3A_1140] {strides = array<i32>} : memref<512xi32, #tpu.memory_space<vmem>>, vector<16xi32>,
    %get3A_1142 = vector.shape_cast %get3A_1141 : vector<16xi32> to vector<16xi32>
    %shift_right_logical3A_1143 = arith.shrui %get3A_1139, %get3A_1142 : vector<16xi32>
    %and3A_1144 = arith.constant 255 : i32
    %and3A_1145 = vector.broadcast %and3A_1144 : i32 to vector<16xi32>
    %and3A_1146 = arith.andi %shift_right_logical3A_1143, %and3A_1145 : vector<16xi32>
    %swap3A_1147 = arith.constant 64 : index
    %swap3A_1148 = tpu.vector_load %arg10[%swap3A_1147] {strides = array<i32>} : memref<512xi32, #tpu.memory_space<vmem>>, vector<16xi32>,
    %swap3A_1149 = vector.shape_cast %swap3A_1148 : vector<16xi32> to vector<16xi32>
    %swap3A_1150 = vector.shape_cast %and3A_1146 : vector<16xi32> to vector<16xi32>
    tpu.vector_store %arg10[%swap3A_1147], %swap3A_1150 {strides = array<i32>} : memref<512xi32, #tpu.memory_space<vmem>>, vector<16xi32>,
    %get3A_1151 = arith.constant 80 : index
    %get3A_1152 = tpu.vector_load %arg9[%get3A_1151] {strides = array<i32>} : memref<512xi32, #tpu.memory_space<vmem>>, vector<16xi32>,
    %get3A_1153 = vector.shape_cast %get3A_1152 : vector<16xi32> to vector<16xi32>
    %get3A_1154 = arith.constant 80 : index
    %get3A_1155 = tpu.vector_load %arg8[%get3A_1154] {strides = array<i32>} : memref<512xi32, #tpu.memory_space<vmem>>, vector<16xi32>,
    %get3A_1156 = vector.shape_cast %get3A_1155 : vector<16xi32> to vector<16xi32>
    %shift_right_logical3A_1157 = arith.shrui %get3A_1153, %get3A_1156 : vector<16xi32>
    %and3A_1158 = arith.constant 255 : i32
    %and3A_1159 = vector.broadcast %and3A_1158 : i32 to vector<16xi32>
    %and3A_1160 = arith.andi %shift_right_logical3A_1157, %and3A_1159 : vector<16xi32>
    %swap3A_1161 = arith.constant 80 : index
    %swap3A_1162 = tpu.vector_load %arg10[%swap3A_1161] {strides = array<i32>} : memref<512xi32, #tpu.memory_space<vmem>>, vector<16xi32>,
    %swap3A_1163 = vector.shape_cast %swap3A_1162 : vector<16xi32> to vector<16xi32>
    %swap3A_1164 = vector.shape_cast %and3A_1160 : vector<16xi32> to vector<16xi32>
    tpu.vector_store %arg10[%swap3A_1161], %swap3A_1164 {strides = array<i32>} : memref<512xi32, #tpu.memory_space<vmem>>, vector<16xi32>,
    %get3A_1165 = arith.constant 96 : index
    %get3A_1166 = tpu.vector_load %arg9[%get3A_1165] {strides = array<i32>} : memref<512xi32, #tpu.memory_space<vmem>>, vector<16xi32>,
    %get3A_1167 = vector.shape_cast %get3A_1166 : vector<16xi32> to vector<16xi32>
    %get3A_1168 = arith.constant 96 : index
    %get3A_1169 = tpu.vector_load %arg8[%get3A_1168] {strides = array<i32>} : memref<512xi32, #tpu.memory_space<vmem>>, vector<16xi32>,
    %get3A_1170 = vector.shape_cast %get3A_1169 : vector<16xi32> to vector<16xi32>
    %shift_right_logical3A_1171 = arith.shrui %get3A_1167, %get3A_1170 : vector<16xi32>
    %and3A_1172 = arith.constant 255 : i32
    %and3A_1173 = vector.broadcast %and3A_1172 : i32 to vector<16xi32>
    %and3A_1174 = arith.andi %shift_right_logical3A_1171, %and3A_1173 : vector<16xi32>
    %swap3A_1175 = arith.constant 96 : index
    %swap3A_1176 = tpu.vector_load %arg10[%swap3A_1175] {strides = array<i32>} : memref<512xi32, #tpu.memory_space<vmem>>, vector<16xi32>,
    %swap3A_1177 = vector.shape_cast %swap3A_1176 : vector<16xi32> to vector<16xi32>
    %swap3A_1178 = vector.shape_cast %and3A_1174 : vector<16xi32> to vector<16xi32>
    tpu.vector_store %arg10[%swap3A_1175], %swap3A_1178 {strides = array<i32>} : memref<512xi32, #tpu.memory_space<vmem>>, vector<16xi32>,
    %get3A_1179 = arith.constant 112 : index
    %get3A_1180 = tpu.vector_load %arg9[%get3A_1179] {strides = array<i32>} : memref<512xi32, #tpu.memory_space<vmem>>, vector<16xi32>,
    %get3A_1181 = vector.shape_cast %get3A_1180 : vector<16xi32> to vector<16xi32>
    %get3A_1182 = arith.constant 112 : index
    %get3A_1183 = tpu.vector_load %arg8[%get3A_1182] {strides = array<i32>} : memref<512xi32, #tpu.memory_space<vmem>>, vector<16xi32>,
    %get3A_1184 = vector.shape_cast %get3A_1183 : vector<16xi32> to vector<16xi32>
    %shift_right_logical3A_1185 = arith.shrui %get3A_1181, %get3A_1184 : vector<16xi32>
    %and3A_1186 = arith.constant 255 : i32
    %and3A_1187 = vector.broadcast %and3A_1186 : i32 to vector<16xi32>
    %and3A_1188 = arith.andi %shift_right_logical3A_1185, %and3A_1187 : vector<16xi32>
    %swap3A_1189 = arith.constant 112 : index
    %swap3A_1190 = tpu.vector_load %arg10[%swap3A_1189] {strides = array<i32>} : memref<512xi32, #tpu.memory_space<vmem>>, vector<16xi32>,
    %swap3A_1191 = vector.shape_cast %swap3A_1190 : vector<16xi32> to vector<16xi32>
    %swap3A_1192 = vector.shape_cast %and3A_1188 : vector<16xi32> to vector<16xi32>
    tpu.vector_store %arg10[%swap3A_1189], %swap3A_1192 {strides = array<i32>} : memref<512xi32, #tpu.memory_space<vmem>>, vector<16xi32>,
    %get3A_1193 = arith.constant 128 : index
    %get3A_1194 = tpu.vector_load %arg9[%get3A_1193] {strides = array<i32>} : memref<512xi32, #tpu.memory_space<vmem>>, vector<16xi32>,
    %get3A_1195 = vector.shape_cast %get3A_1194 : vector<16xi32> to vector<16xi32>
    %get3A_1196 = arith.constant 128 : index
    %get3A_1197 = tpu.vector_load %arg8[%get3A_1196] {strides = array<i32>} : memref<512xi32, #tpu.memory_space<vmem>>, vector<16xi32>,
    %get3A_1198 = vector.shape_cast %get3A_1197 : vector<16xi32> to vector<16xi32>
    %shift_right_logical3A_1199 = arith.shrui %get3A_1195, %get3A_1198 : vector<16xi32>
    %and3A_1200 = arith.constant 255 : i32
    %and3A_1201 = vector.broadcast %and3A_1200 : i32 to vector<16xi32>
    %and3A_1202 = arith.andi %shift_right_logical3A_1199, %and3A_1201 : vector<16xi32>
    %swap3A_1203 = arith.constant 128 : index
    %swap3A_1204 = tpu.vector_load %arg10[%swap3A_1203] {strides = array<i32>} : memref<512xi32, #tpu.memory_space<vmem>>, vector<16xi32>,
    %swap3A_1205 = vector.shape_cast %swap3A_1204 : vector<16xi32> to vector<16xi32>
    %swap3A_1206 = vector.shape_cast %and3A_1202 : vector<16xi32> to vector<16xi32>
    tpu.vector_store %arg10[%swap3A_1203], %swap3A_1206 {strides = array<i32>} : memref<512xi32, #tpu.memory_space<vmem>>, vector<16xi32>,
    %get3A_1207 = arith.constant 144 : index
    %get3A_1208 = tpu.vector_load %arg9[%get3A_1207] {strides = array<i32>} : memref<512xi32, #tpu.memory_space<vmem>>, vector<16xi32>,
    %get3A_1209 = vector.shape_cast %get3A_1208 : vector<16xi32> to vector<16xi32>
    %get3A_1210 = arith.constant 144 : index
    %get3A_1211 = tpu.vector_load %arg8[%get3A_1210] {strides = array<i32>} : memref<512xi32, #tpu.memory_space<vmem>>, vector<16xi32>,
    %get3A_1212 = vector.shape_cast %get3A_1211 : vector<16xi32> to vector<16xi32>
    %shift_right_logical3A_1213 = arith.shrui %get3A_1209, %get3A_1212 : vector<16xi32>
    %and3A_1214 = arith.constant 255 : i32
    %and3A_1215 = vector.broadcast %and3A_1214 : i32 to vector<16xi32>
    %and3A_1216 = arith.andi %shift_right_logical3A_1213, %and3A_1215 : vector<16xi32>
    %swap3A_1217 = arith.constant 144 : index
    %swap3A_1218 = tpu.vector_load %arg10[%swap3A_1217] {strides = array<i32>} : memref<512xi32, #tpu.memory_space<vmem>>, vector<16xi32>,
    %swap3A_1219 = vector.shape_cast %swap3A_1218 : vector<16xi32> to vector<16xi32>
    %swap3A_1220 = vector.shape_cast %and3A_1216 : vector<16xi32> to vector<16xi32>
    tpu.vector_store %arg10[%swap3A_1217], %swap3A_1220 {strides = array<i32>} : memref<512xi32, #tpu.memory_space<vmem>>, vector<16xi32>,
    %get3A_1221 = arith.constant 160 : index
    %get3A_1222 = tpu.vector_load %arg9[%get3A_1221] {strides = array<i32>} : memref<512xi32, #tpu.memory_space<vmem>>, vector<16xi32>,
    %get3A_1223 = vector.shape_cast %get3A_1222 : vector<16xi32> to vector<16xi32>
    %get3A_1224 = arith.constant 160 : index
    %get3A_1225 = tpu.vector_load %arg8[%get3A_1224] {strides = array<i32>} : memref<512xi32, #tpu.memory_space<vmem>>, vector<16xi32>,
    %get3A_1226 = vector.shape_cast %get3A_1225 : vector<16xi32> to vector<16xi32>
    %shift_right_logical3A_1227 = arith.shrui %get3A_1223, %get3A_1226 : vector<16xi32>
    %and3A_1228 = arith.constant 255 : i32
    %and3A_1229 = vector.broadcast %and3A_1228 : i32 to vector<16xi32>
    %and3A_1230 = arith.andi %shift_right_logical3A_1227, %and3A_1229 : vector<16xi32>
    %swap3A_1231 = arith.constant 160 : index
    %swap3A_1232 = tpu.vector_load %arg10[%swap3A_1231] {strides = array<i32>} : memref<512xi32, #tpu.memory_space<vmem>>, vector<16xi32>,
    %swap3A_1233 = vector.shape_cast %swap3A_1232 : vector<16xi32> to vector<16xi32>
    %swap3A_1234 = vector.shape_cast %and3A_1230 : vector<16xi32> to vector<16xi32>
    tpu.vector_store %arg10[%swap3A_1231], %swap3A_1234 {strides = array<i32>} : memref<512xi32, #tpu.memory_space<vmem>>, vector<16xi32>,
    %get3A_1235 = arith.constant 176 : index
    %get3A_1236 = tpu.vector_load %arg9[%get3A_1235] {strides = array<i32>} : memref<512xi32, #tpu.memory_space<vmem>>, vector<16xi32>,
    %get3A_1237 = vector.shape_cast %get3A_1236 : vector<16xi32> to vector<16xi32>
    %get3A_1238 = arith.constant 176 : index
    %get3A_1239 = tpu.vector_load %arg8[%get3A_1238] {strides = array<i32>} : memref<512xi32, #tpu.memory_space<vmem>>, vector<16xi32>,
    %get3A_1240 = vector.shape_cast %get3A_1239 : vector<16xi32> to vector<16xi32>
    %shift_right_logical3A_1241 = arith.shrui %get3A_1237, %get3A_1240 : vector<16xi32>
    %and3A_1242 = arith.constant 255 : i32
    %and3A_1243 = vector.broadcast %and3A_1242 : i32 to vector<16xi32>
    %and3A_1244 = arith.andi %shift_right_logical3A_1241, %and3A_1243 : vector<16xi32>
    %swap3A_1245 = arith.constant 176 : index
    %swap3A_1246 = tpu.vector_load %arg10[%swap3A_1245] {strides = array<i32>} : memref<512xi32, #tpu.memory_space<vmem>>, vector<16xi32>,
    %swap3A_1247 = vector.shape_cast %swap3A_1246 : vector<16xi32> to vector<16xi32>
    %swap3A_1248 = vector.shape_cast %and3A_1244 : vector<16xi32> to vector<16xi32>
    tpu.vector_store %arg10[%swap3A_1245], %swap3A_1248 {strides = array<i32>} : memref<512xi32, #tpu.memory_space<vmem>>, vector<16xi32>,
    %get3A_1249 = arith.constant 192 : index
    %get3A_1250 = tpu.vector_load %arg9[%get3A_1249] {strides = array<i32>} : memref<512xi32, #tpu.memory_space<vmem>>, vector<16xi32>,
    %get3A_1251 = vector.shape_cast %get3A_1250 : vector<16xi32> to vector<16xi32>
    %get3A_1252 = arith.constant 192 : index
    %get3A_1253 = tpu.vector_load %arg8[%get3A_1252] {strides = array<i32>} : memref<512xi32, #tpu.memory_space<vmem>>, vector<16xi32>,
    %get3A_1254 = vector.shape_cast %get3A_1253 : vector<16xi32> to vector<16xi32>
    %shift_right_logical3A_1255 = arith.shrui %get3A_1251, %get3A_1254 : vector<16xi32>
    %and3A_1256 = arith.constant 255 : i32
    %and3A_1257 = vector.broadcast %and3A_1256 : i32 to vector<16xi32>
    %and3A_1258 = arith.andi %shift_right_logical3A_1255, %and3A_1257 : vector<16xi32>
    %swap3A_1259 = arith.constant 192 : index
    %swap3A_1260 = tpu.vector_load %arg10[%swap3A_1259] {strides = array<i32>} : memref<512xi32, #tpu.memory_space<vmem>>, vector<16xi32>,
    %swap3A_1261 = vector.shape_cast %swap3A_1260 : vector<16xi32> to vector<16xi32>
    %swap3A_1262 = vector.shape_cast %and3A_1258 : vector<16xi32> to vector<16xi32>
    tpu.vector_store %arg10[%swap3A_1259], %swap3A_1262 {strides = array<i32>} : memref<512xi32, #tpu.memory_space<vmem>>, vector<16xi32>,
    %get3A_1263 = arith.constant 208 : index
    %get3A_1264 = tpu.vector_load %arg9[%get3A_1263] {strides = array<i32>} : memref<512xi32, #tpu.memory_space<vmem>>, vector<16xi32>,
    %get3A_1265 = vector.shape_cast %get3A_1264 : vector<16xi32> to vector<16xi32>
    %get3A_1266 = arith.constant 208 : index
    %get3A_1267 = tpu.vector_load %arg8[%get3A_1266] {strides = array<i32>} : memref<512xi32, #tpu.memory_space<vmem>>, vector<16xi32>,
    %get3A_1268 = vector.shape_cast %get3A_1267 : vector<16xi32> to vector<16xi32>
    %shift_right_logical3A_1269 = arith.shrui %get3A_1265, %get3A_1268 : vector<16xi32>
    %and3A_1270 = arith.constant 255 : i32
    %and3A_1271 = vector.broadcast %and3A_1270 : i32 to vector<16xi32>
    %and3A_1272 = arith.andi %shift_right_logical3A_1269, %and3A_1271 : vector<16xi32>
    %swap3A_1273 = arith.constant 208 : index
    %swap3A_1274 = tpu.vector_load %arg10[%swap3A_1273] {strides = array<i32>} : memref<512xi32, #tpu.memory_space<vmem>>, vector<16xi32>,
    %swap3A_1275 = vector.shape_cast %swap3A_1274 : vector<16xi32> to vector<16xi32>
    %swap3A_1276 = vector.shape_cast %and3A_1272 : vector<16xi32> to vector<16xi32>
    tpu.vector_store %arg10[%swap3A_1273], %swap3A_1276 {strides = array<i32>} : memref<512xi32, #tpu.memory_space<vmem>>, vector<16xi32>,
    %get3A_1277 = arith.constant 224 : index
    %get3A_1278 = tpu.vector_load %arg9[%get3A_1277] {strides = array<i32>} : memref<512xi32, #tpu.memory_space<vmem>>, vector<16xi32>,
    %get3A_1279 = vector.shape_cast %get3A_1278 : vector<16xi32> to vector<16xi32>
    %get3A_1280 = arith.constant 224 : index
    %get3A_1281 = tpu.vector_load %arg8[%get3A_1280] {strides = array<i32>} : memref<512xi32, #tpu.memory_space<vmem>>, vector<16xi32>,
    %get3A_1282 = vector.shape_cast %get3A_1281 : vector<16xi32> to vector<16xi32>
    %shift_right_logical3A_1283 = arith.shrui %get3A_1279, %get3A_1282 : vector<16xi32>
    %and3A_1284 = arith.constant 255 : i32
    %and3A_1285 = vector.broadcast %and3A_1284 : i32 to vector<16xi32>
    %and3A_1286 = arith.andi %shift_right_logical3A_1283, %and3A_1285 : vector<16xi32>
    %swap3A_1287 = arith.constant 224 : index
    %swap3A_1288 = tpu.vector_load %arg10[%swap3A_1287] {strides = array<i32>} : memref<512xi32, #tpu.memory_space<vmem>>, vector<16xi32>,
    %swap3A_1289 = vector.shape_cast %swap3A_1288 : vector<16xi32> to vector<16xi32>
    %swap3A_1290 = vector.shape_cast %and3A_1286 : vector<16xi32> to vector<16xi32>
    tpu.vector_store %arg10[%swap3A_1287], %swap3A_1290 {strides = array<i32>} : memref<512xi32, #tpu.memory_space<vmem>>, vector<16xi32>,
    %get3A_1291 = arith.constant 240 : index
    %get3A_1292 = tpu.vector_load %arg9[%get3A_1291] {strides = array<i32>} : memref<512xi32, #tpu.memory_space<vmem>>, vector<16xi32>,
    %get3A_1293 = vector.shape_cast %get3A_1292 : vector<16xi32> to vector<16xi32>
    %get3A_1294 = arith.constant 240 : index
    %get3A_1295 = tpu.vector_load %arg8[%get3A_1294] {strides = array<i32>} : memref<512xi32, #tpu.memory_space<vmem>>, vector<16xi32>,
    %get3A_1296 = vector.shape_cast %get3A_1295 : vector<16xi32> to vector<16xi32>
    %shift_right_logical3A_1297 = arith.shrui %get3A_1293, %get3A_1296 : vector<16xi32>
    %and3A_1298 = arith.constant 255 : i32
    %and3A_1299 = vector.broadcast %and3A_1298 : i32 to vector<16xi32>
    %and3A_1300 = arith.andi %shift_right_logical3A_1297, %and3A_1299 : vector<16xi32>
    %swap3A_1301 = arith.constant 240 : index
    %swap3A_1302 = tpu.vector_load %arg10[%swap3A_1301] {strides = array<i32>} : memref<512xi32, #tpu.memory_space<vmem>>, vector<16xi32>,
    %swap3A_1303 = vector.shape_cast %swap3A_1302 : vector<16xi32> to vector<16xi32>
    %swap3A_1304 = vector.shape_cast %and3A_1300 : vector<16xi32> to vector<16xi32>
    tpu.vector_store %arg10[%swap3A_1301], %swap3A_1304 {strides = array<i32>} : memref<512xi32, #tpu.memory_space<vmem>>, vector<16xi32>,
    %get3A_1305 = arith.constant 256 : index
    %get3A_1306 = tpu.vector_load %arg9[%get3A_1305] {strides = array<i32>} : memref<512xi32, #tpu.memory_space<vmem>>, vector<16xi32>,
    %get3A_1307 = vector.shape_cast %get3A_1306 : vector<16xi32> to vector<16xi32>
    %get3A_1308 = arith.constant 256 : index
    %get3A_1309 = tpu.vector_load %arg8[%get3A_1308] {strides = array<i32>} : memref<512xi32, #tpu.memory_space<vmem>>, vector<16xi32>,
    %get3A_1310 = vector.shape_cast %get3A_1309 : vector<16xi32> to vector<16xi32>
    %shift_right_logical3A_1311 = arith.shrui %get3A_1307, %get3A_1310 : vector<16xi32>
    %and3A_1312 = arith.constant 255 : i32
    %and3A_1313 = vector.broadcast %and3A_1312 : i32 to vector<16xi32>
    %and3A_1314 = arith.andi %shift_right_logical3A_1311, %and3A_1313 : vector<16xi32>
    %swap3A_1315 = arith.constant 256 : index
    %swap3A_1316 = tpu.vector_load %arg10[%swap3A_1315] {strides = array<i32>} : memref<512xi32, #tpu.memory_space<vmem>>, vector<16xi32>,
    %swap3A_1317 = vector.shape_cast %swap3A_1316 : vector<16xi32> to vector<16xi32>
    %swap3A_1318 = vector.shape_cast %and3A_1314 : vector<16xi32> to vector<16xi32>
    tpu.vector_store %arg10[%swap3A_1315], %swap3A_1318 {strides = array<i32>} : memref<512xi32, #tpu.memory_space<vmem>>, vector<16xi32>,
    %get3A_1319 = arith.constant 272 : index
    %get3A_1320 = tpu.vector_load %arg9[%get3A_1319] {strides = array<i32>} : memref<512xi32, #tpu.memory_space<vmem>>, vector<16xi32>,
    %get3A_1321 = vector.shape_cast %get3A_1320 : vector<16xi32> to vector<16xi32>
    %get3A_1322 = arith.constant 272 : index
    %get3A_1323 = tpu.vector_load %arg8[%get3A_1322] {strides = array<i32>} : memref<512xi32, #tpu.memory_space<vmem>>, vector<16xi32>,
    %get3A_1324 = vector.shape_cast %get3A_1323 : vector<16xi32> to vector<16xi32>
    %shift_right_logical3A_1325 = arith.shrui %get3A_1321, %get3A_1324 : vector<16xi32>
    %and3A_1326 = arith.constant 255 : i32
    %and3A_1327 = vector.broadcast %and3A_1326 : i32 to vector<16xi32>
    %and3A_1328 = arith.andi %shift_right_logical3A_1325, %and3A_1327 : vector<16xi32>
    %swap3A_1329 = arith.constant 272 : index
    %swap3A_1330 = tpu.vector_load %arg10[%swap3A_1329] {strides = array<i32>} : memref<512xi32, #tpu.memory_space<vmem>>, vector<16xi32>,
    %swap3A_1331 = vector.shape_cast %swap3A_1330 : vector<16xi32> to vector<16xi32>
    %swap3A_1332 = vector.shape_cast %and3A_1328 : vector<16xi32> to vector<16xi32>
    tpu.vector_store %arg10[%swap3A_1329], %swap3A_1332 {strides = array<i32>} : memref<512xi32, #tpu.memory_space<vmem>>, vector<16xi32>,
    %get3A_1333 = arith.constant 288 : index
    %get3A_1334 = tpu.vector_load %arg9[%get3A_1333] {strides = array<i32>} : memref<512xi32, #tpu.memory_space<vmem>>, vector<16xi32>,
    %get3A_1335 = vector.shape_cast %get3A_1334 : vector<16xi32> to vector<16xi32>
    %get3A_1336 = arith.constant 288 : index
    %get3A_1337 = tpu.vector_load %arg8[%get3A_1336] {strides = array<i32>} : memref<512xi32, #tpu.memory_space<vmem>>, vector<16xi32>,
    %get3A_1338 = vector.shape_cast %get3A_1337 : vector<16xi32> to vector<16xi32>
    %shift_right_logical3A_1339 = arith.shrui %get3A_1335, %get3A_1338 : vector<16xi32>
    %and3A_1340 = arith.constant 255 : i32
    %and3A_1341 = vector.broadcast %and3A_1340 : i32 to vector<16xi32>
    %and3A_1342 = arith.andi %shift_right_logical3A_1339, %and3A_1341 : vector<16xi32>
    %swap3A_1343 = arith.constant 288 : index
    %swap3A_1344 = tpu.vector_load %arg10[%swap3A_1343] {strides = array<i32>} : memref<512xi32, #tpu.memory_space<vmem>>, vector<16xi32>,
    %swap3A_1345 = vector.shape_cast %swap3A_1344 : vector<16xi32> to vector<16xi32>
    %swap3A_1346 = vector.shape_cast %and3A_1342 : vector<16xi32> to vector<16xi32>
    tpu.vector_store %arg10[%swap3A_1343], %swap3A_1346 {strides = array<i32>} : memref<512xi32, #tpu.memory_space<vmem>>, vector<16xi32>,
    %get3A_1347 = arith.constant 304 : index
    %get3A_1348 = tpu.vector_load %arg9[%get3A_1347] {strides = array<i32>} : memref<512xi32, #tpu.memory_space<vmem>>, vector<16xi32>,
    %get3A_1349 = vector.shape_cast %get3A_1348 : vector<16xi32> to vector<16xi32>
    %get3A_1350 = arith.constant 304 : index
    %get3A_1351 = tpu.vector_load %arg8[%get3A_1350] {strides = array<i32>} : memref<512xi32, #tpu.memory_space<vmem>>, vector<16xi32>,
    %get3A_1352 = vector.shape_cast %get3A_1351 : vector<16xi32> to vector<16xi32>
    %shift_right_logical3A_1353 = arith.shrui %get3A_1349, %get3A_1352 : vector<16xi32>
    %and3A_1354 = arith.constant 255 : i32
    %and3A_1355 = vector.broadcast %and3A_1354 : i32 to vector<16xi32>
    %and3A_1356 = arith.andi %shift_right_logical3A_1353, %and3A_1355 : vector<16xi32>
    %swap3A_1357 = arith.constant 304 : index
    %swap3A_1358 = tpu.vector_load %arg10[%swap3A_1357] {strides = array<i32>} : memref<512xi32, #tpu.memory_space<vmem>>, vector<16xi32>,
    %swap3A_1359 = vector.shape_cast %swap3A_1358 : vector<16xi32> to vector<16xi32>
    %swap3A_1360 = vector.shape_cast %and3A_1356 : vector<16xi32> to vector<16xi32>
    tpu.vector_store %arg10[%swap3A_1357], %swap3A_1360 {strides = array<i32>} : memref<512xi32, #tpu.memory_space<vmem>>, vector<16xi32>,
    %get3A_1361 = arith.constant 320 : index
    %get3A_1362 = tpu.vector_load %arg9[%get3A_1361] {strides = array<i32>} : memref<512xi32, #tpu.memory_space<vmem>>, vector<16xi32>,
    %get3A_1363 = vector.shape_cast %get3A_1362 : vector<16xi32> to vector<16xi32>
    %get3A_1364 = arith.constant 320 : index
    %get3A_1365 = tpu.vector_load %arg8[%get3A_1364] {strides = array<i32>} : memref<512xi32, #tpu.memory_space<vmem>>, vector<16xi32>,
    %get3A_1366 = vector.shape_cast %get3A_1365 : vector<16xi32> to vector<16xi32>
    %shift_right_logical3A_1367 = arith.shrui %get3A_1363, %get3A_1366 : vector<16xi32>
    %and3A_1368 = arith.constant 255 : i32
    %and3A_1369 = vector.broadcast %and3A_1368 : i32 to vector<16xi32>
    %and3A_1370 = arith.andi %shift_right_logical3A_1367, %and3A_1369 : vector<16xi32>
    %swap3A_1371 = arith.constant 320 : index
    %swap3A_1372 = tpu.vector_load %arg10[%swap3A_1371] {strides = array<i32>} : memref<512xi32, #tpu.memory_space<vmem>>, vector<16xi32>,
    %swap3A_1373 = vector.shape_cast %swap3A_1372 : vector<16xi32> to vector<16xi32>
    %swap3A_1374 = vector.shape_cast %and3A_1370 : vector<16xi32> to vector<16xi32>
    tpu.vector_store %arg10[%swap3A_1371], %swap3A_1374 {strides = array<i32>} : memref<512xi32, #tpu.memory_space<vmem>>, vector<16xi32>,
    %get3A_1375 = arith.constant 336 : index
    %get3A_1376 = tpu.vector_load %arg9[%get3A_1375] {strides = array<i32>} : memref<512xi32, #tpu.memory_space<vmem>>, vector<16xi32>,
    %get3A_1377 = vector.shape_cast %get3A_1376 : vector<16xi32> to vector<16xi32>
    %get3A_1378 = arith.constant 336 : index
    %get3A_1379 = tpu.vector_load %arg8[%get3A_1378] {strides = array<i32>} : memref<512xi32, #tpu.memory_space<vmem>>, vector<16xi32>,
    %get3A_1380 = vector.shape_cast %get3A_1379 : vector<16xi32> to vector<16xi32>
    %shift_right_logical3A_1381 = arith.shrui %get3A_1377, %get3A_1380 : vector<16xi32>
    %and3A_1382 = arith.constant 255 : i32
    %and3A_1383 = vector.broadcast %and3A_1382 : i32 to vector<16xi32>
    %and3A_1384 = arith.andi %shift_right_logical3A_1381, %and3A_1383 : vector<16xi32>
    %swap3A_1385 = arith.constant 336 : index
    %swap3A_1386 = tpu.vector_load %arg10[%swap3A_1385] {strides = array<i32>} : memref<512xi32, #tpu.memory_space<vmem>>, vector<16xi32>,
    %swap3A_1387 = vector.shape_cast %swap3A_1386 : vector<16xi32> to vector<16xi32>
    %swap3A_1388 = vector.shape_cast %and3A_1384 : vector<16xi32> to vector<16xi32>
    tpu.vector_store %arg10[%swap3A_1385], %swap3A_1388 {strides = array<i32>} : memref<512xi32, #tpu.memory_space<vmem>>, vector<16xi32>,
    %get3A_1389 = arith.constant 352 : index
    %get3A_1390 = tpu.vector_load %arg9[%get3A_1389] {strides = array<i32>} : memref<512xi32, #tpu.memory_space<vmem>>, vector<16xi32>,
    %get3A_1391 = vector.shape_cast %get3A_1390 : vector<16xi32> to vector<16xi32>
    %get3A_1392 = arith.constant 352 : index
    %get3A_1393 = tpu.vector_load %arg8[%get3A_1392] {strides = array<i32>} : memref<512xi32, #tpu.memory_space<vmem>>, vector<16xi32>,
    %get3A_1394 = vector.shape_cast %get3A_1393 : vector<16xi32> to vector<16xi32>
    %shift_right_logical3A_1395 = arith.shrui %get3A_1391, %get3A_1394 : vector<16xi32>
    %and3A_1396 = arith.constant 255 : i32
    %and3A_1397 = vector.broadcast %and3A_1396 : i32 to vector<16xi32>
    %and3A_1398 = arith.andi %shift_right_logical3A_1395, %and3A_1397 : vector<16xi32>
    %swap3A_1399 = arith.constant 352 : index
    %swap3A_1400 = tpu.vector_load %arg10[%swap3A_1399] {strides = array<i32>} : memref<512xi32, #tpu.memory_space<vmem>>, vector<16xi32>,
    %swap3A_1401 = vector.shape_cast %swap3A_1400 : vector<16xi32> to vector<16xi32>
    %swap3A_1402 = vector.shape_cast %and3A_1398 : vector<16xi32> to vector<16xi32>
    tpu.vector_store %arg10[%swap3A_1399], %swap3A_1402 {strides = array<i32>} : memref<512xi32, #tpu.memory_space<vmem>>, vector<16xi32>,
    %get3A_1403 = arith.constant 368 : index
    %get3A_1404 = tpu.vector_load %arg9[%get3A_1403] {strides = array<i32>} : memref<512xi32, #tpu.memory_space<vmem>>, vector<16xi32>,
    %get3A_1405 = vector.shape_cast %get3A_1404 : vector<16xi32> to vector<16xi32>
    %get3A_1406 = arith.constant 368 : index
    %get3A_1407 = tpu.vector_load %arg8[%get3A_1406] {strides = array<i32>} : memref<512xi32, #tpu.memory_space<vmem>>, vector<16xi32>,
    %get3A_1408 = vector.shape_cast %get3A_1407 : vector<16xi32> to vector<16xi32>
    %shift_right_logical3A_1409 = arith.shrui %get3A_1405, %get3A_1408 : vector<16xi32>
    %and3A_1410 = arith.constant 255 : i32
    %and3A_1411 = vector.broadcast %and3A_1410 : i32 to vector<16xi32>
    %and3A_1412 = arith.andi %shift_right_logical3A_1409, %and3A_1411 : vector<16xi32>
    %swap3A_1413 = arith.constant 368 : index
    %swap3A_1414 = tpu.vector_load %arg10[%swap3A_1413] {strides = array<i32>} : memref<512xi32, #tpu.memory_space<vmem>>, vector<16xi32>,
    %swap3A_1415 = vector.shape_cast %swap3A_1414 : vector<16xi32> to vector<16xi32>
    %swap3A_1416 = vector.shape_cast %and3A_1412 : vector<16xi32> to vector<16xi32>
    tpu.vector_store %arg10[%swap3A_1413], %swap3A_1416 {strides = array<i32>} : memref<512xi32, #tpu.memory_space<vmem>>, vector<16xi32>,
    %get3A_1417 = arith.constant 384 : index
    %get3A_1418 = tpu.vector_load %arg9[%get3A_1417] {strides = array<i32>} : memref<512xi32, #tpu.memory_space<vmem>>, vector<16xi32>,
    %get3A_1419 = vector.shape_cast %get3A_1418 : vector<16xi32> to vector<16xi32>
    %get3A_1420 = arith.constant 384 : index
    %get3A_1421 = tpu.vector_load %arg8[%get3A_1420] {strides = array<i32>} : memref<512xi32, #tpu.memory_space<vmem>>, vector<16xi32>,
    %get3A_1422 = vector.shape_cast %get3A_1421 : vector<16xi32> to vector<16xi32>
    %shift_right_logical3A_1423 = arith.shrui %get3A_1419, %get3A_1422 : vector<16xi32>
    %and3A_1424 = arith.constant 255 : i32
    %and3A_1425 = vector.broadcast %and3A_1424 : i32 to vector<16xi32>
    %and3A_1426 = arith.andi %shift_right_logical3A_1423, %and3A_1425 : vector<16xi32>
    %swap3A_1427 = arith.constant 384 : index
    %swap3A_1428 = tpu.vector_load %arg10[%swap3A_1427] {strides = array<i32>} : memref<512xi32, #tpu.memory_space<vmem>>, vector<16xi32>,
    %swap3A_1429 = vector.shape_cast %swap3A_1428 : vector<16xi32> to vector<16xi32>
    %swap3A_1430 = vector.shape_cast %and3A_1426 : vector<16xi32> to vector<16xi32>
    tpu.vector_store %arg10[%swap3A_1427], %swap3A_1430 {strides = array<i32>} : memref<512xi32, #tpu.memory_space<vmem>>, vector<16xi32>,
    %get3A_1431 = arith.constant 400 : index
    %get3A_1432 = tpu.vector_load %arg9[%get3A_1431] {strides = array<i32>} : memref<512xi32, #tpu.memory_space<vmem>>, vector<16xi32>,
    %get3A_1433 = vector.shape_cast %get3A_1432 : vector<16xi32> to vector<16xi32>
    %get3A_1434 = arith.constant 400 : index
    %get3A_1435 = tpu.vector_load %arg8[%get3A_1434] {strides = array<i32>} : memref<512xi32, #tpu.memory_space<vmem>>, vector<16xi32>,
    %get3A_1436 = vector.shape_cast %get3A_1435 : vector<16xi32> to vector<16xi32>
    %shift_right_logical3A_1437 = arith.shrui %get3A_1433, %get3A_1436 : vector<16xi32>
    %and3A_1438 = arith.constant 255 : i32
    %and3A_1439 = vector.broadcast %and3A_1438 : i32 to vector<16xi32>
    %and3A_1440 = arith.andi %shift_right_logical3A_1437, %and3A_1439 : vector<16xi32>
    %swap3A_1441 = arith.constant 400 : index
    %swap3A_1442 = tpu.vector_load %arg10[%swap3A_1441] {strides = array<i32>} : memref<512xi32, #tpu.memory_space<vmem>>, vector<16xi32>,
    %swap3A_1443 = vector.shape_cast %swap3A_1442 : vector<16xi32> to vector<16xi32>
    %swap3A_1444 = vector.shape_cast %and3A_1440 : vector<16xi32> to vector<16xi32>
    tpu.vector_store %arg10[%swap3A_1441], %swap3A_1444 {strides = array<i32>} : memref<512xi32, #tpu.memory_space<vmem>>, vector<16xi32>,
    %get3A_1445 = arith.constant 416 : index
    %get3A_1446 = tpu.vector_load %arg9[%get3A_1445] {strides = array<i32>} : memref<512xi32, #tpu.memory_space<vmem>>, vector<16xi32>,
    %get3A_1447 = vector.shape_cast %get3A_1446 : vector<16xi32> to vector<16xi32>
    %get3A_1448 = arith.constant 416 : index
    %get3A_1449 = tpu.vector_load %arg8[%get3A_1448] {strides = array<i32>} : memref<512xi32, #tpu.memory_space<vmem>>, vector<16xi32>,
    %get3A_1450 = vector.shape_cast %get3A_1449 : vector<16xi32> to vector<16xi32>
    %shift_right_logical3A_1451 = arith.shrui %get3A_1447, %get3A_1450 : vector<16xi32>
    %and3A_1452 = arith.constant 255 : i32
    %and3A_1453 = vector.broadcast %and3A_1452 : i32 to vector<16xi32>
    %and3A_1454 = arith.andi %shift_right_logical3A_1451, %and3A_1453 : vector<16xi32>
    %swap3A_1455 = arith.constant 416 : index
    %swap3A_1456 = tpu.vector_load %arg10[%swap3A_1455] {strides = array<i32>} : memref<512xi32, #tpu.memory_space<vmem>>, vector<16xi32>,
    %swap3A_1457 = vector.shape_cast %swap3A_1456 : vector<16xi32> to vector<16xi32>
    %swap3A_1458 = vector.shape_cast %and3A_1454 : vector<16xi32> to vector<16xi32>
    tpu.vector_store %arg10[%swap3A_1455], %swap3A_1458 {strides = array<i32>} : memref<512xi32, #tpu.memory_space<vmem>>, vector<16xi32>,
    %get3A_1459 = arith.constant 432 : index
    %get3A_1460 = tpu.vector_load %arg9[%get3A_1459] {strides = array<i32>} : memref<512xi32, #tpu.memory_space<vmem>>, vector<16xi32>,
    %get3A_1461 = vector.shape_cast %get3A_1460 : vector<16xi32> to vector<16xi32>
    %get3A_1462 = arith.constant 432 : index
    %get3A_1463 = tpu.vector_load %arg8[%get3A_1462] {strides = array<i32>} : memref<512xi32, #tpu.memory_space<vmem>>, vector<16xi32>,
    %get3A_1464 = vector.shape_cast %get3A_1463 : vector<16xi32> to vector<16xi32>
    %shift_right_logical3A_1465 = arith.shrui %get3A_1461, %get3A_1464 : vector<16xi32>
    %and3A_1466 = arith.constant 255 : i32
    %and3A_1467 = vector.broadcast %and3A_1466 : i32 to vector<16xi32>
    %and3A_1468 = arith.andi %shift_right_logical3A_1465, %and3A_1467 : vector<16xi32>
    %swap3A_1469 = arith.constant 432 : index
    %swap3A_1470 = tpu.vector_load %arg10[%swap3A_1469] {strides = array<i32>} : memref<512xi32, #tpu.memory_space<vmem>>, vector<16xi32>,
    %swap3A_1471 = vector.shape_cast %swap3A_1470 : vector<16xi32> to vector<16xi32>
    %swap3A_1472 = vector.shape_cast %and3A_1468 : vector<16xi32> to vector<16xi32>
    tpu.vector_store %arg10[%swap3A_1469], %swap3A_1472 {strides = array<i32>} : memref<512xi32, #tpu.memory_space<vmem>>, vector<16xi32>,
    %get3A_1473 = arith.constant 448 : index
    %get3A_1474 = tpu.vector_load %arg9[%get3A_1473] {strides = array<i32>} : memref<512xi32, #tpu.memory_space<vmem>>, vector<16xi32>,
    %get3A_1475 = vector.shape_cast %get3A_1474 : vector<16xi32> to vector<16xi32>
    %get3A_1476 = arith.constant 448 : index
    %get3A_1477 = tpu.vector_load %arg8[%get3A_1476] {strides = array<i32>} : memref<512xi32, #tpu.memory_space<vmem>>, vector<16xi32>,
    %get3A_1478 = vector.shape_cast %get3A_1477 : vector<16xi32> to vector<16xi32>
    %shift_right_logical3A_1479 = arith.shrui %get3A_1475, %get3A_1478 : vector<16xi32>
    %and3A_1480 = arith.constant 255 : i32
    %and3A_1481 = vector.broadcast %and3A_1480 : i32 to vector<16xi32>
    %and3A_1482 = arith.andi %shift_right_logical3A_1479, %and3A_1481 : vector<16xi32>
    %swap3A_1483 = arith.constant 448 : index
    %swap3A_1484 = tpu.vector_load %arg10[%swap3A_1483] {strides = array<i32>} : memref<512xi32, #tpu.memory_space<vmem>>, vector<16xi32>,
    %swap3A_1485 = vector.shape_cast %swap3A_1484 : vector<16xi32> to vector<16xi32>
    %swap3A_1486 = vector.shape_cast %and3A_1482 : vector<16xi32> to vector<16xi32>
    tpu.vector_store %arg10[%swap3A_1483], %swap3A_1486 {strides = array<i32>} : memref<512xi32, #tpu.memory_space<vmem>>, vector<16xi32>,
    %get3A_1487 = arith.constant 464 : index
    %get3A_1488 = tpu.vector_load %arg9[%get3A_1487] {strides = array<i32>} : memref<512xi32, #tpu.memory_space<vmem>>, vector<16xi32>,
    %get3A_1489 = vector.shape_cast %get3A_1488 : vector<16xi32> to vector<16xi32>
    %get3A_1490 = arith.constant 464 : index
    %get3A_1491 = tpu.vector_load %arg8[%get3A_1490] {strides = array<i32>} : memref<512xi32, #tpu.memory_space<vmem>>, vector<16xi32>,
    %get3A_1492 = vector.shape_cast %get3A_1491 : vector<16xi32> to vector<16xi32>
    %shift_right_logical3A_1493 = arith.shrui %get3A_1489, %get3A_1492 : vector<16xi32>
    %and3A_1494 = arith.constant 255 : i32
    %and3A_1495 = vector.broadcast %and3A_1494 : i32 to vector<16xi32>
    %and3A_1496 = arith.andi %shift_right_logical3A_1493, %and3A_1495 : vector<16xi32>
    %swap3A_1497 = arith.constant 464 : index
    %swap3A_1498 = tpu.vector_load %arg10[%swap3A_1497] {strides = array<i32>} : memref<512xi32, #tpu.memory_space<vmem>>, vector<16xi32>,
    %swap3A_1499 = vector.shape_cast %swap3A_1498 : vector<16xi32> to vector<16xi32>
    %swap3A_1500 = vector.shape_cast %and3A_1496 : vector<16xi32> to vector<16xi32>
    tpu.vector_store %arg10[%swap3A_1497], %swap3A_1500 {strides = array<i32>} : memref<512xi32, #tpu.memory_space<vmem>>, vector<16xi32>,
    %get3A_1501 = arith.constant 480 : index
    %get3A_1502 = tpu.vector_load %arg9[%get3A_1501] {strides = array<i32>} : memref<512xi32, #tpu.memory_space<vmem>>, vector<16xi32>,
    %get3A_1503 = vector.shape_cast %get3A_1502 : vector<16xi32> to vector<16xi32>
    %get3A_1504 = arith.constant 480 : index
    %get3A_1505 = tpu.vector_load %arg8[%get3A_1504] {strides = array<i32>} : memref<512xi32, #tpu.memory_space<vmem>>, vector<16xi32>,
    %get3A_1506 = vector.shape_cast %get3A_1505 : vector<16xi32> to vector<16xi32>
    %shift_right_logical3A_1507 = arith.shrui %get3A_1503, %get3A_1506 : vector<16xi32>
    %and3A_1508 = arith.constant 255 : i32
    %and3A_1509 = vector.broadcast %and3A_1508 : i32 to vector<16xi32>
    %and3A_1510 = arith.andi %shift_right_logical3A_1507, %and3A_1509 : vector<16xi32>
    %swap3A_1511 = arith.constant 480 : index
    %swap3A_1512 = tpu.vector_load %arg10[%swap3A_1511] {strides = array<i32>} : memref<512xi32, #tpu.memory_space<vmem>>, vector<16xi32>,
    %swap3A_1513 = vector.shape_cast %swap3A_1512 : vector<16xi32> to vector<16xi32>
    %swap3A_1514 = vector.shape_cast %and3A_1510 : vector<16xi32> to vector<16xi32>
    tpu.vector_store %arg10[%swap3A_1511], %swap3A_1514 {strides = array<i32>} : memref<512xi32, #tpu.memory_space<vmem>>, vector<16xi32>,
    %get3A_1515 = arith.constant 496 : index
    %get3A_1516 = tpu.vector_load %arg9[%get3A_1515] {strides = array<i32>} : memref<512xi32, #tpu.memory_space<vmem>>, vector<16xi32>,
    %get3A_1517 = vector.shape_cast %get3A_1516 : vector<16xi32> to vector<16xi32>
    %get3A_1518 = arith.constant 496 : index
    %get3A_1519 = tpu.vector_load %arg8[%get3A_1518] {strides = array<i32>} : memref<512xi32, #tpu.memory_space<vmem>>, vector<16xi32>,
    %get3A_1520 = vector.shape_cast %get3A_1519 : vector<16xi32> to vector<16xi32>
    %shift_right_logical3A_1521 = arith.shrui %get3A_1517, %get3A_1520 : vector<16xi32>
    %and3A_1522 = arith.constant 255 : i32
    %and3A_1523 = vector.broadcast %and3A_1522 : i32 to vector<16xi32>
    %and3A_1524 = arith.andi %shift_right_logical3A_1521, %and3A_1523 : vector<16xi32>
    %swap3A_1525 = arith.constant 496 : index
    %swap3A_1526 = tpu.vector_load %arg10[%swap3A_1525] {strides = array<i32>} : memref<512xi32, #tpu.memory_space<vmem>>, vector<16xi32>,
    %swap3A_1527 = vector.shape_cast %swap3A_1526 : vector<16xi32> to vector<16xi32>
    %swap3A_1528 = vector.shape_cast %and3A_1524 : vector<16xi32> to vector<16xi32>
    tpu.vector_store %arg10[%swap3A_1525], %swap3A_1528 {strides = array<i32>} : memref<512xi32, #tpu.memory_space<vmem>>, vector<16xi32>,
    %jit3A_1529 = arith.constant 4096 : i32
    %div3A_1530 = arith.divsi %mul3A_2, %jit3A_1529 : i32
    %sign3A_1531 = arith.constant 0 : i32
    %sign3A_1532 = arith.cmpi sgt, %mul3A_2, %sign3A_1531 : i32
    %sign3A_1533 = arith.extui %sign3A_1532 : i1 to i32
    %sign3A_1534 = arith.constant 0 : i32
    %sign3A_1535 = arith.cmpi slt, %mul3A_2, %sign3A_1534 : i32
    %sign3A_1536 = arith.extui %sign3A_1535 : i1 to i32
    %sign3A_1537 = arith.subi %sign3A_1533, %sign3A_1536 : i32
    %sign3A_1538 = arith.constant 0 : i32
    %sign3A_1539 = arith.cmpi sgt, %jit3A_1529, %sign3A_1538 : i32
    %sign3A_1540 = arith.extui %sign3A_1539 : i1 to i32
    %sign3A_1541 = arith.constant 0 : i32
    %sign3A_1542 = arith.cmpi slt, %jit3A_1529, %sign3A_1541 : i32
    %sign3A_1543 = arith.extui %sign3A_1542 : i1 to i32
    %sign3A_1544 = arith.subi %sign3A_1540, %sign3A_1543 : i32
    %ne3A_1545 = arith.cmpi ne, %sign3A_1537, %sign3A_1544 : i32
    %rem3A_1546 = arith.remsi %mul3A_2, %jit3A_1529 : i32
    %ne3A_1547 = arith.constant 0 : i32
    %ne3A_1548 = arith.cmpi ne, %rem3A_1546, %ne3A_1547 : i32
    %and3A_1549 = arith.andi %ne3A_1545, %ne3A_1548 : i1
    %sub3A_1550 = arith.constant 1 : i32
    %sub3A_1551 = arith.subi %div3A_1530, %sub3A_1550 : i32
    %select_n3A_1552 = arith.select %and3A_1549, %sub3A_1551, %div3A_1530 : i32
    %jit3A_1553 = arith.constant 4096 : i32
    %eq3A = arith.constant 0 : i32
    %eq3A_1554 = arith.cmpi eq, %jit3A_1553, %eq3A : i32
    %jit3A_1555 = arith.constant 1 : i32
    %select_n3A_1556 = arith.select %eq3A_1554, %jit3A_1555, %jit3A_1553 : i32
    %rem3A_1557 = arith.remsi %mul3A_2, %select_n3A_1556 : i32
    %ne3A_1558 = arith.constant 0 : i32
    %ne3A_1559 = arith.cmpi ne, %rem3A_1557, %ne3A_1558 : i32
    %lt3A = arith.constant 0 : i32
    %lt3A_1560 = arith.cmpi slt, %rem3A_1557, %lt3A : i32
    %lt3A_1561 = arith.constant 0 : i32
    %lt3A_1562 = arith.cmpi slt, %select_n3A_1556, %lt3A_1561 : i32
    %ne3A_1563 = arith.xori %lt3A_1560, %lt3A_1562 : i1
    %and3A_1564 = arith.andi %ne3A_1563, %ne3A_1559 : i1
    %add3A_1565 = arith.addi %rem3A_1557, %select_n3A_1556 : i32
    %select_n3A_1566 = arith.select %and3A_1564, %add3A_1565, %rem3A_1557 : i32
    "tpu.region"() ({
      %run_scoped3A = tpu.sem_alloc : memref<!tpu.dma_semaphore, #tpu.memory_space<semaphore_mem>>
      %dma_start3A_1567 = tpu.memref_slice %arg4[%select_n3A_1552, %select_n3A_1566] : memref<4x4096xi32, #tpu.memory_space<hbm>> -> memref<1x512xi32, #tpu.memory_space<hbm>>
      %dma_start3A_1568 = tpu.memref_squeeze %dma_start3A_1567 : memref<1x512xi32, #tpu.memory_space<hbm>> -> memref<512xi32, #tpu.memory_space<hbm>>
      %dma_start3A_1569 = tpu.memref_slice %arg4[%select_n3A_1552, %select_n3A_1566] : memref<4x4096xi32, #tpu.memory_space<hbm>> -> memref<1x512xi32, #tpu.memory_space<hbm>>
      %dma_start3A_1570 = tpu.memref_squeeze %dma_start3A_1569 : memref<1x512xi32, #tpu.memory_space<hbm>> -> memref<512xi32, #tpu.memory_space<hbm>>
      tpu.enqueue_dma source(%arg10 : memref<512xi32, #tpu.memory_space<vmem>>) target(%dma_start3A_1570 : memref<512xi32, #tpu.memory_space<hbm>>) target_semaphore(%run_scoped3A : memref<!tpu.dma_semaphore, #tpu.memory_space<semaphore_mem>>)
      %dma_wait3A_1571 = tpu.memref_slice %arg4[%select_n3A_1552, %select_n3A_1566] : memref<4x4096xi32, #tpu.memory_space<hbm>> -> memref<1x512xi32, #tpu.memory_space<hbm>>
      %dma_wait3A_1572 = tpu.memref_squeeze %dma_wait3A_1571 : memref<1x512xi32, #tpu.memory_space<hbm>> -> memref<512xi32, #tpu.memory_space<hbm>>
      %dma_wait3A_1573 = tpu.memref_slice %arg4[%select_n3A_1552, %select_n3A_1566] : memref<4x4096xi32, #tpu.memory_space<hbm>> -> memref<1x512xi32, #tpu.memory_space<hbm>>
      %dma_wait3A_1574 = tpu.memref_squeeze %dma_wait3A_1573 : memref<1x512xi32, #tpu.memory_space<hbm>> -> memref<512xi32, #tpu.memory_space<hbm>>
      tpu.wait_dma2 semaphore(%run_scoped3A : memref<!tpu.dma_semaphore, #tpu.memory_space<semaphore_mem>>) src(%arg10 : memref<512xi32, #tpu.memory_space<vmem>>) dst(%dma_wait3A_1574 : memref<512xi32, #tpu.memory_space<hbm>>)
      tpu.yield
    }) : () -> ()
    return
  }
}

module attributes {stable_mosaic.version = 14 : i64} {
  func.func @_loss_kernel(%arg0: memref<4x32x4096xbf16, #tpu.memory_space<vmem>>, %arg1: memref<4x4096xi32, #tpu.memory_space<vmem>>, %arg2: memref<1x1xf32, #tpu.memory_space<smem>>) attributes {dimension_semantics = [], scalar_prefetch = 0 : i64, scratch_operands = 0 : i64, tpu.core_type = #tpu.core_type<tc>} {
    %iota3A = tpu.iota {dimensions = array<i32: 0>} : vector<8x1xi32>
    %ge3A = arith.constant 1 : i32
    %ge3A_0 = vector.broadcast %ge3A : i32 to vector<8x1xi32>
    %ge3A_1 = arith.cmpi sge, %iota3A, %ge3A_0 : vector<8x1xi32>
    %convert_element_type3A = arith.extui %ge3A_1 : vector<8x1xi1> to vector<8x1xi32>
    %convert_element_type3A_2 = arith.sitofp %convert_element_type3A : vector<8x1xi32> to vector<8x1xf32>
    %iota3A_3 = tpu.iota {dimensions = array<i32: 0>} : vector<8x8xi32>
    %iota3A_4 = tpu.iota {dimensions = array<i32: 1>} : vector<8x8xi32>
    %gt3A = arith.cmpi sgt, %iota3A_4, %iota3A_3 : vector<8x8xi32>
    %ge3A_5 = arith.constant 1 : i32
    %ge3A_6 = vector.broadcast %ge3A_5 : i32 to vector<8x8xi32>
    %ge3A_7 = arith.cmpi sge, %iota3A_3, %ge3A_6 : vector<8x8xi32>
    %and3A = arith.andi %gt3A, %ge3A_7 : vector<8x8xi1>
    %convert_element_type3A_8 = arith.extui %and3A : vector<8x8xi1> to vector<8x8xi32>
    %convert_element_type3A_9 = arith.sitofp %convert_element_type3A_8 : vector<8x8xi32> to vector<8x8xf32>
    %get3A = arith.constant 0 : index
    %get3A_10 = arith.constant 0 : index
    %get3A_11 = arith.constant 0 : index
    %get3A_12 = vector.load %arg0[%get3A, %get3A_10, %get3A_11] : memref<4x32x4096xbf16, #tpu.memory_space<vmem>>, vector<1x32x4096xbf16>
    %get3A_13 = vector.shape_cast %get3A_12 : vector<1x32x4096xbf16> to vector<32x4096xbf16>
    %convert_element_type3A_14 = arith.extf %get3A_13 : vector<32x4096xbf16> to vector<32x4096xf32>
    %get3A_15 = arith.constant 0 : index
    %get3A_16 = arith.constant 0 : index
    %get3A_17 = vector.load %arg1[%get3A_15, %get3A_16] : memref<4x4096xi32, #tpu.memory_space<vmem>>, vector<1x4096xi32>
    %get3A_18 = vector.shape_cast %get3A_17 : vector<1x4096xi32> to vector<4096xi32>
    %reshape3A = vector.shape_cast %get3A_18 : vector<4096xi32> to vector<1x4096xi32>
    %eq3A = vector.broadcast %reshape3A : vector<1x4096xi32> to vector<8x4096xi32>
    %eq3A_19 = vector.broadcast %iota3A : vector<8x1xi32> to vector<8x4096xi32>
    %eq3A_20 = arith.cmpi eq, %eq3A, %eq3A_19 : vector<8x4096xi32>
    %convert_element_type3A_21 = arith.extui %eq3A_20 : vector<8x4096xi1> to vector<8x4096xi32>
    %convert_element_type3A_22 = arith.sitofp %convert_element_type3A_21 : vector<8x4096xi32> to vector<8x4096xf32>
    %reduce_sum3A = arith.constant dense<0.000000e+00> : vector<8xf32>
    %reduce_sum3A_23 = vector.multi_reduction <add>, %convert_element_type3A_22, %reduce_sum3A [1] : vector<8x4096xf32> to vector<8xf32>
    %broadcast_in_dim3A = vector.shape_cast %reduce_sum3A_23 : vector<8xf32> to vector<8x1xf32>
    %max3A = arith.constant 1.000000e+00 : f32
    %max3A_24 = vector.broadcast %max3A : f32 to vector<8x1xf32>
    %max3A_25 = arith.maximumf %broadcast_in_dim3A, %max3A_24 : vector<8x1xf32>
    %transpose3A = tpu.transpose %max3A_25, [1, 0] : vector<8x1xf32> -> vector<1x8xf32>
    %dot_general3A = arith.constant dense<0.000000e+00> : vector<32x8xf32>
    %dot_general3A_26 = tpu.matmul %convert_element_type3A_14, %convert_element_type3A_22, %dot_general3A {dimension_numbers = #tpu.dot_dimension_numbers<[1], [1], [0], [0], [0, 0, 1, 0], [], []>, transpose_lhs_hint = false} : vector<32x4096xf32>, vector<8x4096xf32>, vector<32x8xf32> -> vector<32x8xf32>
    %div3A = vector.broadcast %transpose3A : vector<1x8xf32> to vector<32x8xf32>
    %div3A_27 = arith.divf %dot_general3A_26, %div3A : vector<32x8xf32>
    %dot_general3A_28 = arith.constant dense<0.000000e+00> : vector<32x4096xf32>
    %dot_general3A_29 = tpu.matmul %div3A_27, %convert_element_type3A_22, %dot_general3A_28 {dimension_numbers = #tpu.dot_dimension_numbers<[1], [0], [0], [1], [0, 0, 1, 1], [], []>, transpose_lhs_hint = false} : vector<32x8xf32>, vector<8x4096xf32>, vector<32x4096xf32> -> vector<32x4096xf32>
    %sub3A = arith.subf %convert_element_type3A_14, %dot_general3A_29 : vector<32x4096xf32>
    %mul3A = arith.mulf %sub3A, %sub3A : vector<32x4096xf32>
    %reduce_sum3A_30 = arith.constant dense<0.000000e+00> : vector<4096xf32>
    %reduce_sum3A_31 = vector.multi_reduction <add>, %mul3A, %reduce_sum3A_30 [0] : vector<32x4096xf32> to vector<4096xf32>
    %broadcast_in_dim3A_32 = vector.shape_cast %reduce_sum3A_31 : vector<4096xf32> to vector<1x4096xf32>
    %sqrt3A = math.sqrt %broadcast_in_dim3A_32 : vector<1x4096xf32>
    %mul3A_33 = vector.broadcast %sqrt3A : vector<1x4096xf32> to vector<8x4096xf32>
    %mul3A_34 = arith.mulf %convert_element_type3A_22, %mul3A_33 : vector<8x4096xf32>
    %reduce_sum3A_35 = arith.constant dense<0.000000e+00> : vector<8xf32>
    %reduce_sum3A_36 = vector.multi_reduction <add>, %mul3A_34, %reduce_sum3A_35 [1] : vector<8x4096xf32> to vector<8xf32>
    %broadcast_in_dim3A_37 = vector.shape_cast %reduce_sum3A_36 : vector<8xf32> to vector<8x1xf32>
    %div3A_38 = arith.divf %broadcast_in_dim3A_37, %max3A_25 : vector<8x1xf32>
    %gt3A_39 = arith.constant 0.000000e+00 : f32
    %gt3A_40 = vector.broadcast %gt3A_39 : f32 to vector<8x1xf32>
    %gt3A_41 = arith.cmpf ogt, %broadcast_in_dim3A, %gt3A_40 : vector<8x1xf32>
    %convert_element_type3A_42 = arith.extui %gt3A_41 : vector<8x1xi1> to vector<8x1xi32>
    %convert_element_type3A_43 = arith.sitofp %convert_element_type3A_42 : vector<8x1xi32> to vector<8x1xf32>
    %mul3A_44 = arith.mulf %convert_element_type3A_43, %convert_element_type3A_2 : vector<8x1xf32>
    %mul3A_45 = arith.mulf %div3A_38, %mul3A_44 : vector<8x1xf32>
    %reduce_sum3A_46 = vector.shape_cast %mul3A_45 : vector<8x1xf32> to vector<1x8x1xf32>
    %reduce_sum3A_47 = arith.constant dense<0.000000e+00> : vector<1xf32>
    %reduce_sum3A_48 = vector.multi_reduction <add>, %reduce_sum3A_46, %reduce_sum3A_47 [1, 2] : vector<1x8x1xf32> to vector<1xf32>
    %reduce_sum3A_49 = vector.shape_cast %reduce_sum3A_48 : vector<1xf32> to vector<1x1x1xf32>
    %reduce_sum3A_50 = vector.extract %reduce_sum3A_49[0, 0, 0] : f32 from vector<1x1x1xf32>
    %reduce_sum3A_51 = vector.shape_cast %mul3A_44 : vector<8x1xf32> to vector<1x8x1xf32>
    %reduce_sum3A_52 = arith.constant dense<0.000000e+00> : vector<1xf32>
    %reduce_sum3A_53 = vector.multi_reduction <add>, %reduce_sum3A_51, %reduce_sum3A_52 [1, 2] : vector<1x8x1xf32> to vector<1xf32>
    %reduce_sum3A_54 = vector.shape_cast %reduce_sum3A_53 : vector<1xf32> to vector<1x1x1xf32>
    %reduce_sum3A_55 = vector.extract %reduce_sum3A_54[0, 0, 0] : f32 from vector<1x1x1xf32>
    %dot_general3A_56 = arith.constant dense<0.000000e+00> : vector<8x8xf32>
    %dot_general3A_57 = tpu.matmul %div3A_27, %div3A_27, %dot_general3A_56 {dimension_numbers = #tpu.dot_dimension_numbers<[0], [0], [1], [1], [0, 1, 1, 1], [], []>, precision = #tpu.contract_precision<fp32>, transpose_lhs_hint = false} : vector<32x8xf32>, vector<32x8xf32>, vector<8x8xf32> -> vector<8x8xf32>
    %mul3A_58 = arith.mulf %div3A_27, %div3A_27 : vector<32x8xf32>
    %reduce_sum3A_59 = arith.constant dense<0.000000e+00> : vector<8xf32>
    %reduce_sum3A_60 = vector.multi_reduction <add>, %mul3A_58, %reduce_sum3A_59 [0] : vector<32x8xf32> to vector<8xf32>
    %broadcast_in_dim3A_61 = vector.shape_cast %reduce_sum3A_60 : vector<8xf32> to vector<1x8xf32>
    %transpose3A_62 = tpu.transpose %broadcast_in_dim3A_61, [1, 0] : vector<1x8xf32> -> vector<8x1xf32>
    %add3A = vector.broadcast %broadcast_in_dim3A_61 : vector<1x8xf32> to vector<8x8xf32>
    %add3A_63 = vector.broadcast %transpose3A_62 : vector<8x1xf32> to vector<8x8xf32>
    %add3A_64 = arith.addf %add3A, %add3A_63 : vector<8x8xf32>
    %mul3A_65 = arith.constant 2.000000e+00 : f32
    %mul3A_66 = vector.broadcast %mul3A_65 : f32 to vector<8x8xf32>
    %mul3A_67 = arith.mulf %mul3A_66, %dot_general3A_57 : vector<8x8xf32>
    %sub3A_68 = arith.subf %add3A_64, %mul3A_67 : vector<8x8xf32>
    %max3A_69 = arith.constant 0.000000e+00 : f32
    %max3A_70 = vector.broadcast %max3A_69 : f32 to vector<8x8xf32>
    %max3A_71 = arith.maximumf %sub3A_68, %max3A_70 : vector<8x8xf32>
    %sqrt3A_72 = math.sqrt %max3A_71 : vector<8x8xf32>
    %transpose3A_73 = tpu.transpose %mul3A_44, [1, 0] : vector<8x1xf32> -> vector<1x8xf32>
    %mul3A_74 = vector.broadcast %mul3A_44 : vector<8x1xf32> to vector<8x8xf32>
    %mul3A_75 = vector.broadcast %transpose3A_73 : vector<1x8xf32> to vector<8x8xf32>
    %mul3A_76 = arith.mulf %mul3A_74, %mul3A_75 : vector<8x8xf32>
    %mul3A_77 = arith.mulf %mul3A_76, %convert_element_type3A_9 : vector<8x8xf32>
    %reduce_sum3A_78 = vector.shape_cast %mul3A_77 : vector<8x8xf32> to vector<1x8x8xf32>
    %reduce_sum3A_79 = arith.constant dense<0.000000e+00> : vector<1xf32>
    %reduce_sum3A_80 = vector.multi_reduction <add>, %reduce_sum3A_78, %reduce_sum3A_79 [1, 2] : vector<1x8x8xf32> to vector<1xf32>
    %reduce_sum3A_81 = vector.shape_cast %reduce_sum3A_80 : vector<1xf32> to vector<1x1x1xf32>
    %reduce_sum3A_82 = vector.extract %reduce_sum3A_81[0, 0, 0] : f32 from vector<1x1x1xf32>
    %sub3A_83 = arith.constant 1.000000e+00 : f32
    %sub3A_84 = vector.broadcast %sub3A_83 : f32 to vector<8x8xf32>
    %sub3A_85 = arith.subf %sub3A_84, %sqrt3A_72 : vector<8x8xf32>
    %max3A_86 = arith.constant 0.000000e+00 : f32
    %max3A_87 = vector.broadcast %max3A_86 : f32 to vector<8x8xf32>
    %max3A_88 = arith.maximumf %sub3A_85, %max3A_87 : vector<8x8xf32>
    %mul3A_89 = arith.mulf %max3A_88, %mul3A_77 : vector<8x8xf32>
    %reduce_sum3A_90 = vector.shape_cast %mul3A_89 : vector<8x8xf32> to vector<1x8x8xf32>
    %reduce_sum3A_91 = arith.constant dense<0.000000e+00> : vector<1xf32>
    %reduce_sum3A_92 = vector.multi_reduction <add>, %reduce_sum3A_90, %reduce_sum3A_91 [1, 2] : vector<1x8x8xf32> to vector<1xf32>
    %reduce_sum3A_93 = vector.shape_cast %reduce_sum3A_92 : vector<1xf32> to vector<1x1x1xf32>
    %reduce_sum3A_94 = vector.extract %reduce_sum3A_93[0, 0, 0] : f32 from vector<1x1x1xf32>
    %max3A_95 = arith.constant 1.000000e+00 : f32
    %max3A_96 = arith.maximumf %reduce_sum3A_82, %max3A_95 : f32
    %div3A_97 = arith.divf %reduce_sum3A_94, %max3A_96 : f32
    %gt3A_98 = arith.constant 1.000000e+00 : f32
    %gt3A_99 = arith.cmpf ogt, %reduce_sum3A_55, %gt3A_98 : f32
    %max3A_100 = arith.constant 1.000000e+00 : f32
    %max3A_101 = arith.maximumf %reduce_sum3A_55, %max3A_100 : f32
    %div3A_102 = arith.divf %reduce_sum3A_50, %max3A_101 : f32
    %add3A_103 = arith.addf %div3A_102, %div3A_97 : f32
    %jit3A = arith.constant 0.000000e+00 : f32
    %select_n3A = arith.select %gt3A_99, %add3A_103, %jit3A : f32
    %add3A_104 = arith.constant 0.000000e+00 : f32
    %add3A_105 = arith.addf %add3A_104, %select_n3A : f32
    %get3A_106 = arith.constant 1 : index
    %get3A_107 = arith.constant 0 : index
    %get3A_108 = arith.constant 0 : index
    %get3A_109 = vector.load %arg0[%get3A_106, %get3A_107, %get3A_108] : memref<4x32x4096xbf16, #tpu.memory_space<vmem>>, vector<1x32x4096xbf16>
    %get3A_110 = vector.shape_cast %get3A_109 : vector<1x32x4096xbf16> to vector<32x4096xbf16>
    %convert_element_type3A_111 = arith.extf %get3A_110 : vector<32x4096xbf16> to vector<32x4096xf32>
    %get3A_112 = arith.constant 1 : index
    %get3A_113 = arith.constant 0 : index
    %get3A_114 = vector.load %arg1[%get3A_112, %get3A_113] : memref<4x4096xi32, #tpu.memory_space<vmem>>, vector<1x4096xi32>
    %get3A_115 = vector.shape_cast %get3A_114 : vector<1x4096xi32> to vector<4096xi32>
    %reshape3A_116 = vector.shape_cast %get3A_115 : vector<4096xi32> to vector<1x4096xi32>
    %eq3A_117 = vector.broadcast %reshape3A_116 : vector<1x4096xi32> to vector<8x4096xi32>
    %eq3A_118 = vector.broadcast %iota3A : vector<8x1xi32> to vector<8x4096xi32>
    %eq3A_119 = arith.cmpi eq, %eq3A_117, %eq3A_118 : vector<8x4096xi32>
    %convert_element_type3A_120 = arith.extui %eq3A_119 : vector<8x4096xi1> to vector<8x4096xi32>
    %convert_element_type3A_121 = arith.sitofp %convert_element_type3A_120 : vector<8x4096xi32> to vector<8x4096xf32>
    %reduce_sum3A_122 = arith.constant dense<0.000000e+00> : vector<8xf32>
    %reduce_sum3A_123 = vector.multi_reduction <add>, %convert_element_type3A_121, %reduce_sum3A_122 [1] : vector<8x4096xf32> to vector<8xf32>
    %broadcast_in_dim3A_124 = vector.shape_cast %reduce_sum3A_123 : vector<8xf32> to vector<8x1xf32>
    %max3A_125 = arith.constant 1.000000e+00 : f32
    %max3A_126 = vector.broadcast %max3A_125 : f32 to vector<8x1xf32>
    %max3A_127 = arith.maximumf %broadcast_in_dim3A_124, %max3A_126 : vector<8x1xf32>
    %transpose3A_128 = tpu.transpose %max3A_127, [1, 0] : vector<8x1xf32> -> vector<1x8xf32>
    %dot_general3A_129 = arith.constant dense<0.000000e+00> : vector<32x8xf32>
    %dot_general3A_130 = tpu.matmul %convert_element_type3A_111, %convert_element_type3A_121, %dot_general3A_129 {dimension_numbers = #tpu.dot_dimension_numbers<[1], [1], [0], [0], [0, 0, 1, 0], [], []>, transpose_lhs_hint = false} : vector<32x4096xf32>, vector<8x4096xf32>, vector<32x8xf32> -> vector<32x8xf32>
    %div3A_131 = vector.broadcast %transpose3A_128 : vector<1x8xf32> to vector<32x8xf32>
    %div3A_132 = arith.divf %dot_general3A_130, %div3A_131 : vector<32x8xf32>
    %dot_general3A_133 = arith.constant dense<0.000000e+00> : vector<32x4096xf32>
    %dot_general3A_134 = tpu.matmul %div3A_132, %convert_element_type3A_121, %dot_general3A_133 {dimension_numbers = #tpu.dot_dimension_numbers<[1], [0], [0], [1], [0, 0, 1, 1], [], []>, transpose_lhs_hint = false} : vector<32x8xf32>, vector<8x4096xf32>, vector<32x4096xf32> -> vector<32x4096xf32>
    %sub3A_135 = arith.subf %convert_element_type3A_111, %dot_general3A_134 : vector<32x4096xf32>
    %mul3A_136 = arith.mulf %sub3A_135, %sub3A_135 : vector<32x4096xf32>
    %reduce_sum3A_137 = arith.constant dense<0.000000e+00> : vector<4096xf32>
    %reduce_sum3A_138 = vector.multi_reduction <add>, %mul3A_136, %reduce_sum3A_137 [0] : vector<32x4096xf32> to vector<4096xf32>
    %broadcast_in_dim3A_139 = vector.shape_cast %reduce_sum3A_138 : vector<4096xf32> to vector<1x4096xf32>
    %sqrt3A_140 = math.sqrt %broadcast_in_dim3A_139 : vector<1x4096xf32>
    %mul3A_141 = vector.broadcast %sqrt3A_140 : vector<1x4096xf32> to vector<8x4096xf32>
    %mul3A_142 = arith.mulf %convert_element_type3A_121, %mul3A_141 : vector<8x4096xf32>
    %reduce_sum3A_143 = arith.constant dense<0.000000e+00> : vector<8xf32>
    %reduce_sum3A_144 = vector.multi_reduction <add>, %mul3A_142, %reduce_sum3A_143 [1] : vector<8x4096xf32> to vector<8xf32>
    %broadcast_in_dim3A_145 = vector.shape_cast %reduce_sum3A_144 : vector<8xf32> to vector<8x1xf32>
    %div3A_146 = arith.divf %broadcast_in_dim3A_145, %max3A_127 : vector<8x1xf32>
    %gt3A_147 = arith.constant 0.000000e+00 : f32
    %gt3A_148 = vector.broadcast %gt3A_147 : f32 to vector<8x1xf32>
    %gt3A_149 = arith.cmpf ogt, %broadcast_in_dim3A_124, %gt3A_148 : vector<8x1xf32>
    %convert_element_type3A_150 = arith.extui %gt3A_149 : vector<8x1xi1> to vector<8x1xi32>
    %convert_element_type3A_151 = arith.sitofp %convert_element_type3A_150 : vector<8x1xi32> to vector<8x1xf32>
    %mul3A_152 = arith.mulf %convert_element_type3A_151, %convert_element_type3A_2 : vector<8x1xf32>
    %mul3A_153 = arith.mulf %div3A_146, %mul3A_152 : vector<8x1xf32>
    %reduce_sum3A_154 = vector.shape_cast %mul3A_153 : vector<8x1xf32> to vector<1x8x1xf32>
    %reduce_sum3A_155 = arith.constant dense<0.000000e+00> : vector<1xf32>
    %reduce_sum3A_156 = vector.multi_reduction <add>, %reduce_sum3A_154, %reduce_sum3A_155 [1, 2] : vector<1x8x1xf32> to vector<1xf32>
    %reduce_sum3A_157 = vector.shape_cast %reduce_sum3A_156 : vector<1xf32> to vector<1x1x1xf32>
    %reduce_sum3A_158 = vector.extract %reduce_sum3A_157[0, 0, 0] : f32 from vector<1x1x1xf32>
    %reduce_sum3A_159 = vector.shape_cast %mul3A_152 : vector<8x1xf32> to vector<1x8x1xf32>
    %reduce_sum3A_160 = arith.constant dense<0.000000e+00> : vector<1xf32>
    %reduce_sum3A_161 = vector.multi_reduction <add>, %reduce_sum3A_159, %reduce_sum3A_160 [1, 2] : vector<1x8x1xf32> to vector<1xf32>
    %reduce_sum3A_162 = vector.shape_cast %reduce_sum3A_161 : vector<1xf32> to vector<1x1x1xf32>
    %reduce_sum3A_163 = vector.extract %reduce_sum3A_162[0, 0, 0] : f32 from vector<1x1x1xf32>
    %dot_general3A_164 = arith.constant dense<0.000000e+00> : vector<8x8xf32>
    %dot_general3A_165 = tpu.matmul %div3A_132, %div3A_132, %dot_general3A_164 {dimension_numbers = #tpu.dot_dimension_numbers<[0], [0], [1], [1], [0, 1, 1, 1], [], []>, precision = #tpu.contract_precision<fp32>, transpose_lhs_hint = false} : vector<32x8xf32>, vector<32x8xf32>, vector<8x8xf32> -> vector<8x8xf32>
    %mul3A_166 = arith.mulf %div3A_132, %div3A_132 : vector<32x8xf32>
    %reduce_sum3A_167 = arith.constant dense<0.000000e+00> : vector<8xf32>
    %reduce_sum3A_168 = vector.multi_reduction <add>, %mul3A_166, %reduce_sum3A_167 [0] : vector<32x8xf32> to vector<8xf32>
    %broadcast_in_dim3A_169 = vector.shape_cast %reduce_sum3A_168 : vector<8xf32> to vector<1x8xf32>
    %transpose3A_170 = tpu.transpose %broadcast_in_dim3A_169, [1, 0] : vector<1x8xf32> -> vector<8x1xf32>
    %add3A_171 = vector.broadcast %broadcast_in_dim3A_169 : vector<1x8xf32> to vector<8x8xf32>
    %add3A_172 = vector.broadcast %transpose3A_170 : vector<8x1xf32> to vector<8x8xf32>
    %add3A_173 = arith.addf %add3A_171, %add3A_172 : vector<8x8xf32>
    %mul3A_174 = arith.constant 2.000000e+00 : f32
    %mul3A_175 = vector.broadcast %mul3A_174 : f32 to vector<8x8xf32>
    %mul3A_176 = arith.mulf %mul3A_175, %dot_general3A_165 : vector<8x8xf32>
    %sub3A_177 = arith.subf %add3A_173, %mul3A_176 : vector<8x8xf32>
    %max3A_178 = arith.constant 0.000000e+00 : f32
    %max3A_179 = vector.broadcast %max3A_178 : f32 to vector<8x8xf32>
    %max3A_180 = arith.maximumf %sub3A_177, %max3A_179 : vector<8x8xf32>
    %sqrt3A_181 = math.sqrt %max3A_180 : vector<8x8xf32>
    %transpose3A_182 = tpu.transpose %mul3A_152, [1, 0] : vector<8x1xf32> -> vector<1x8xf32>
    %mul3A_183 = vector.broadcast %mul3A_152 : vector<8x1xf32> to vector<8x8xf32>
    %mul3A_184 = vector.broadcast %transpose3A_182 : vector<1x8xf32> to vector<8x8xf32>
    %mul3A_185 = arith.mulf %mul3A_183, %mul3A_184 : vector<8x8xf32>
    %mul3A_186 = arith.mulf %mul3A_185, %convert_element_type3A_9 : vector<8x8xf32>
    %reduce_sum3A_187 = vector.shape_cast %mul3A_186 : vector<8x8xf32> to vector<1x8x8xf32>
    %reduce_sum3A_188 = arith.constant dense<0.000000e+00> : vector<1xf32>
    %reduce_sum3A_189 = vector.multi_reduction <add>, %reduce_sum3A_187, %reduce_sum3A_188 [1, 2] : vector<1x8x8xf32> to vector<1xf32>
    %reduce_sum3A_190 = vector.shape_cast %reduce_sum3A_189 : vector<1xf32> to vector<1x1x1xf32>
    %reduce_sum3A_191 = vector.extract %reduce_sum3A_190[0, 0, 0] : f32 from vector<1x1x1xf32>
    %sub3A_192 = arith.constant 1.000000e+00 : f32
    %sub3A_193 = vector.broadcast %sub3A_192 : f32 to vector<8x8xf32>
    %sub3A_194 = arith.subf %sub3A_193, %sqrt3A_181 : vector<8x8xf32>
    %max3A_195 = arith.constant 0.000000e+00 : f32
    %max3A_196 = vector.broadcast %max3A_195 : f32 to vector<8x8xf32>
    %max3A_197 = arith.maximumf %sub3A_194, %max3A_196 : vector<8x8xf32>
    %mul3A_198 = arith.mulf %max3A_197, %mul3A_186 : vector<8x8xf32>
    %reduce_sum3A_199 = vector.shape_cast %mul3A_198 : vector<8x8xf32> to vector<1x8x8xf32>
    %reduce_sum3A_200 = arith.constant dense<0.000000e+00> : vector<1xf32>
    %reduce_sum3A_201 = vector.multi_reduction <add>, %reduce_sum3A_199, %reduce_sum3A_200 [1, 2] : vector<1x8x8xf32> to vector<1xf32>
    %reduce_sum3A_202 = vector.shape_cast %reduce_sum3A_201 : vector<1xf32> to vector<1x1x1xf32>
    %reduce_sum3A_203 = vector.extract %reduce_sum3A_202[0, 0, 0] : f32 from vector<1x1x1xf32>
    %max3A_204 = arith.constant 1.000000e+00 : f32
    %max3A_205 = arith.maximumf %reduce_sum3A_191, %max3A_204 : f32
    %div3A_206 = arith.divf %reduce_sum3A_203, %max3A_205 : f32
    %gt3A_207 = arith.constant 1.000000e+00 : f32
    %gt3A_208 = arith.cmpf ogt, %reduce_sum3A_163, %gt3A_207 : f32
    %max3A_209 = arith.constant 1.000000e+00 : f32
    %max3A_210 = arith.maximumf %reduce_sum3A_163, %max3A_209 : f32
    %div3A_211 = arith.divf %reduce_sum3A_158, %max3A_210 : f32
    %add3A_212 = arith.addf %div3A_211, %div3A_206 : f32
    %jit3A_213 = arith.constant 0.000000e+00 : f32
    %select_n3A_214 = arith.select %gt3A_208, %add3A_212, %jit3A_213 : f32
    %add3A_215 = arith.addf %add3A_105, %select_n3A_214 : f32
    %get3A_216 = arith.constant 2 : index
    %get3A_217 = arith.constant 0 : index
    %get3A_218 = arith.constant 0 : index
    %get3A_219 = vector.load %arg0[%get3A_216, %get3A_217, %get3A_218] : memref<4x32x4096xbf16, #tpu.memory_space<vmem>>, vector<1x32x4096xbf16>
    %get3A_220 = vector.shape_cast %get3A_219 : vector<1x32x4096xbf16> to vector<32x4096xbf16>
    %convert_element_type3A_221 = arith.extf %get3A_220 : vector<32x4096xbf16> to vector<32x4096xf32>
    %get3A_222 = arith.constant 2 : index
    %get3A_223 = arith.constant 0 : index
    %get3A_224 = vector.load %arg1[%get3A_222, %get3A_223] : memref<4x4096xi32, #tpu.memory_space<vmem>>, vector<1x4096xi32>
    %get3A_225 = vector.shape_cast %get3A_224 : vector<1x4096xi32> to vector<4096xi32>
    %reshape3A_226 = vector.shape_cast %get3A_225 : vector<4096xi32> to vector<1x4096xi32>
    %eq3A_227 = vector.broadcast %reshape3A_226 : vector<1x4096xi32> to vector<8x4096xi32>
    %eq3A_228 = vector.broadcast %iota3A : vector<8x1xi32> to vector<8x4096xi32>
    %eq3A_229 = arith.cmpi eq, %eq3A_227, %eq3A_228 : vector<8x4096xi32>
    %convert_element_type3A_230 = arith.extui %eq3A_229 : vector<8x4096xi1> to vector<8x4096xi32>
    %convert_element_type3A_231 = arith.sitofp %convert_element_type3A_230 : vector<8x4096xi32> to vector<8x4096xf32>
    %reduce_sum3A_232 = arith.constant dense<0.000000e+00> : vector<8xf32>
    %reduce_sum3A_233 = vector.multi_reduction <add>, %convert_element_type3A_231, %reduce_sum3A_232 [1] : vector<8x4096xf32> to vector<8xf32>
    %broadcast_in_dim3A_234 = vector.shape_cast %reduce_sum3A_233 : vector<8xf32> to vector<8x1xf32>
    %max3A_235 = arith.constant 1.000000e+00 : f32
    %max3A_236 = vector.broadcast %max3A_235 : f32 to vector<8x1xf32>
    %max3A_237 = arith.maximumf %broadcast_in_dim3A_234, %max3A_236 : vector<8x1xf32>
    %transpose3A_238 = tpu.transpose %max3A_237, [1, 0] : vector<8x1xf32> -> vector<1x8xf32>
    %dot_general3A_239 = arith.constant dense<0.000000e+00> : vector<32x8xf32>
    %dot_general3A_240 = tpu.matmul %convert_element_type3A_221, %convert_element_type3A_231, %dot_general3A_239 {dimension_numbers = #tpu.dot_dimension_numbers<[1], [1], [0], [0], [0, 0, 1, 0], [], []>, transpose_lhs_hint = false} : vector<32x4096xf32>, vector<8x4096xf32>, vector<32x8xf32> -> vector<32x8xf32>
    %div3A_241 = vector.broadcast %transpose3A_238 : vector<1x8xf32> to vector<32x8xf32>
    %div3A_242 = arith.divf %dot_general3A_240, %div3A_241 : vector<32x8xf32>
    %dot_general3A_243 = arith.constant dense<0.000000e+00> : vector<32x4096xf32>
    %dot_general3A_244 = tpu.matmul %div3A_242, %convert_element_type3A_231, %dot_general3A_243 {dimension_numbers = #tpu.dot_dimension_numbers<[1], [0], [0], [1], [0, 0, 1, 1], [], []>, transpose_lhs_hint = false} : vector<32x8xf32>, vector<8x4096xf32>, vector<32x4096xf32> -> vector<32x4096xf32>
    %sub3A_245 = arith.subf %convert_element_type3A_221, %dot_general3A_244 : vector<32x4096xf32>
    %mul3A_246 = arith.mulf %sub3A_245, %sub3A_245 : vector<32x4096xf32>
    %reduce_sum3A_247 = arith.constant dense<0.000000e+00> : vector<4096xf32>
    %reduce_sum3A_248 = vector.multi_reduction <add>, %mul3A_246, %reduce_sum3A_247 [0] : vector<32x4096xf32> to vector<4096xf32>
    %broadcast_in_dim3A_249 = vector.shape_cast %reduce_sum3A_248 : vector<4096xf32> to vector<1x4096xf32>
    %sqrt3A_250 = math.sqrt %broadcast_in_dim3A_249 : vector<1x4096xf32>
    %mul3A_251 = vector.broadcast %sqrt3A_250 : vector<1x4096xf32> to vector<8x4096xf32>
    %mul3A_252 = arith.mulf %convert_element_type3A_231, %mul3A_251 : vector<8x4096xf32>
    %reduce_sum3A_253 = arith.constant dense<0.000000e+00> : vector<8xf32>
    %reduce_sum3A_254 = vector.multi_reduction <add>, %mul3A_252, %reduce_sum3A_253 [1] : vector<8x4096xf32> to vector<8xf32>
    %broadcast_in_dim3A_255 = vector.shape_cast %reduce_sum3A_254 : vector<8xf32> to vector<8x1xf32>
    %div3A_256 = arith.divf %broadcast_in_dim3A_255, %max3A_237 : vector<8x1xf32>
    %gt3A_257 = arith.constant 0.000000e+00 : f32
    %gt3A_258 = vector.broadcast %gt3A_257 : f32 to vector<8x1xf32>
    %gt3A_259 = arith.cmpf ogt, %broadcast_in_dim3A_234, %gt3A_258 : vector<8x1xf32>
    %convert_element_type3A_260 = arith.extui %gt3A_259 : vector<8x1xi1> to vector<8x1xi32>
    %convert_element_type3A_261 = arith.sitofp %convert_element_type3A_260 : vector<8x1xi32> to vector<8x1xf32>
    %mul3A_262 = arith.mulf %convert_element_type3A_261, %convert_element_type3A_2 : vector<8x1xf32>
    %mul3A_263 = arith.mulf %div3A_256, %mul3A_262 : vector<8x1xf32>
    %reduce_sum3A_264 = vector.shape_cast %mul3A_263 : vector<8x1xf32> to vector<1x8x1xf32>
    %reduce_sum3A_265 = arith.constant dense<0.000000e+00> : vector<1xf32>
    %reduce_sum3A_266 = vector.multi_reduction <add>, %reduce_sum3A_264, %reduce_sum3A_265 [1, 2] : vector<1x8x1xf32> to vector<1xf32>
    %reduce_sum3A_267 = vector.shape_cast %reduce_sum3A_266 : vector<1xf32> to vector<1x1x1xf32>
    %reduce_sum3A_268 = vector.extract %reduce_sum3A_267[0, 0, 0] : f32 from vector<1x1x1xf32>
    %reduce_sum3A_269 = vector.shape_cast %mul3A_262 : vector<8x1xf32> to vector<1x8x1xf32>
    %reduce_sum3A_270 = arith.constant dense<0.000000e+00> : vector<1xf32>
    %reduce_sum3A_271 = vector.multi_reduction <add>, %reduce_sum3A_269, %reduce_sum3A_270 [1, 2] : vector<1x8x1xf32> to vector<1xf32>
    %reduce_sum3A_272 = vector.shape_cast %reduce_sum3A_271 : vector<1xf32> to vector<1x1x1xf32>
    %reduce_sum3A_273 = vector.extract %reduce_sum3A_272[0, 0, 0] : f32 from vector<1x1x1xf32>
    %dot_general3A_274 = arith.constant dense<0.000000e+00> : vector<8x8xf32>
    %dot_general3A_275 = tpu.matmul %div3A_242, %div3A_242, %dot_general3A_274 {dimension_numbers = #tpu.dot_dimension_numbers<[0], [0], [1], [1], [0, 1, 1, 1], [], []>, precision = #tpu.contract_precision<fp32>, transpose_lhs_hint = false} : vector<32x8xf32>, vector<32x8xf32>, vector<8x8xf32> -> vector<8x8xf32>
    %mul3A_276 = arith.mulf %div3A_242, %div3A_242 : vector<32x8xf32>
    %reduce_sum3A_277 = arith.constant dense<0.000000e+00> : vector<8xf32>
    %reduce_sum3A_278 = vector.multi_reduction <add>, %mul3A_276, %reduce_sum3A_277 [0] : vector<32x8xf32> to vector<8xf32>
    %broadcast_in_dim3A_279 = vector.shape_cast %reduce_sum3A_278 : vector<8xf32> to vector<1x8xf32>
    %transpose3A_280 = tpu.transpose %broadcast_in_dim3A_279, [1, 0] : vector<1x8xf32> -> vector<8x1xf32>
    %add3A_281 = vector.broadcast %broadcast_in_dim3A_279 : vector<1x8xf32> to vector<8x8xf32>
    %add3A_282 = vector.broadcast %transpose3A_280 : vector<8x1xf32> to vector<8x8xf32>
    %add3A_283 = arith.addf %add3A_281, %add3A_282 : vector<8x8xf32>
    %mul3A_284 = arith.constant 2.000000e+00 : f32
    %mul3A_285 = vector.broadcast %mul3A_284 : f32 to vector<8x8xf32>
    %mul3A_286 = arith.mulf %mul3A_285, %dot_general3A_275 : vector<8x8xf32>
    %sub3A_287 = arith.subf %add3A_283, %mul3A_286 : vector<8x8xf32>
    %max3A_288 = arith.constant 0.000000e+00 : f32
    %max3A_289 = vector.broadcast %max3A_288 : f32 to vector<8x8xf32>
    %max3A_290 = arith.maximumf %sub3A_287, %max3A_289 : vector<8x8xf32>
    %sqrt3A_291 = math.sqrt %max3A_290 : vector<8x8xf32>
    %transpose3A_292 = tpu.transpose %mul3A_262, [1, 0] : vector<8x1xf32> -> vector<1x8xf32>
    %mul3A_293 = vector.broadcast %mul3A_262 : vector<8x1xf32> to vector<8x8xf32>
    %mul3A_294 = vector.broadcast %transpose3A_292 : vector<1x8xf32> to vector<8x8xf32>
    %mul3A_295 = arith.mulf %mul3A_293, %mul3A_294 : vector<8x8xf32>
    %mul3A_296 = arith.mulf %mul3A_295, %convert_element_type3A_9 : vector<8x8xf32>
    %reduce_sum3A_297 = vector.shape_cast %mul3A_296 : vector<8x8xf32> to vector<1x8x8xf32>
    %reduce_sum3A_298 = arith.constant dense<0.000000e+00> : vector<1xf32>
    %reduce_sum3A_299 = vector.multi_reduction <add>, %reduce_sum3A_297, %reduce_sum3A_298 [1, 2] : vector<1x8x8xf32> to vector<1xf32>
    %reduce_sum3A_300 = vector.shape_cast %reduce_sum3A_299 : vector<1xf32> to vector<1x1x1xf32>
    %reduce_sum3A_301 = vector.extract %reduce_sum3A_300[0, 0, 0] : f32 from vector<1x1x1xf32>
    %sub3A_302 = arith.constant 1.000000e+00 : f32
    %sub3A_303 = vector.broadcast %sub3A_302 : f32 to vector<8x8xf32>
    %sub3A_304 = arith.subf %sub3A_303, %sqrt3A_291 : vector<8x8xf32>
    %max3A_305 = arith.constant 0.000000e+00 : f32
    %max3A_306 = vector.broadcast %max3A_305 : f32 to vector<8x8xf32>
    %max3A_307 = arith.maximumf %sub3A_304, %max3A_306 : vector<8x8xf32>
    %mul3A_308 = arith.mulf %max3A_307, %mul3A_296 : vector<8x8xf32>
    %reduce_sum3A_309 = vector.shape_cast %mul3A_308 : vector<8x8xf32> to vector<1x8x8xf32>
    %reduce_sum3A_310 = arith.constant dense<0.000000e+00> : vector<1xf32>
    %reduce_sum3A_311 = vector.multi_reduction <add>, %reduce_sum3A_309, %reduce_sum3A_310 [1, 2] : vector<1x8x8xf32> to vector<1xf32>
    %reduce_sum3A_312 = vector.shape_cast %reduce_sum3A_311 : vector<1xf32> to vector<1x1x1xf32>
    %reduce_sum3A_313 = vector.extract %reduce_sum3A_312[0, 0, 0] : f32 from vector<1x1x1xf32>
    %max3A_314 = arith.constant 1.000000e+00 : f32
    %max3A_315 = arith.maximumf %reduce_sum3A_301, %max3A_314 : f32
    %div3A_316 = arith.divf %reduce_sum3A_313, %max3A_315 : f32
    %gt3A_317 = arith.constant 1.000000e+00 : f32
    %gt3A_318 = arith.cmpf ogt, %reduce_sum3A_273, %gt3A_317 : f32
    %max3A_319 = arith.constant 1.000000e+00 : f32
    %max3A_320 = arith.maximumf %reduce_sum3A_273, %max3A_319 : f32
    %div3A_321 = arith.divf %reduce_sum3A_268, %max3A_320 : f32
    %add3A_322 = arith.addf %div3A_321, %div3A_316 : f32
    %jit3A_323 = arith.constant 0.000000e+00 : f32
    %select_n3A_324 = arith.select %gt3A_318, %add3A_322, %jit3A_323 : f32
    %add3A_325 = arith.addf %add3A_215, %select_n3A_324 : f32
    %get3A_326 = arith.constant 3 : index
    %get3A_327 = arith.constant 0 : index
    %get3A_328 = arith.constant 0 : index
    %get3A_329 = vector.load %arg0[%get3A_326, %get3A_327, %get3A_328] : memref<4x32x4096xbf16, #tpu.memory_space<vmem>>, vector<1x32x4096xbf16>
    %get3A_330 = vector.shape_cast %get3A_329 : vector<1x32x4096xbf16> to vector<32x4096xbf16>
    %convert_element_type3A_331 = arith.extf %get3A_330 : vector<32x4096xbf16> to vector<32x4096xf32>
    %get3A_332 = arith.constant 3 : index
    %get3A_333 = arith.constant 0 : index
    %get3A_334 = vector.load %arg1[%get3A_332, %get3A_333] : memref<4x4096xi32, #tpu.memory_space<vmem>>, vector<1x4096xi32>
    %get3A_335 = vector.shape_cast %get3A_334 : vector<1x4096xi32> to vector<4096xi32>
    %reshape3A_336 = vector.shape_cast %get3A_335 : vector<4096xi32> to vector<1x4096xi32>
    %eq3A_337 = vector.broadcast %reshape3A_336 : vector<1x4096xi32> to vector<8x4096xi32>
    %eq3A_338 = vector.broadcast %iota3A : vector<8x1xi32> to vector<8x4096xi32>
    %eq3A_339 = arith.cmpi eq, %eq3A_337, %eq3A_338 : vector<8x4096xi32>
    %convert_element_type3A_340 = arith.extui %eq3A_339 : vector<8x4096xi1> to vector<8x4096xi32>
    %convert_element_type3A_341 = arith.sitofp %convert_element_type3A_340 : vector<8x4096xi32> to vector<8x4096xf32>
    %reduce_sum3A_342 = arith.constant dense<0.000000e+00> : vector<8xf32>
    %reduce_sum3A_343 = vector.multi_reduction <add>, %convert_element_type3A_341, %reduce_sum3A_342 [1] : vector<8x4096xf32> to vector<8xf32>
    %broadcast_in_dim3A_344 = vector.shape_cast %reduce_sum3A_343 : vector<8xf32> to vector<8x1xf32>
    %max3A_345 = arith.constant 1.000000e+00 : f32
    %max3A_346 = vector.broadcast %max3A_345 : f32 to vector<8x1xf32>
    %max3A_347 = arith.maximumf %broadcast_in_dim3A_344, %max3A_346 : vector<8x1xf32>
    %transpose3A_348 = tpu.transpose %max3A_347, [1, 0] : vector<8x1xf32> -> vector<1x8xf32>
    %dot_general3A_349 = arith.constant dense<0.000000e+00> : vector<32x8xf32>
    %dot_general3A_350 = tpu.matmul %convert_element_type3A_331, %convert_element_type3A_341, %dot_general3A_349 {dimension_numbers = #tpu.dot_dimension_numbers<[1], [1], [0], [0], [0, 0, 1, 0], [], []>, transpose_lhs_hint = false} : vector<32x4096xf32>, vector<8x4096xf32>, vector<32x8xf32> -> vector<32x8xf32>
    %div3A_351 = vector.broadcast %transpose3A_348 : vector<1x8xf32> to vector<32x8xf32>
    %div3A_352 = arith.divf %dot_general3A_350, %div3A_351 : vector<32x8xf32>
    %dot_general3A_353 = arith.constant dense<0.000000e+00> : vector<32x4096xf32>
    %dot_general3A_354 = tpu.matmul %div3A_352, %convert_element_type3A_341, %dot_general3A_353 {dimension_numbers = #tpu.dot_dimension_numbers<[1], [0], [0], [1], [0, 0, 1, 1], [], []>, transpose_lhs_hint = false} : vector<32x8xf32>, vector<8x4096xf32>, vector<32x4096xf32> -> vector<32x4096xf32>
    %sub3A_355 = arith.subf %convert_element_type3A_331, %dot_general3A_354 : vector<32x4096xf32>
    %mul3A_356 = arith.mulf %sub3A_355, %sub3A_355 : vector<32x4096xf32>
    %reduce_sum3A_357 = arith.constant dense<0.000000e+00> : vector<4096xf32>
    %reduce_sum3A_358 = vector.multi_reduction <add>, %mul3A_356, %reduce_sum3A_357 [0] : vector<32x4096xf32> to vector<4096xf32>
    %broadcast_in_dim3A_359 = vector.shape_cast %reduce_sum3A_358 : vector<4096xf32> to vector<1x4096xf32>
    %sqrt3A_360 = math.sqrt %broadcast_in_dim3A_359 : vector<1x4096xf32>
    %mul3A_361 = vector.broadcast %sqrt3A_360 : vector<1x4096xf32> to vector<8x4096xf32>
    %mul3A_362 = arith.mulf %convert_element_type3A_341, %mul3A_361 : vector<8x4096xf32>
    %reduce_sum3A_363 = arith.constant dense<0.000000e+00> : vector<8xf32>
    %reduce_sum3A_364 = vector.multi_reduction <add>, %mul3A_362, %reduce_sum3A_363 [1] : vector<8x4096xf32> to vector<8xf32>
    %broadcast_in_dim3A_365 = vector.shape_cast %reduce_sum3A_364 : vector<8xf32> to vector<8x1xf32>
    %div3A_366 = arith.divf %broadcast_in_dim3A_365, %max3A_347 : vector<8x1xf32>
    %gt3A_367 = arith.constant 0.000000e+00 : f32
    %gt3A_368 = vector.broadcast %gt3A_367 : f32 to vector<8x1xf32>
    %gt3A_369 = arith.cmpf ogt, %broadcast_in_dim3A_344, %gt3A_368 : vector<8x1xf32>
    %convert_element_type3A_370 = arith.extui %gt3A_369 : vector<8x1xi1> to vector<8x1xi32>
    %convert_element_type3A_371 = arith.sitofp %convert_element_type3A_370 : vector<8x1xi32> to vector<8x1xf32>
    %mul3A_372 = arith.mulf %convert_element_type3A_371, %convert_element_type3A_2 : vector<8x1xf32>
    %mul3A_373 = arith.mulf %div3A_366, %mul3A_372 : vector<8x1xf32>
    %reduce_sum3A_374 = vector.shape_cast %mul3A_373 : vector<8x1xf32> to vector<1x8x1xf32>
    %reduce_sum3A_375 = arith.constant dense<0.000000e+00> : vector<1xf32>
    %reduce_sum3A_376 = vector.multi_reduction <add>, %reduce_sum3A_374, %reduce_sum3A_375 [1, 2] : vector<1x8x1xf32> to vector<1xf32>
    %reduce_sum3A_377 = vector.shape_cast %reduce_sum3A_376 : vector<1xf32> to vector<1x1x1xf32>
    %reduce_sum3A_378 = vector.extract %reduce_sum3A_377[0, 0, 0] : f32 from vector<1x1x1xf32>
    %reduce_sum3A_379 = vector.shape_cast %mul3A_372 : vector<8x1xf32> to vector<1x8x1xf32>
    %reduce_sum3A_380 = arith.constant dense<0.000000e+00> : vector<1xf32>
    %reduce_sum3A_381 = vector.multi_reduction <add>, %reduce_sum3A_379, %reduce_sum3A_380 [1, 2] : vector<1x8x1xf32> to vector<1xf32>
    %reduce_sum3A_382 = vector.shape_cast %reduce_sum3A_381 : vector<1xf32> to vector<1x1x1xf32>
    %reduce_sum3A_383 = vector.extract %reduce_sum3A_382[0, 0, 0] : f32 from vector<1x1x1xf32>
    %dot_general3A_384 = arith.constant dense<0.000000e+00> : vector<8x8xf32>
    %dot_general3A_385 = tpu.matmul %div3A_352, %div3A_352, %dot_general3A_384 {dimension_numbers = #tpu.dot_dimension_numbers<[0], [0], [1], [1], [0, 1, 1, 1], [], []>, precision = #tpu.contract_precision<fp32>, transpose_lhs_hint = false} : vector<32x8xf32>, vector<32x8xf32>, vector<8x8xf32> -> vector<8x8xf32>
    %mul3A_386 = arith.mulf %div3A_352, %div3A_352 : vector<32x8xf32>
    %reduce_sum3A_387 = arith.constant dense<0.000000e+00> : vector<8xf32>
    %reduce_sum3A_388 = vector.multi_reduction <add>, %mul3A_386, %reduce_sum3A_387 [0] : vector<32x8xf32> to vector<8xf32>
    %broadcast_in_dim3A_389 = vector.shape_cast %reduce_sum3A_388 : vector<8xf32> to vector<1x8xf32>
    %transpose3A_390 = tpu.transpose %broadcast_in_dim3A_389, [1, 0] : vector<1x8xf32> -> vector<8x1xf32>
    %add3A_391 = vector.broadcast %broadcast_in_dim3A_389 : vector<1x8xf32> to vector<8x8xf32>
    %add3A_392 = vector.broadcast %transpose3A_390 : vector<8x1xf32> to vector<8x8xf32>
    %add3A_393 = arith.addf %add3A_391, %add3A_392 : vector<8x8xf32>
    %mul3A_394 = arith.constant 2.000000e+00 : f32
    %mul3A_395 = vector.broadcast %mul3A_394 : f32 to vector<8x8xf32>
    %mul3A_396 = arith.mulf %mul3A_395, %dot_general3A_385 : vector<8x8xf32>
    %sub3A_397 = arith.subf %add3A_393, %mul3A_396 : vector<8x8xf32>
    %max3A_398 = arith.constant 0.000000e+00 : f32
    %max3A_399 = vector.broadcast %max3A_398 : f32 to vector<8x8xf32>
    %max3A_400 = arith.maximumf %sub3A_397, %max3A_399 : vector<8x8xf32>
    %sqrt3A_401 = math.sqrt %max3A_400 : vector<8x8xf32>
    %transpose3A_402 = tpu.transpose %mul3A_372, [1, 0] : vector<8x1xf32> -> vector<1x8xf32>
    %mul3A_403 = vector.broadcast %mul3A_372 : vector<8x1xf32> to vector<8x8xf32>
    %mul3A_404 = vector.broadcast %transpose3A_402 : vector<1x8xf32> to vector<8x8xf32>
    %mul3A_405 = arith.mulf %mul3A_403, %mul3A_404 : vector<8x8xf32>
    %mul3A_406 = arith.mulf %mul3A_405, %convert_element_type3A_9 : vector<8x8xf32>
    %reduce_sum3A_407 = vector.shape_cast %mul3A_406 : vector<8x8xf32> to vector<1x8x8xf32>
    %reduce_sum3A_408 = arith.constant dense<0.000000e+00> : vector<1xf32>
    %reduce_sum3A_409 = vector.multi_reduction <add>, %reduce_sum3A_407, %reduce_sum3A_408 [1, 2] : vector<1x8x8xf32> to vector<1xf32>
    %reduce_sum3A_410 = vector.shape_cast %reduce_sum3A_409 : vector<1xf32> to vector<1x1x1xf32>
    %reduce_sum3A_411 = vector.extract %reduce_sum3A_410[0, 0, 0] : f32 from vector<1x1x1xf32>
    %sub3A_412 = arith.constant 1.000000e+00 : f32
    %sub3A_413 = vector.broadcast %sub3A_412 : f32 to vector<8x8xf32>
    %sub3A_414 = arith.subf %sub3A_413, %sqrt3A_401 : vector<8x8xf32>
    %max3A_415 = arith.constant 0.000000e+00 : f32
    %max3A_416 = vector.broadcast %max3A_415 : f32 to vector<8x8xf32>
    %max3A_417 = arith.maximumf %sub3A_414, %max3A_416 : vector<8x8xf32>
    %mul3A_418 = arith.mulf %max3A_417, %mul3A_406 : vector<8x8xf32>
    %reduce_sum3A_419 = vector.shape_cast %mul3A_418 : vector<8x8xf32> to vector<1x8x8xf32>
    %reduce_sum3A_420 = arith.constant dense<0.000000e+00> : vector<1xf32>
    %reduce_sum3A_421 = vector.multi_reduction <add>, %reduce_sum3A_419, %reduce_sum3A_420 [1, 2] : vector<1x8x8xf32> to vector<1xf32>
    %reduce_sum3A_422 = vector.shape_cast %reduce_sum3A_421 : vector<1xf32> to vector<1x1x1xf32>
    %reduce_sum3A_423 = vector.extract %reduce_sum3A_422[0, 0, 0] : f32 from vector<1x1x1xf32>
    %max3A_424 = arith.constant 1.000000e+00 : f32
    %max3A_425 = arith.maximumf %reduce_sum3A_411, %max3A_424 : f32
    %div3A_426 = arith.divf %reduce_sum3A_423, %max3A_425 : f32
    %gt3A_427 = arith.constant 1.000000e+00 : f32
    %gt3A_428 = arith.cmpf ogt, %reduce_sum3A_383, %gt3A_427 : f32
    %max3A_429 = arith.constant 1.000000e+00 : f32
    %max3A_430 = arith.maximumf %reduce_sum3A_383, %max3A_429 : f32
    %div3A_431 = arith.divf %reduce_sum3A_378, %max3A_430 : f32
    %add3A_432 = arith.addf %div3A_431, %div3A_426 : f32
    %jit3A_433 = arith.constant 0.000000e+00 : f32
    %select_n3A_434 = arith.select %gt3A_428, %add3A_432, %jit3A_433 : f32
    %add3A_435 = arith.addf %add3A_325, %select_n3A_434 : f32
    %swap3A = arith.constant 0 : index
    %swap3A_436 = arith.constant 0 : index
    %swap3A_437 = memref.load %arg2[%swap3A, %swap3A_436] : memref<1x1xf32, #tpu.memory_space<smem>>
    memref.store %add3A_435, %arg2[%swap3A, %swap3A_436] : memref<1x1xf32, #tpu.memory_space<smem>>
    return
  }
}

</mosaic_0001>

<sc_bundles>
// kernel: kernel.4.cloned.1.call-start
scs
__scs_entry_jumppad:
0x0: {  	(pc) =	sbr.rel $0x88, $3  }
0x1: {  	(tag) =	ssettag $0x0;
	lr =	simm.s32 $0x1  }
0x2: {  	[smem:$0x3F9E] =	sst lr;
	_ =	strace $0xD0000000  }
0x3: {  	_ = 	snop  }
0x4: {  	_ = 	snop  }
0x5: {  	_ = 	snop  }
0x6: {  	_ = 	snop  }
0x7: {  	_ = 	snop  }
__scs_overlays_trampoline_lowered:
0x8: {  	[smem:$0x3FAD] =	sst s0  }
0x9: {  	[smem:$0x3FAE] =	sst s1  }
0xa: {  	[smem:$0x3FAF] =	sst s2  }
0xb: {  	[smem:$0x3FB0] =	sst s3  }
0xc: {  	[smem:$0x3FB1] =	sst s4  }
0xd: {  	[smem:$0x3FB2] =	sst s5  }
0xe: {  	[smem:$0x3FB3] =	sst s6  }
0xf: {  	[smem:$0x3FB4] =	sst s7  }
0x10: {  	[smem:$0x3FB5] =	sst s8  }
0x11: {  	[smem:$0x3FB6] =	sst s9;
	s0 =	simm.s32 @!p0 $0x0  }
0x12: {  	s1 =	sld [smem:$0x3F9C];
	s0 =	simm.s32 @p0 $0x1  }
0x13: {  	[smem:$0x3FB7] =	sst s0;
	s0 =	simm.s32 @!p1 $0x0  }
0x14: {  	s2 =	sld [smem:$0x3F9B];
	s0 =	simm.s32 @p1 $0x1  }
0x15: {  	[smem:$0x3FB8] =	sst s0;
	s0 =	simm.s32 @!p2 $0x0  }
0x16: {  	s3 =	sld [smem:$0x3FDB];
	s0 =	simm.s32 @p2 $0x1  }
0x17: {  	s4 =	simm.s32 $0x1BF5;
	[smem:$0x3FBA] =	sst s0  }
0x18: {  	s0 =	sld [smem:$0x3F9D];
	_ =	swait.ge [sflag:s4], $0x0  }
0x19: {  	s7 =	sld [smem:$0x3F9E]  }
0x1a: {  	s8 =	sadd.s32 $0xFFFFE003, lr  }
0x1b: {  	s9 =	sadd.s32 $0xFFFFFEF7, lr;
	s5 =	simm.s32 $0xFFFFFFFF;
	p2 =	slt.u32 s8, $0xFFFFF086  }
0x1c: {  	p1 =	slt.u32 s9, $0xF7A;
	s5 =	simm.s32 @!p2 $0x0  }
0x1d: {  	s5 =	simm.s32 @p1 $0x1;
	p0 =	seq.s32 s7, s2  }
0x1e: {  	s7 =	smul.u32 @!p0 $0xF7A, s2;
	p2 =	seq.s32 @!p0 s5, $0x0  }
0x1f: {  	s9 =	smul.u32 $0xF7A, s1;
	s8 =	simm.s32 @!p0 $0x1BF5;
	p2 =	por !p2, p0  }
0x20: {  	[sflag:s8] =	ssyncset.s32 @!p0 $0xFFFFF086;
	s6 =	sadd.s32 @!p0 s3, s7;
	s7 =	simm.s32 @!p0 $0x108  }
0x21: {  	s3 =	sadd.s32 s3, s9;
	s6 =	sadd.s32 @!p0 $0x88, s6;
	s7 =	simm.s32 @p2 $0x1082  }
0x22: {  	[simem:s7], [sflag:s8] =	dma.local @!p0 [hbm:s6], $0xF7A  }
0x23: {  	s9 =	sor.u32 $0xD0000000, s2;
	s6 =	simm.s32 $0x108;
	_ =	swait.ge @!p0 [sflag:s8], $0x0  }
0x24: {  	s3 =	sadd.s32 $0x88, s3;
	s6 =	simm.s32 @!p1 $0x1082;
	[sflag:s4] =	ssyncset.s32 $0xFFFFF086  }
0x25: {  	[simem:s6], [sflag:s4] =	dma.local [hbm:s3], $0xF7A  }
0x26: {  	[smem:$0x3F9E] =	sst s1;
	(tag) =	ssettag s2;
	_ =	strace s9  }
0x27: {  	s1 =	sld [smem:$0x3FAE]  }
0x28: {  	s2 =	sld [smem:$0x3FAF]  }
0x29: {  	s4 =	sld [smem:$0x3FB1]  }
0x2a: {  	p0 =	seq.s32 s5, $0x0;
	s5 =	sld [smem:$0x3FB2]  }
0x2b: {  	s6 =	sld [smem:$0x3FB3]  }
0x2c: {  	s7 =	sld [smem:$0x3FB4]  }
0x2d: {  	s3 =	simm.s32 $0x108;
	s8 =	sld [smem:$0x3FB5]  }
0x2e: {  	s3 =	simm.s32 @!p0 $0x1082;
	s9 =	sld [smem:$0x3FB6]  }
0x2f: {  	lr =	sadd.s32 s0, s3;
	s0 =	sld [smem:$0x3FAD]  }
0x30: {  	s3 =	sld [smem:$0x3FB0]  }
0x31: {  	[smem:$0x3FB9] =	sst s10  }
0x32: {  	s10 =	sld [smem:$0x3FB7];
	_ =	sdelay $0x3  }
0x33: {  	p0 =	seq.s32 s10, $0x1;
	s10 =	sld [smem:$0x3FB9];
	_ =	sdelay $0x3  }
0x34: {  	[smem:$0x3FB9] =	sst s10  }
0x35: {  	s10 =	sld [smem:$0x3FB8];
	_ =	sdelay $0x3  }
0x36: {  	p1 =	seq.s32 s10, $0x1;
	s10 =	sld [smem:$0x3FB9];
	_ =	sdelay $0x3  }
0x37: {  	[smem:$0x3FB9] =	sst s10  }
0x38: {  	s10 =	sld [smem:$0x3FBA]  }
0x39: {  	_ = 	snop;
	(pc) =	sbr.ind lr, $3  }
0x3a: {  	_ = 	snop  }
0x3b: {  	_ = 	snop  }
0x3c: {  	p2 =	seq.s32 s10, $0x1;
	s10 =	sld [smem:$0x3FB9]  }
0x3d: {  	_ =	shalt  }
0x3e: {  	_ =	shalt  }
0x3f: {  	_ =	shalt  }
0x40: {  	_ =	shalt  }
0x41: {  	_ =	shalt  }
0x42: {  	_ =	shalt  }
0x43: {  	_ =	shalt  }
0x44: {  	_ =	shalt  }
0x45: {  	_ =	shalt  }
0x46: {  	_ =	shalt  }
0x47: {  	_ =	shalt  }
0x48: {  	_ =	shalt  }
0x49: {  	_ =	shalt  }
0x4a: {  	_ =	shalt  }
0x4b: {  	_ =	shalt  }
0x4c: {  	_ =	shalt  }
0x4d: {  	_ =	shalt  }
0x4e: {  	_ =	shalt  }
0x4f: {  	_ =	shalt  }
0x50: {  	_ =	shalt  }
0x51: {  	_ =	shalt  }
0x52: {  	_ =	shalt  }
0x53: {  	_ =	shalt  }
0x54: {  	_ =	shalt  }
0x55: {  	_ =	shalt  }
0x56: {  	_ =	shalt  }
0x57: {  	_ =	shalt  }
0x58: {  	_ =	shalt  }
0x59: {  	_ =	shalt  }
0x5a: {  	_ =	shalt  }
0x5b: {  	_ =	shalt  }
0x5c: {  	_ =	shalt  }
0x5d: {  	_ =	shalt  }
0x5e: {  	_ =	shalt  }
0x5f: {  	_ =	shalt  }
0x60: {  	_ =	shalt  }
0x61: {  	_ =	shalt  }
0x62: {  	_ =	shalt  }
0x63: {  	_ =	shalt  }
0x64: {  	_ =	shalt  }
0x65: {  	_ =	shalt  }
0x66: {  	_ =	shalt  }
0x67: {  	_ =	shalt  }
0x68: {  	_ =	shalt  }
0x69: {  	_ =	shalt  }
0x6a: {  	_ =	shalt  }
0x6b: {  	_ =	shalt  }
0x6c: {  	_ =	shalt  }
0x6d: {  	_ =	shalt  }
0x6e: {  	_ =	shalt  }
0x6f: {  	_ =	shalt  }
0x70: {  	_ =	shalt  }
0x71: {  	_ =	shalt  }
0x72: {  	_ =	shalt  }
0x73: {  	_ =	shalt  }
0x74: {  	_ =	shalt  }
0x75: {  	_ =	shalt  }
0x76: {  	_ =	shalt  }
0x77: {  	_ =	shalt  }
0x78: {  	_ =	shalt  }
0x79: {  	_ =	shalt  }
0x7a: {  	_ =	shalt  }
0x7b: {  	_ =	shalt  }
0x7c: {  	_ =	shalt  }
0x7d: {  	_ =	shalt  }
0x7e: {  	_ =	shalt  }
0x7f: {  	_ =	shalt  }
0x80: {  	_ =	shalt  }
0x81: {  	_ =	shalt  }
0x82: {  	_ =	shalt  }
0x83: {  	_ =	shalt  }
0x84: {  	_ =	shalt  }
0x85: {  	_ =	shalt  }
0x86: {  	_ =	shalt  }
0x87: {  	_ =	shalt  }
.Lfunc_end0:
.L_simem_size_0:
called_computation_lowered:
.L_overlay_start_0:
0x88: {  	s2 =	sld [smem:$0x3FD9]  }
0x89: {  	s3 =	sld [smem:$0x3FFE];
	_ =	sdelay $0x1  }
0x8a: {  	s1 =	srdreg.scid  }
0x8b: {  	s0 =	sand.u32 $0x1, s1  }
0x8c: {  	s16 =	sshll.u32 s0, $0xA;
	s2 =	sadd.s32 s3, s2  }
0x8d: {  	s2 =	sadd.s32 s2, s16  }
0x8e: {  	[smem:$0x3FC5] =	sst s2  }
0x8f: {  	_ = 	snop  }
0x90: {  	(tm) =	ssettm $0x1  }
0x91: {  	s17 =	sld [smem:$0x3FFB];
	_ =	sdelay $0x3  }
0x92: {  	_ =	strace s17  }
0x93: {  	s2 =	sld [smem:$0x3FFC];
	_ =	sdelay $0x3  }
0x94: {  	_ =	strace s2  }
0x95: {  	s2 =	sld [smem:$0x3FFD];
	_ =	sdelay $0x3  }
0x96: {  	_ =	strace s2  }
0x97: {  	_ =	strace $0x8FFFFFFF  }
0x98: {  	s18 =	sld [smem:$0x3FDB];
	_ =	sdelay $0x1  }
0x99: {  	s19 =	simm.s32 $_scs_section_size  }
0x9a: {  	s4 =	simm.s32 $_size__tile_overlayer_lowered;
	s5 =	simm.s32 $_tile_overlayer_lowered  }
0x9b: {  	s22 =	simm.s32 $0x1BFF;
	s21 =	sshll.u32 s5, $0x1;
	s2 =	sadd.s32 s19, s18  }
0x9c: {  	s6 =	simm.s32 $0x0;
	s20 =	sshll.u32 s4, $0x1;
	s4 =	sadd.s32 s21, s2  }
0x9d: {  	[timem:s6], [sflag:s22] =	dma.local [hbm:s4], s20  }
0x9e: {  	_ =	swait.ge [sflag:s22], s20  }
0x9f: {  	s3 =	ssub.s32 $0x0, s20;
	[sflag:s22] =	ssyncset.done $0x0  }
0xa0: {  	[sflag:s22] =	ssyncadd.s32 s3;
	_ =	sdelay $0x1  }
0xa1: {  	s23 =	simm.s32 $0x1B8B  }
0xa2: {  	_ =	swait.ge [sflag:s23], $0x1  }
0xa3: {  	[sflag:s23] =	ssyncset.done $0x0  }
0xa4: {  	s25 =	simm.s32 $0x1B8E;
	s24 =	sld [smem:$0x3FFE];
	[sflag:s23] =	ssyncadd.s32 $0xFFFFFFFF  }
0xa5: {  	s26 =	simm.s32 $execute0_lowered;
	[smem:$0x3FD2] =	sst s25  }
0xa6: {  	s4 =	sshll.u32 s26, $0x1;
	_ =	strace $0x80000046;
	[dreg:$0x1] =	wrdreg $0xFFFFFFFF  }
0xa7: {  	s28 =	simm.s32 $_size_execute0_lowered;
	s2 =	sadd.s32 s2, s4;
	[dreg:$0x0] =	wrdreg $0x0  }
0xa8: {  	s4 =	sshll.u32 s28, $0x1;
	[dreg:$0x2] =	wrdreg s2  }
0xa9: {  	[dreg:$0x3] =	wrdreg s4  }
0xaa: {  	[dreg:$0x4] =	wrdreg $0xC0  }
0xab: {  	_ =	task [dreg:s6], $0x5FFFF  }
0xac: {  	[dreg:$0x1] =	wrdreg $0xFFFFFFFF  }
0xad: {  	[dreg:$0x0] =	wrdreg $0x60  }
0xae: {  	[dreg:$0x2] =	wrdreg s24  }
0xaf: {  	[dreg:$0x3] =	wrdreg $0x9  }
0xb0: {  	_ =	task.clear_ibuf [dreg:s6], $0x4FFFF;
	_ =	strace $0x90000046  }
0xb1: {  	s29 =	simm.s32 $0x9;
	_ =	strace $0x80000048  }
0xb2: {  	_ =	swait.ge [sflag:s29], $0x1  }
0xb3: {  	[sflag:s29] =	ssyncadd.s32 $0xFFFFFFFF  }
0xb4: {  	_ =	strace $0x90000048  }
0xb5: {  	_ =	sfence  }
0xb6: {  	s30 =	sld [smem:$0x0];
	_ =	sdelay $0x2  }
0xb7: {  	s31 =	sshll.u32 s1, $0xD;
	s1 =	sshrl.u32 s1, $0x2  }
0xb8: {  	s3 =	sand.u32 $0x4000, s31;
	s1 =	sadd.s32 s1, s30  }
0xb9: {  	s0 =	sor.u32 s3, s0;
	s1 =	sshll.u32 s1, $0x11  }
0xba: {  	s0 =	sor.u32 s1, s0  }
0xbb: {  	s0 =	sadd.s32 $0x8F2B, s0  }
0xbc: {  	[sflag:s0] =	ssyncadd.remote.s32 $0x1  }
0xbd: {  	_ =	sfence.sel $0xFFFF  }
0xbe: {  	[dreg:$0x0] =	wrdreg $0xFFFFFFFF;
	(pc) =	sbr.abs _section_cstart, $3  }
0xbf: {  	[dreg:$0x1] =	wrdreg $0xFFFFFFFF  }
0xc0: {  	_ =	task.clear_ibuf [dreg:s6], $0x2FFFF;
	_ =	strace $0x9FFFFFFF  }
0xc1: {  	(tm) =	ssettm $0x7FFFFFFF  }
tec
execute0_lowered:
.L_overlay_start_1:
0x0: {  	(tag) =	ssettag $0x1  }
0x1: {  	s1 =	srdreg.scid  }
0x2: {  	s0 =	stileid.u32;
	s4 =	rddreg [dreg:$0x0]  }
0x3: {  	s2 =	simm.s32 $0x0;
	s10 =	simm.s32 $0x80;
	s11 =	simm.s32 $0x400  }
0x4: {  	s12 =	simm.s32 $0x800;
	s13 =	simm.s32 $0x480;
	s14 =	simm.s32 $0x880  }
0x5: {  	s15 =	simm.s32 $0x500;
	s16 =	simm.s32 $0x900;
	s17 =	simm.s32 $0x580  }
0x6: {  	s19 =	simm.s32 $0xA00;
	s3 =	sand.u32 $0x1, s1;
	s1 =	rddreg [dreg:$0x1]  }
0x7: {  	s20 =	simm.s32 $0x2;
	s5 =	sshll.u32 s0, $0xA;
	[smem:$0x7FF] =	sst s2  }
0x8: {  	s30 =	sshrl.u32 s0, $0x2;
	s6 =	sshll.u32 s3, $0x9;
	_ =	strace $0x80000047  }
0x9: {  	s8 =	sshll.u32 s30, $0x7;
	s31 =	ssub.s32 $0x2, s3;
	s5 =	sor.u32 s6, s5  }
0xa: {  	s3 =	sadd.s32 $0x1A00, s4;
	s18 =	sshll.u32 s30, $0x12;
	s7 =	sshll.u32 s5, $0x2  }
0xb: {  	s9 =	sshrl.u32 s31, $0x1;
	s5 =	sshrl.u32 s5, $0x3;
	s7 =	sand.u32 $0x3800, s7  }
0xc: {  	v0 =	vmov s18;
	s18 =	simm.s32 $0x980;
	s5 =	sadd.s32 s5, s4;
	s7 =	sor.u32 s8, s7  }
0xd: {  	s8 =	ssub.s32 s31, s9;
	s9 =	simm.s32 $0x1;
	s7 =	sshrl.u32 s7, $0x3  }
0xe: {  	s7 =	sadd.s32 s7, s4;
	s4 =	sadd.s32 $0xA00, s5;
	s5 =	sadd.s32 $0x1200, s5  }
0xf: {  	s6 =	sadd.s32 $0x9A00, s7;
	s7 =	smax.u32 s8, $0x1;
	s8 =	simm.s32 $0x200  }
.LBB2_1:
0x10: {  	[tilespmem:s2], [sflag:$0x1] =	stream.linear.gather [hbm4b:s4+s2], $0x200, $0x38;
	[tilespmem:$0xC00] =	vst v63  }
0x11: {  	_ = 	snop  }
0x12: {  	[tilespmem:s8], [sflag:$0x1] =	stream.linear.gather [hbm4b:s5+s2], $0x200, $0x38;
	[tilespmem:$0xC00] =	vst v63  }
0x13: {  	_ =	swait.ge [sflag:s9], $0x200  }
0x14: {  	[sflag:s9] =	ssyncset.done $0x0  }
0x15: {  	[sflag:s9] =	ssyncadd.s32 $0xFFFFFE00  }
0x16: {  	_ =	swait.ge [sflag:s9], $0x200  }
0x17: {  	[sflag:s9] =	ssyncset.done $0x0  }
0x18: {  	[sflag:s9] =	ssyncadd.s32 $0xFFFFFE00  }
0x19: {  	v1 =	vld [tilespmem:$0x200]  }
0x1a: {  	v2 =	vld [tilespmem:$0x0]  }
0x1b: {  	v3 =	vld [tilespmem:$0x210]  }
0x1c: {  	v4 =	vld [tilespmem:$0x10]  }
0x1d: {  	v6 =	vld [tilespmem:$0x20]  }
0x1e: {  	v5 =	vld [tilespmem:$0x220]  }
0x1f: {  	v8 =	vld [tilespmem:$0x230]  }
0x20: {  	v23 =	vld [tilespmem:$0x30];
	v1 =	vshll.u32 v1, $0x9;
	v7 =	vadd.s32 v0, v2  }
0x21: {  	v9 =	vld [tilespmem:$0x240];
	v2 =	vshll.u32 v2, $0x3;
	v3 =	vshll.u32 v3, $0x9;
	v1 =	vadd.s32 v1, v7  }
0x22: {  	v11 =	vld [tilespmem:$0x40];
	v10 =	vadd.s32 v0, v4;
	v24 =	vadd.s32 v0, v6;
	v1 =	vshrl.u32 v1, $0x2  }
0x23: {  	v25 =	vld [tilespmem:$0x250];
	v2 =	vand.u32 $0x18, v2;
	[tilespmem:$0x400] =	vst v1;
	v1 =	vadd.s32 v3, v10;
	v3 =	vshll.u32 v5, $0x9  }
0x24: {  	v26 =	vld [tilespmem:$0x50];
	[tilespmem:$0x600] =	vst v2;
	v2 =	vshll.u32 v4, $0x3;
	v1 =	vshrl.u32 v1, $0x2;
	v3 =	vadd.s32 v3, v24  }
0x25: {  	v27 =	vld [tilespmem:$0x260];
	[tilespmem:$0x410] =	vst v1;
	v1 =	vand.u32 $0x18, v2;
	v2 =	vshrl.u32 v3, $0x2;
	v3 =	vshll.u32 v6, $0x3  }
0x26: {  	v29 =	vld [tilespmem:$0x60];
	v28 =	vadd.s32 v0, v23;
	[tilespmem:$0x610] =	vst v1;
	v1 =	vand.u32 $0x18, v3;
	v3 =	vshll.u32 v8, $0x9  }
0x27: {  	v31 =	vld [tilespmem:$0x270];
	v30 =	vadd.s32 v0, v11;
	[tilespmem:$0x420] =	vst v2;
	v2 =	vadd.s32 v3, v28;
	v3 =	vshll.u32 v9, $0x9  }
0x28: {  	v32 =	vld [tilespmem:$0x70];
	[tilespmem:$0x620] =	vst v1;
	v1 =	vshrl.u32 v2, $0x2;
	v2 =	vshll.u32 v23, $0x3;
	v3 =	vadd.s32 v3, v30  }
0x29: {  	v33 =	vld [tilespmem:$0x280];
	[tilespmem:$0x430] =	vst v1;
	v1 =	vand.u32 $0x18, v2;
	v2 =	vshrl.u32 v3, $0x2;
	v3 =	vshll.u32 v11, $0x3  }
0x2a: {  	v35 =	vld [tilespmem:$0x80];
	v34 =	vadd.s32 v0, v26;
	[tilespmem:$0x630] =	vst v1;
	v1 =	vand.u32 $0x18, v3;
	v3 =	vshll.u32 v25, $0x9  }
0x2b: {  	v37 =	vld [tilespmem:$0x290];
	v36 =	vadd.s32 v0, v29;
	[tilespmem:$0x440] =	vst v2;
	v2 =	vadd.s32 v3, v34;
	v3 =	vshll.u32 v27, $0x9  }
0x2c: {  	v38 =	vld [tilespmem:$0x90];
	[tilespmem:$0x640] =	vst v1;
	v1 =	vshrl.u32 v2, $0x2;
	v2 =	vshll.u32 v26, $0x3;
	v3 =	vadd.s32 v3, v36  }
0x2d: {  	v39 =	vld [tilespmem:$0x2A0];
	[tilespmem:$0x450] =	vst v1;
	v1 =	vand.u32 $0x18, v2;
	v2 =	vshrl.u32 v3, $0x2;
	v3 =	vshll.u32 v29, $0x3  }
0x2e: {  	v41 =	vld [tilespmem:$0xA0];
	v40 =	vadd.s32 v0, v32;
	[tilespmem:$0x650] =	vst v1;
	v1 =	vand.u32 $0x18, v3;
	v3 =	vshll.u32 v31, $0x9  }
0x2f: {  	v43 =	vld [tilespmem:$0x2B0];
	v42 =	vadd.s32 v0, v35;
	[tilespmem:$0x460] =	vst v2;
	v2 =	vadd.s32 v3, v40;
	v3 =	vshll.u32 v33, $0x9  }
0x30: {  	v44 =	vld [tilespmem:$0xB0];
	[tilespmem:$0x660] =	vst v1;
	v1 =	vshrl.u32 v2, $0x2;
	v2 =	vshll.u32 v32, $0x3;
	v3 =	vadd.s32 v3, v42  }
0x31: {  	v45 =	vld [tilespmem:$0x2C0];
	[tilespmem:$0x470] =	vst v1;
	v1 =	vand.u32 $0x18, v2;
	v2 =	vshrl.u32 v3, $0x2;
	v3 =	vshll.u32 v35, $0x3  }
0x32: {  	v47 =	vld [tilespmem:$0xC0];
	v46 =	vadd.s32 v0, v38;
	[tilespmem:$0x670] =	vst v1;
	v1 =	vand.u32 $0x18, v3;
	v3 =	vshll.u32 v37, $0x9  }
0x33: {  	v49 =	vld [tilespmem:$0x2D0];
	v48 =	vadd.s32 v0, v41;
	[tilespmem:$0x480] =	vst v2;
	v2 =	vadd.s32 v3, v46;
	v3 =	vshll.u32 v39, $0x9  }
0x34: {  	v50 =	vld [tilespmem:$0xD0];
	[tilespmem:$0x680] =	vst v1;
	v1 =	vshrl.u32 v2, $0x2;
	v2 =	vshll.u32 v38, $0x3;
	v3 =	vadd.s32 v3, v48  }
0x35: {  	v51 =	vld [tilespmem:$0x2E0];
	[tilespmem:$0x490] =	vst v1;
	v1 =	vand.u32 $0x18, v2;
	v2 =	vshrl.u32 v3, $0x2;
	v3 =	vshll.u32 v41, $0x3  }
0x36: {  	v53 =	vld [tilespmem:$0xE0];
	v52 =	vadd.s32 v0, v44;
	[tilespmem:$0x690] =	vst v1;
	v1 =	vand.u32 $0x18, v3;
	v3 =	vshll.u32 v43, $0x9  }
0x37: {  	v55 =	vld [tilespmem:$0x2F0];
	v54 =	vadd.s32 v0, v47;
	[tilespmem:$0x4A0] =	vst v2;
	v2 =	vadd.s32 v3, v52;
	v3 =	vshll.u32 v45, $0x9  }
0x38: {  	v56 =	vld [tilespmem:$0xF0];
	[tilespmem:$0x6A0] =	vst v1;
	v1 =	vshrl.u32 v2, $0x2;
	v2 =	vshll.u32 v44, $0x3;
	v3 =	vadd.s32 v3, v54  }
0x39: {  	v57 =	vld [tilespmem:$0x300];
	[tilespmem:$0x4B0] =	vst v1;
	v1 =	vand.u32 $0x18, v2;
	v2 =	vshrl.u32 v3, $0x2;
	v3 =	vshll.u32 v47, $0x3  }
0x3a: {  	v59 =	vld [tilespmem:$0x100];
	v58 =	vadd.s32 v0, v50;
	[tilespmem:$0x6B0] =	vst v1;
	v1 =	vand.u32 $0x18, v3;
	v3 =	vshll.u32 v49, $0x9  }
0x3b: {  	v61 =	vld [tilespmem:$0x310];
	v60 =	vadd.s32 v0, v53;
	[tilespmem:$0x4C0] =	vst v2;
	v2 =	vadd.s32 v3, v58;
	v3 =	vshll.u32 v51, $0x9  }
0x3c: {  	v62 =	vld [tilespmem:$0x110];
	[tilespmem:$0x6C0] =	vst v1;
	v1 =	vshrl.u32 v2, $0x2;
	v2 =	vshll.u32 v50, $0x3;
	v3 =	vadd.s32 v3, v60  }
0x3d: {  	v63 =	vld [tilespmem:$0x320];
	[tilespmem:$0x4D0] =	vst v1;
	v1 =	vand.u32 $0x18, v2;
	v2 =	vshrl.u32 v3, $0x2;
	v3 =	vshll.u32 v53, $0x3  }
0x3e: {  	v13 =	vld [tilespmem:$0x120];
	v12 =	vadd.s32 v0, v56;
	[tilespmem:$0x6D0] =	vst v1;
	v1 =	vand.u32 $0x18, v3;
	v3 =	vshll.u32 v55, $0x9  }
0x3f: {  	v15 =	vld [tilespmem:$0x330];
	v14 =	vadd.s32 v0, v59;
	[tilespmem:$0x4E0] =	vst v2;
	v2 =	vadd.s32 v3, v12;
	v3 =	vshll.u32 v57, $0x9  }
0x40: {  	v16 =	vld [tilespmem:$0x130];
	[tilespmem:$0x6E0] =	vst v1;
	v1 =	vshrl.u32 v2, $0x2;
	v2 =	vshll.u32 v56, $0x3;
	v3 =	vadd.s32 v3, v14  }
0x41: {  	v17 =	vld [tilespmem:$0x340];
	[tilespmem:$0x4F0] =	vst v1;
	v1 =	vand.u32 $0x18, v2;
	v2 =	vshrl.u32 v3, $0x2;
	v3 =	vshll.u32 v59, $0x3  }
0x42: {  	v19 =	vld [tilespmem:$0x140];
	v18 =	vadd.s32 v0, v62;
	[tilespmem:$0x6F0] =	vst v1;
	v1 =	vand.u32 $0x18, v3;
	v3 =	vshll.u32 v61, $0x9  }
0x43: {  	v21 =	vld [tilespmem:$0x350];
	v20 =	vadd.s32 v0, v13;
	[tilespmem:$0x500] =	vst v2;
	v2 =	vadd.s32 v3, v18;
	v3 =	vshll.u32 v63, $0x9  }
0x44: {  	v22 =	vld [tilespmem:$0x150];
	[tilespmem:$0x700] =	vst v1;
	v1 =	vshrl.u32 v2, $0x2;
	v2 =	vshll.u32 v62, $0x3;
	v3 =	vadd.s32 v3, v20  }
0x45: {  	v23 =	vld [tilespmem:$0x360];
	[tilespmem:$0x510] =	vst v1;
	v1 =	vand.u32 $0x18, v2;
	v2 =	vshrl.u32 v3, $0x2;
	v3 =	vshll.u32 v13, $0x3  }
0x46: {  	v24 =	vadd.s32 v0, v16;
	v25 =	vld [tilespmem:$0x160];
	[tilespmem:$0x710] =	vst v1;
	v1 =	vand.u32 $0x18, v3;
	v3 =	vshll.u32 v15, $0x9  }
0x47: {  	v28 =	vld [tilespmem:$0x170];
	v26 =	vadd.s32 v0, v19;
	[tilespmem:$0x520] =	vst v2;
	v2 =	vadd.s32 v3, v24;
	v3 =	vshll.u32 v17, $0x9  }
0x48: {  	v27 =	vld [tilespmem:$0x370];
	[tilespmem:$0x720] =	vst v1;
	v1 =	vshrl.u32 v2, $0x2;
	v2 =	vshll.u32 v16, $0x3;
	v3 =	vadd.s32 v3, v26  }
0x49: {  	v29 =	vld [tilespmem:$0x380];
	[tilespmem:$0x530] =	vst v1;
	v1 =	vand.u32 $0x18, v2;
	v2 =	vshrl.u32 v3, $0x2;
	v3 =	vshll.u32 v19, $0x3  }
0x4a: {  	v30 =	vadd.s32 v0, v22;
	v31 =	vld [tilespmem:$0x180];
	[tilespmem:$0x730] =	vst v1;
	v1 =	vand.u32 $0x18, v3;
	v3 =	vshll.u32 v21, $0x9  }
0x4b: {  	v34 =	vld [tilespmem:$0x190];
	v32 =	vadd.s32 v0, v25;
	[tilespmem:$0x540] =	vst v2;
	v2 =	vadd.s32 v3, v30;
	v3 =	vshll.u32 v23, $0x9  }
0x4c: {  	v33 =	vld [tilespmem:$0x390];
	[tilespmem:$0x740] =	vst v1;
	v1 =	vshrl.u32 v2, $0x2;
	v2 =	vshll.u32 v22, $0x3;
	v3 =	vadd.s32 v3, v32  }
0x4d: {  	v35 =	vld [tilespmem:$0x3A0];
	[tilespmem:$0x550] =	vst v1;
	v1 =	vand.u32 $0x18, v2;
	v2 =	vshrl.u32 v3, $0x2;
	v3 =	vshll.u32 v25, $0x3  }
0x4e: {  	v36 =	vadd.s32 v0, v28;
	v37 =	vld [tilespmem:$0x1A0];
	[tilespmem:$0x750] =	vst v1;
	v1 =	vand.u32 $0x18, v3;
	v3 =	vshll.u32 v27, $0x9  }
0x4f: {  	v40 =	vld [tilespmem:$0x1B0];
	v38 =	vadd.s32 v0, v31;
	[tilespmem:$0x560] =	vst v2;
	v2 =	vadd.s32 v3, v36;
	v3 =	vshll.u32 v29, $0x9  }
0x50: {  	v39 =	vld [tilespmem:$0x3B0];
	[tilespmem:$0x760] =	vst v1;
	v1 =	vshrl.u32 v2, $0x2;
	v2 =	vshll.u32 v28, $0x3;
	v3 =	vadd.s32 v3, v38  }
0x51: {  	v41 =	vld [tilespmem:$0x3C0];
	[tilespmem:$0x570] =	vst v1;
	v1 =	vand.u32 $0x18, v2;
	v2 =	vshrl.u32 v3, $0x2;
	v3 =	vshll.u32 v31, $0x3  }
0x52: {  	v42 =	vadd.s32 v0, v34;
	v43 =	vld [tilespmem:$0x1C0];
	[tilespmem:$0x770] =	vst v1;
	v1 =	vand.u32 $0x18, v3;
	v3 =	vshll.u32 v33, $0x9  }
0x53: {  	v44 =	vadd.s32 v0, v37;
	[tilespmem:$0x580] =	vst v2;
	v2 =	vadd.s32 v3, v42;
	v3 =	vshll.u32 v35, $0x9  }
0x54: {  	v46 =	vld [tilespmem:$0x1D0];
	[tilespmem:$0x780] =	vst v1;
	v1 =	vshrl.u32 v2, $0x2;
	v2 =	vshll.u32 v34, $0x3;
	v3 =	vadd.s32 v3, v44  }
0x55: {  	v45 =	vld [tilespmem:$0x3D0];
	[tilespmem:$0x590] =	vst v1;
	v1 =	vand.u32 $0x18, v2;
	v2 =	vshrl.u32 v3, $0x2;
	v3 =	vshll.u32 v37, $0x3  }
0x56: {  	v48 =	vadd.s32 v0, v40;
	v49 =	vld [tilespmem:$0x1E0];
	[tilespmem:$0x790] =	vst v1;
	v1 =	vand.u32 $0x18, v3;
	v3 =	vshll.u32 v39, $0x9  }
0x57: {  	v47 =	vld [tilespmem:$0x3E0];
	v50 =	vadd.s32 v0, v43;
	[tilespmem:$0x5A0] =	vst v2;
	v2 =	vadd.s32 v3, v48;
	v3 =	vshll.u32 v41, $0x9  }
0x58: {  	v52 =	vld [tilespmem:$0x1F0];
	[tilespmem:$0x7A0] =	vst v1;
	v1 =	vshrl.u32 v2, $0x2;
	v2 =	vshll.u32 v40, $0x3;
	v3 =	vadd.s32 v3, v50  }
0x59: {  	v51 =	vld [tilespmem:$0x3F0];
	[tilespmem:$0x5B0] =	vst v1;
	v1 =	vand.u32 $0x18, v2;
	v2 =	vshrl.u32 v3, $0x2;
	v3 =	vshll.u32 v43, $0x3  }
0x5a: {  	v53 =	vadd.s32 v0, v46;
	[tilespmem:$0x7B0] =	vst v1;
	v1 =	vand.u32 $0x18, v3;
	v3 =	vshll.u32 v45, $0x9  }
0x5b: {  	v54 =	vadd.s32 v0, v49;
	[tilespmem:$0x5C0] =	vst v2;
	v2 =	vadd.s32 v3, v53  }
0x5c: {  	v3 =	vshll.u32 v47, $0x9;
	[tilespmem:$0x7C0] =	vst v1;
	v1 =	vshrl.u32 v2, $0x2;
	v2 =	vshll.u32 v46, $0x3  }
0x5d: {  	v55 =	vadd.s32 v0, v52;
	v3 =	vadd.s32 v3, v54;
	[tilespmem:$0x5D0] =	vst v1;
	v1 =	vand.u32 $0x18, v2  }
0x5e: {  	v2 =	vshrl.u32 v3, $0x2;
	v3 =	vshll.u32 v51, $0x9;
	[tilespmem:$0x7D0] =	vst v1;
	v1 =	vshll.u32 v49, $0x3  }
0x5f: {  	[tilespmem:$0x5E0] =	vst v2;
	v2 =	vadd.s32 v3, v55;
	v1 =	vand.u32 $0x18, v1  }
0x60: {  	[tilespmem:$0x7E0] =	vst v1;
	v1 =	vshrl.u32 v2, $0x2;
	v2 =	vshll.u32 v52, $0x3  }
0x61: {  	[tilespmem:$0x5F0] =	vst v1;
	v1 =	vand.u32 $0x18, v2  }
0x62: {  	[tilespmem:$0x7F0] =	vst v1  }
0x63: {  	[tilespmem:s12], [sflag:$0x1] =	stream.indirect.gather [hbm4b:s3+s10], $0x1, s11, s10, $0xb8;
	[tilespmem:$0xC00] =	vst v63  }
0x64: {  	_ = 	snop  }
0x65: {  	[tilespmem:s14], [sflag:$0x1] =	stream.indirect.gather [hbm4b:s3+s10], $0x1, s13, s10, $0xb8;
	[tilespmem:$0xC00] =	vst v63  }
0x66: {  	_ = 	snop  }
0x67: {  	[tilespmem:s16], [sflag:$0x1] =	stream.indirect.gather [hbm4b:s3+s10], $0x1, s15, s10, $0xb8;
	[tilespmem:$0xC00] =	vst v63  }
0x68: {  	_ = 	snop  }
0x69: {  	[tilespmem:s18], [sflag:$0x1] =	stream.indirect.gather [hbm4b:s3+s10], $0x1, s17, s10, $0xb8;
	[tilespmem:$0xC00] =	vst v63  }
0x6a: {  	_ =	swait.ge [sflag:s9], $0x80  }
0x6b: {  	[sflag:s9] =	ssyncset.done $0x0  }
0x6c: {  	[sflag:s9] =	ssyncadd.s32 $0xFFFFFF80  }
0x6d: {  	_ =	swait.ge [sflag:s9], $0x80  }
0x6e: {  	[sflag:s9] =	ssyncset.done $0x0  }
0x6f: {  	[sflag:s9] =	ssyncadd.s32 $0xFFFFFF80  }
0x70: {  	_ =	swait.ge [sflag:s9], $0x80  }
0x71: {  	[sflag:s9] =	ssyncset.done $0x0  }
0x72: {  	[sflag:s9] =	ssyncadd.s32 $0xFFFFFF80  }
0x73: {  	_ =	swait.ge [sflag:s9], $0x80  }
0x74: {  	[sflag:s9] =	ssyncset.done $0x0  }
0x75: {  	[sflag:s9] =	ssyncadd.s32 $0xFFFFFF80  }
0x76: {  	v1 =	vld [tilespmem:$0x800]  }
0x77: {  	v2 =	vld [tilespmem:$0x600]  }
0x78: {  	v3 =	vld [tilespmem:$0x810]  }
0x79: {  	v56 =	vld [tilespmem:$0x610]  }
0x7a: {  	v57 =	vld [tilespmem:$0x820]  }
0x7b: {  	v58 =	vld [tilespmem:$0x620]  }
0x7c: {  	v59 =	vld [tilespmem:$0x830]  }
0x7d: {  	v60 =	vld [tilespmem:$0x630]  }
0x7e: {  	v61 =	vld [tilespmem:$0x840]  }
0x7f: {  	v62 =	vld [tilespmem:$0x640]  }
0x80: {  	v63 =	vld [tilespmem:$0x850]  }
0x81: {  	v12 =	vld [tilespmem:$0x650]  }
0x82: {  	v13 =	vld [tilespmem:$0x860]  }
0x83: {  	v14 =	vld [tilespmem:$0x660]  }
0x84: {  	v15 =	vld [tilespmem:$0x870]  }
0x85: {  	v16 =	vld [tilespmem:$0x670]  }
0x86: {  	v17 =	vld [tilespmem:$0x880]  }
0x87: {  	v18 =	vld [tilespmem:$0x680]  }
0x88: {  	v19 =	vld [tilespmem:$0x890]  }
0x89: {  	v20 =	vld [tilespmem:$0x690]  }
0x8a: {  	v21 =	vld [tilespmem:$0x8A0]  }
0x8b: {  	v22 =	vld [tilespmem:$0x6A0]  }
0x8c: {  	v23 =	vld [tilespmem:$0x8B0]  }
0x8d: {  	v24 =	vld [tilespmem:$0x6B0]  }
0x8e: {  	v25 =	vld [tilespmem:$0x8C0]  }
0x8f: {  	v26 =	vld [tilespmem:$0x6C0]  }
0x90: {  	v27 =	vld [tilespmem:$0x8D0]  }
0x91: {  	v28 =	vld [tilespmem:$0x6D0]  }
0x92: {  	v29 =	vld [tilespmem:$0x8E0]  }
0x93: {  	v30 =	vld [tilespmem:$0x6E0]  }
0x94: {  	v31 =	vld [tilespmem:$0x8F0]  }
0x95: {  	v32 =	vld [tilespmem:$0x6F0]  }
0x96: {  	v33 =	vld [tilespmem:$0x900]  }
0x97: {  	v34 =	vld [tilespmem:$0x700]  }
0x98: {  	v35 =	vld [tilespmem:$0x910]  }
0x99: {  	v36 =	vld [tilespmem:$0x710]  }
0x9a: {  	v37 =	vld [tilespmem:$0x920]  }
0x9b: {  	v39 =	vld [tilespmem:$0x930];
	v1 =	vshrl.u32 v1, v2  }
0x9c: {  	v40 =	vld [tilespmem:$0x730];
	v3 =	vshrl.u32 v3, v56;
	v1 =	vand.u32 $0xFF, v1  }
0x9d: {  	v41 =	vld [tilespmem:$0x940];
	[tilespmem:$0xA00] =	vst v1;
	v1 =	vand.u32 $0xFF, v3;
	v3 =	vshrl.u32 v57, v58  }
0x9e: {  	v42 =	vld [tilespmem:$0x740];
	[tilespmem:$0xA10] =	vst v1;
	v1 =	vand.u32 $0xFF, v3;
	v3 =	vshrl.u32 v59, v60  }
0x9f: {  	v43 =	vld [tilespmem:$0x950];
	[tilespmem:$0xA20] =	vst v1;
	v1 =	vand.u32 $0xFF, v3;
	v3 =	vshrl.u32 v61, v62  }
0xa0: {  	v44 =	vld [tilespmem:$0x750];
	[tilespmem:$0xA30] =	vst v1;
	v1 =	vand.u32 $0xFF, v3;
	v3 =	vshrl.u32 v63, v12  }
0xa1: {  	v45 =	vld [tilespmem:$0x960];
	[tilespmem:$0xA40] =	vst v1;
	v1 =	vand.u32 $0xFF, v3;
	v3 =	vshrl.u32 v13, v14  }
0xa2: {  	v46 =	vld [tilespmem:$0x760];
	[tilespmem:$0xA50] =	vst v1;
	v1 =	vand.u32 $0xFF, v3;
	v3 =	vshrl.u32 v15, v16  }
0xa3: {  	v47 =	vld [tilespmem:$0x970];
	[tilespmem:$0xA60] =	vst v1;
	v1 =	vand.u32 $0xFF, v3;
	v3 =	vshrl.u32 v17, v18  }
0xa4: {  	v48 =	vld [tilespmem:$0x770];
	[tilespmem:$0xA70] =	vst v1;
	v1 =	vand.u32 $0xFF, v3;
	v3 =	vshrl.u32 v19, v20  }
0xa5: {  	v49 =	vld [tilespmem:$0x980];
	[tilespmem:$0xA80] =	vst v1;
	v1 =	vand.u32 $0xFF, v3;
	v3 =	vshrl.u32 v21, v22  }
0xa6: {  	v50 =	vld [tilespmem:$0x780];
	[tilespmem:$0xA90] =	vst v1;
	v1 =	vand.u32 $0xFF, v3;
	v3 =	vshrl.u32 v23, v24  }
0xa7: {  	v51 =	vld [tilespmem:$0x990];
	[tilespmem:$0xAA0] =	vst v1;
	v1 =	vand.u32 $0xFF, v3;
	v3 =	vshrl.u32 v25, v26  }
0xa8: {  	v2 =	vld [tilespmem:$0x720];
	[tilespmem:$0xAB0] =	vst v1;
	v1 =	vand.u32 $0xFF, v3;
	v3 =	vshrl.u32 v27, v28  }
0xa9: {  	v52 =	vld [tilespmem:$0x790];
	[tilespmem:$0xAC0] =	vst v1;
	v1 =	vand.u32 $0xFF, v3;
	v3 =	vshrl.u32 v29, v30  }
0xaa: {  	v53 =	vld [tilespmem:$0x9A0];
	[tilespmem:$0xAD0] =	vst v1;
	v1 =	vand.u32 $0xFF, v3;
	v3 =	vshrl.u32 v31, v32  }
0xab: {  	v54 =	vld [tilespmem:$0x7A0];
	[tilespmem:$0xAE0] =	vst v1;
	v1 =	vand.u32 $0xFF, v3;
	v3 =	vshrl.u32 v33, v34  }
0xac: {  	v55 =	vld [tilespmem:$0x9B0];
	[tilespmem:$0xAF0] =	vst v1;
	v1 =	vand.u32 $0xFF, v3;
	v3 =	vshrl.u32 v35, v36  }
0xad: {  	v56 =	vld [tilespmem:$0x9C0];
	v2 =	vshrl.u32 v37, v2;
	[tilespmem:$0xB00] =	vst v1;
	v1 =	vand.u32 $0xFF, v3  }
0xae: {  	v57 =	vld [tilespmem:$0x7C0];
	[tilespmem:$0xB10] =	vst v1;
	v1 =	vand.u32 $0xFF, v2;
	v2 =	vshrl.u32 v39, v40  }
0xaf: {  	v58 =	vld [tilespmem:$0x9D0];
	[tilespmem:$0xB20] =	vst v1;
	v1 =	vand.u32 $0xFF, v2;
	v2 =	vshrl.u32 v41, v42  }
0xb0: {  	v59 =	vld [tilespmem:$0x7D0];
	[tilespmem:$0xB30] =	vst v1;
	v1 =	vand.u32 $0xFF, v2;
	v2 =	vshrl.u32 v43, v44  }
0xb1: {  	v3 =	vld [tilespmem:$0x7B0];
	[tilespmem:$0xB40] =	vst v1;
	v1 =	vand.u32 $0xFF, v2;
	v2 =	vshrl.u32 v45, v46  }
0xb2: {  	v60 =	vld [tilespmem:$0x9E0];
	[tilespmem:$0xB50] =	vst v1;
	v1 =	vand.u32 $0xFF, v2;
	v2 =	vshrl.u32 v47, v48  }
0xb3: {  	v61 =	vld [tilespmem:$0x7E0];
	[tilespmem:$0xB60] =	vst v1;
	v1 =	vand.u32 $0xFF, v2;
	v2 =	vshrl.u32 v49, v50  }
0xb4: {  	v62 =	vld [tilespmem:$0x9F0];
	[tilespmem:$0xB70] =	vst v1;
	v1 =	vand.u32 $0xFF, v2;
	v2 =	vshrl.u32 v51, v52  }
0xb5: {  	v63 =	vld [tilespmem:$0x7F0];
	[tilespmem:$0xB80] =	vst v1;
	v1 =	vand.u32 $0xFF, v2;
	v2 =	vshrl.u32 v53, v54  }
0xb6: {  	[tilespmem:$0xB90] =	vst v1;
	v1 =	vshrl.u32 v55, v3;
	v2 =	vand.u32 $0xFF, v2  }
0xb7: {  	[tilespmem:$0xBA0] =	vst v2;
	v2 =	vshrl.u32 v56, v57;
	v1 =	vand.u32 $0xFF, v1  }
0xb8: {  	[tilespmem:$0xBB0] =	vst v1;
	v1 =	vshrl.u32 v58, v59;
	v2 =	vand.u32 $0xFF, v2  }
0xb9: {  	[tilespmem:$0xBC0] =	vst v2;
	v2 =	vshrl.u32 v60, v61;
	v1 =	vand.u32 $0xFF, v1  }
0xba: {  	[tilespmem:$0xBD0] =	vst v1;
	v1 =	vand.u32 $0xFF, v2;
	v2 =	vshrl.u32 v62, v63  }
0xbb: {  	p0 =	sne.s32 s7, $0x1;
	[tilespmem:$0xBE0] =	vst v1;
	v1 =	vand.u32 $0xFF, v2  }
.Ltmp0:
0xbc: {  	[tilespmem:$0xBF0] =	vst v1;
	(pc) =	sbr.rel @p0 .LBB2_1-.Ltmp0, $4  }
0xbd: {  	[hbm4b:s6+s10] =	stream.strided.scatter [tilespmem:s19], [sflag:$0x2], $0x200, s8, s10, $0x38;
	[tilespmem:$0xC00] =	vst v63  }
0xbe: {  	_ =	swait.ge [sflag:s20], $0x200  }
0xbf: {  	[sflag:s20] =	ssyncset.done $0x0  }
0xc0: {  	s7 =	sadd.s32 $0xFFFFFFFF, s7;
	[sflag:s20] =	ssyncadd.s32 $0xFFFFFE00  }
0xc1: {  	_ =	sfence.sel $0x180000  }
0xc2: {  	[bflag:$0x0] =	sbarrier.arrive $0xFFFF  }
0xc3: {  	p0 =	sne.s32 s0, $0x0;
	_ =	strace $0x90000047  }
0xc4: {  	s0 =	sadd.s32 @!p0 $0x100000, s1;
	[bflag:$0x2] =	sbarrier.arrive $0xFFFF  }
0xc5: {  	[sflag:s0] =	ssyncadd.tile.s32 @!p0 $0x1;
	_ =	shalt  }
.Lfunc_end2:
_tile_overlayer_lowered:
.L_overlay_start_2:
0xc6: {  	(tag) =	ssettag $0x2  }
0xc7: {  	s0 =	rddreg [dreg:$0x0];
	s2 =	stileid.u32  }
0xc8: {  	s1 =	rddreg [dreg:$0x1];
	p0 =	sne.s32 s2, $0x0  }
0xc9: {  	s3 =	rddreg [dreg:$0x2];
	[bflag:$0x3] =	sbarrier.arrive $0xFFFF;
	s2 =	simm.s32 @!p0 $0x1C02  }
0xca: {  	[timem:s3], [sflag:s2] =	dma.local @!p0 [hbm:s0], s1  }
0xcb: {  	s0 =	simm.s32 @!p0 $0x2  }
0xcc: {  	_ =	swait.ge @!p0 [sflag:s0], s1  }
0xcd: {  	s1 =	ssub.s32 @!p0 $0x0, s1;
	[sflag:s0] =	ssyncset.done @!p0 $0x0  }
0xce: {  	[sflag:s0] =	ssyncadd.s32 @!p0 s1  }
0xcf: {  	[bflag:$0x3] =	sbarrier.arrive $0xFFFF  }
0xd0: {  	_ =	shalt  }

</sc_bundles>
